<compile_context>
chip_gen: v7x
topology: tpu7x:2x2x1
jax: 0.10.2.dev20260603
libtpu: 0.0.44.dev20260713+nightly
codegen_flags: <defaults>
</compile_context>

<pallas_src>
import functools
import jax
import jax.numpy as jnp
from jax import lax
from jax.experimental import pallas as pl
from jax.experimental.pallas import tpu as pltpu
from jax.experimental.pallas import tpu_sc as plsc

N_NODES = 10000
N_EDGES = 160000
D_IN = 256
D_OUT = 256
DH = 128

NC = 2
NS = 16
CHUNK = 128
EDGES_PER_TILE = N_EDGES // NS
NCH = -(-EDGES_PER_TILE // CHUNK)
NCH = NCH + (NCH % 2)
EPT_PAD = NCH * CHUNK

H_ROWS = N_NODES + 8

ROWS_PER_TILE = (N_NODES // NS) // 8 * 8
REM_ROWS = N_NODES - NS * ROWS_PER_TILE
ZCHUNK = 104

_mesh = plsc.VectorSubcoreMesh(core_axis_name="c", subcore_axis_name="s",
                               num_cores=NC, num_subcores=NS)


@functools.partial(
    pl.kernel,
    out_type=jax.ShapeDtypeStruct((NC, N_NODES, DH), jnp.float32),
    mesh=_mesh,
    compiler_params=pltpu.CompilerParams(use_tc_tiling_on_sc=False),
    scratch_types=[
        pltpu.VMEM((NCH, CHUNK), jnp.int32),
        [pltpu.VMEM((CHUNK,), jnp.int32)] * 4,
        [pltpu.VMEM((CHUNK, DH), jnp.float32)] * 2,
        pltpu.VMEM_SHARED((H_ROWS, DH), jnp.float32),
        [pltpu.SemaphoreType.DMA] * 3,
        [pltpu.SemaphoreType.DMA] * 4,
    ],
)
def _aggregate(x2_hbm, src_hbm, dst_hbm, out_hbm,
               dst2, sidx, rows, h_sh, gsem, isem):
    c = lax.axis_index("c")
    s = lax.axis_index("s")
    rows_a = rows[0]

    pltpu.async_copy(dst_hbm.at[s], dst2, gsem[2])

    def zrow(i, carry):
        for j in range(DH // 16):
            rows_a[i, pl.ds(j * 16, 16)] = jnp.zeros((16,), jnp.float32)
        return carry
    lax.fori_loop(0, ZCHUNK, zrow, 0)
    for k in range(ROWS_PER_TILE // ZCHUNK):
        pltpu.async_copy(
            rows_a.at[pl.ds(0, ZCHUNK)],
            h_sh.at[pl.ds(s * ROWS_PER_TILE + k * ZCHUNK, ZCHUNK)],
            gsem[0],
        )

    @pl.when(s == NS - 1)
    def _():
        pltpu.async_copy(rows_a.at[pl.ds(0, REM_ROWS)],
                         h_sh.at[pl.ds(NS * ROWS_PER_TILE, REM_ROWS)],
                         gsem[0])

    def idx_start(j, p):
        pltpu.async_copy(src_hbm.at[s].at[j], sidx[p], isem[p])

    def idx_wait(j, p):
        pltpu.make_async_copy(src_hbm.at[s].at[j], sidx[p], isem[p]).wait()
        for v in range(CHUNK // 16):
            t = sidx[p][pl.ds(v * 16, 16)]
            sidx[p][pl.ds(v * 16, 16)] = t * 2 + c

    def gather_start(p, q):
        pltpu.async_copy(x2_hbm.at[sidx[p]], rows[q], gsem[q])

    def gather_wait(p, q):
        pltpu.make_async_copy(x2_hbm.at[sidx[p]], rows[q], gsem[q]).wait()

    def scatter_add(j, q):
        pltpu.sync_copy(rows[q], h_sh.at[dst2.at[j]], add=True)

    for p in range(4):
        idx_start(p, p)
    idx_wait(0, 0)
    gather_start(0, 1)
    idx_wait(1, 1)
    for k in range(ROWS_PER_TILE // ZCHUNK):
        pltpu.make_async_copy(
            rows_a.at[pl.ds(0, ZCHUNK)],
            h_sh.at[pl.ds(s * ROWS_PER_TILE + k * ZCHUNK, ZCHUNK)],
            gsem[0],
        ).wait()

    @pl.when(s == NS - 1)
    def _():
        pltpu.make_async_copy(rows_a.at[pl.ds(0, REM_ROWS)],
                              h_sh.at[pl.ds(NS * ROWS_PER_TILE, REM_ROWS)],
                              gsem[0]).wait()
    pltpu.make_async_copy(dst_hbm.at[s], dst2, gsem[2]).wait()
    plsc.subcore_barrier()
    gather_start(1, 0)

    def quad(i, carry):
        jb = i * 4
        for u in range(4):
            k = jb + u
            gather_wait(u, (u + 1) % 2)
            idx_start(k + 4, u)
            scatter_add(k, (u + 1) % 2)
            idx_wait(k + 2, (u + 2) % 4)
            gather_start((u + 2) % 4, (u + 1) % 2)
        return carry
    lax.fori_loop(0, NCH // 4 - 1, quad, 0)

    jb = NCH - 4
    for u in range(4):
        k = jb + u
        gather_wait(u, (u + 1) % 2)
        scatter_add(k, (u + 1) % 2)
        if k + 2 < NCH:
            idx_wait(k + 2, (u + 2) % 4)
            gather_start((u + 2) % 4, (u + 1) % 2)

    plsc.subcore_barrier()

    pltpu.sync_copy(
        h_sh.at[pl.ds(s * ROWS_PER_TILE, ROWS_PER_TILE)],
        out_hbm.at[c].at[pl.ds(s * ROWS_PER_TILE, ROWS_PER_TILE)],
    )

    @pl.when(s == NS - 1)
    def _():
        pltpu.sync_copy(
            h_sh.at[pl.ds(NS * ROWS_PER_TILE, REM_ROWS)],
            out_hbm.at[c].at[pl.ds(NS * ROWS_PER_TILE, REM_ROWS)],
        )


_BLK = 1000


def _linear_body(h0_ref, h1_ref, w0_ref, w1_ref, b_ref, out_ref):
    dn = (((1,), (1,)), ((), ()))
    acc = lax.dot_general(h0_ref[...], w0_ref[...], dn,
                          preferred_element_type=jnp.float32)
    acc = acc + lax.dot_general(h1_ref[...], w1_ref[...], dn,
                                preferred_element_type=jnp.float32)
    out_ref[...] = acc + b_ref[...]


def _linear(h0, h1, w0, w1, b2):
    return pl.pallas_call(
        _linear_body,
        grid=(N_NODES // _BLK,),
        in_specs=[
            pl.BlockSpec((_BLK, DH), lambda i: (i, 0)),
            pl.BlockSpec((_BLK, DH), lambda i: (i, 0)),
            pl.BlockSpec((D_OUT, DH), lambda i: (0, 0)),
            pl.BlockSpec((D_OUT, DH), lambda i: (0, 0)),
            pl.BlockSpec((1, D_OUT), lambda i: (0, 0)),
        ],
        out_specs=pl.BlockSpec((_BLK, D_OUT), lambda i: (i, 0)),
        out_shape=jax.ShapeDtypeStruct((N_NODES, D_OUT), jnp.float32),
    )(h0, h1, w0, w1, b2)


@jax.jit
def kernel(x, edge_index, W, b):
    src = edge_index[0].astype(jnp.int32).reshape(NS, EDGES_PER_TILE)
    dst = edge_index[1].astype(jnp.int32).reshape(NS, EDGES_PER_TILE)
    pad = EPT_PAD - EDGES_PER_TILE
    src = jnp.pad(src, ((0, 0), (0, pad))).reshape(NS, NCH, CHUNK)
    dst = jnp.pad(dst, ((0, 0), (0, pad)),
                  constant_values=N_NODES).reshape(NS, NCH, CHUNK)
    xf = x.reshape(N_NODES * NC, DH)
    h2 = _aggregate(xf, src, dst)
    return _linear(h2[0], h2[1], W[:, :DH], W[:, DH:], b.reshape(1, D_OUT))

# --- scband reference (transcript-rebuilt; emitter-appended) ---
"""Pipeline reference for scband-gcn-56126632624664 (READ-ONLY COPY).

The authoritative reference and input builder live on the scoring server;
editing this copy changes nothing except your own understanding.
"""

import jax, jax.numpy as jnp
import numpy as np

N_NODES = 10000
N_EDGES = 160000
D_IN = 256
D_OUT = 256


def setup_inputs(seed: int = 0) -> dict:
    key = jax.random.key(seed)
    k1, k2, k3, k4 = jax.random.split(key, 4)
    x = jax.random.normal(k1, (N_NODES, D_IN), dtype=jnp.float32)
    edge_index = jax.random.randint(k2, (2, N_EDGES), 0, N_NODES, dtype=jnp.int64)
    # nn.Linear(in_feats, out_feats): W has shape [out, in], b has shape [out]
    bound = 1.0 / np.sqrt(D_IN)
    W = jax.random.uniform(k3, (D_OUT, D_IN), minval=-bound, maxval=bound, dtype=jnp.float32)
    b = jax.random.uniform(k4, (D_OUT,), minval=-bound, maxval=bound, dtype=jnp.float32)
    return {"x": x, "edge_index": edge_index, "W": W, "b": b}


def reference(x, edge_index, W, b):
    # DGL update_all(copy_src('h','m'), sum('m','h')):
    # each edge copies the source node feature, destination nodes sum incoming messages.
    src = edge_index[0]
    dst = edge_index[1]
    msgs = jnp.take(x, src, axis=0)                      # gather: [E, D_IN]
    h = jax.ops.segment_sum(msgs, dst, num_segments=x.shape[0])  # scatter-add: [N, D_IN]
    # linear layer
    out = h @ W.T + b                                    # [N, D_OUT]
    return out

if __name__ == "__main__":
    import jax
    _d = setup_inputs()
    print(jax.jit(kernel)(*tuple(_d.values())))

</pallas_src>

<mosaic_0001>
#map = affine_map<(d0, d1) -> (0, 0)>
#map1 = affine_map<(d0, d1) -> (0, 0, 0)>
module attributes {stable_mosaic.version = 14 : i64} {
  func.func @_aggregate(%arg0: i32, %arg1: i32, %arg2: memref<20000x128xf32, #tpu.memory_space<hbm>>, %arg3: memref<16x80x128xi32, #tpu.memory_space<hbm>>, %arg4: memref<16x80x128xi32, #tpu.memory_space<hbm>>, %arg5: memref<2x10000x128xf32, #tpu.memory_space<hbm>>, %arg6: memref<80x128xi32, #tpu.memory_space<vmem>>, %arg7: memref<128xi32, #tpu.memory_space<vmem>>, %arg8: memref<128xi32, #tpu.memory_space<vmem>>, %arg9: memref<128xi32, #tpu.memory_space<vmem>>, %arg10: memref<128xi32, #tpu.memory_space<vmem>>, %arg11: memref<128x128xf32, #tpu.memory_space<vmem>>, %arg12: memref<128x128xf32, #tpu.memory_space<vmem>>, %arg13: memref<10008x128xf32, #tpu.memory_space<vmem_shared>>, %arg14: memref<!tpu.dma_semaphore, #tpu.memory_space<semaphore_mem>>, %arg15: memref<!tpu.dma_semaphore, #tpu.memory_space<semaphore_mem>>, %arg16: memref<!tpu.dma_semaphore, #tpu.memory_space<semaphore_mem>>, %arg17: memref<!tpu.dma_semaphore, #tpu.memory_space<semaphore_mem>>, %arg18: memref<!tpu.dma_semaphore, #tpu.memory_space<semaphore_mem>>, %arg19: memref<!tpu.dma_semaphore, #tpu.memory_space<semaphore_mem>>, %arg20: memref<!tpu.dma_semaphore, #tpu.memory_space<semaphore_mem>>) attributes {dimension_semantics = [#tpu.dimension_semantics<core_parallel>, #tpu.dimension_semantics<subcore_parallel>], iteration_bounds = array<i64: 2, 16>, scalar_prefetch = 0 : i64, scratch_operands = 15 : i64, tpu.core_type = #tpu.core_type<sc_vector_subcore>, window_params = [{transform_indices = #map}, {transform_indices = #map1}, {transform_indices = #map1}, {transform_indices = #map1}]} {
    %dma_start3A = arith.constant 0 : i32
    %dma_start3A_0 = arith.constant 0 : i32
    %dma_start3A_1 = tpu.memref_slice %arg4[%arg1, %dma_start3A, %dma_start3A_0] : memref<16x80x128xi32, #tpu.memory_space<hbm>> -> memref<1x80x128xi32, #tpu.memory_space<hbm>>
    %dma_start3A_2 = tpu.memref_squeeze %dma_start3A_1 : memref<1x80x128xi32, #tpu.memory_space<hbm>> -> memref<80x128xi32, #tpu.memory_space<hbm>>
    %dma_start3A_3 = arith.constant 0 : i32
    %dma_start3A_4 = arith.constant 0 : i32
    %dma_start3A_5 = tpu.memref_slice %arg4[%arg1, %dma_start3A_3, %dma_start3A_4] : memref<16x80x128xi32, #tpu.memory_space<hbm>> -> memref<1x80x128xi32, #tpu.memory_space<hbm>>
    %dma_start3A_6 = tpu.memref_squeeze %dma_start3A_5 : memref<1x80x128xi32, #tpu.memory_space<hbm>> -> memref<80x128xi32, #tpu.memory_space<hbm>>
    tpu.enqueue_dma source(%dma_start3A_6 : memref<80x128xi32, #tpu.memory_space<hbm>>) target(%arg6 : memref<80x128xi32, #tpu.memory_space<vmem>>) target_semaphore(%arg16 : memref<!tpu.dma_semaphore, #tpu.memory_space<semaphore_mem>>)
    %scan3A = arith.constant 0 : i32
    %scan3A_7 = arith.constant 0 : i32
    %scan3A_8 = arith.constant 104 : i32
    %scan3A_9 = arith.addi %scan3A_7, %scan3A_8 : i32
    %scan3A_10 = arith.constant 1 : i32
    scf.for %scan3A_737 = %scan3A_7 to %scan3A_9 step %scan3A_10  : i32 {
      %broadcast_in_dim3A = arith.constant 0.000000e+00 : f32
      %broadcast_in_dim3A_738 = vector.broadcast %broadcast_in_dim3A : f32 to vector<16xf32>
      %swap3A_739 = arith.index_cast %scan3A_737 : i32 to index
      %swap3A_740 = arith.constant 0 : index
      %swap3A_741 = tpu.vector_load %arg11[%swap3A_739, %swap3A_740] {strides = array<i32>} : memref<128x128xf32, #tpu.memory_space<vmem>>, vector<1x16xf32>,
      %swap3A_742 = vector.shape_cast %swap3A_741 : vector<1x16xf32> to vector<16xf32>
      %swap3A_743 = vector.shape_cast %broadcast_in_dim3A_738 : vector<16xf32> to vector<1x16xf32>
      tpu.vector_store %arg11[%swap3A_739, %swap3A_740], %swap3A_743 {strides = array<i32>} : memref<128x128xf32, #tpu.memory_space<vmem>>, vector<1x16xf32>,
      %broadcast_in_dim3A_744 = arith.constant 0.000000e+00 : f32
      %broadcast_in_dim3A_745 = vector.broadcast %broadcast_in_dim3A_744 : f32 to vector<16xf32>
      %swap3A_746 = arith.index_cast %scan3A_737 : i32 to index
      %swap3A_747 = arith.constant 16 : index
      %swap3A_748 = tpu.vector_load %arg11[%swap3A_746, %swap3A_747] {strides = array<i32>} : memref<128x128xf32, #tpu.memory_space<vmem>>, vector<1x16xf32>,
      %swap3A_749 = vector.shape_cast %swap3A_748 : vector<1x16xf32> to vector<16xf32>
      %swap3A_750 = vector.shape_cast %broadcast_in_dim3A_745 : vector<16xf32> to vector<1x16xf32>
      tpu.vector_store %arg11[%swap3A_746, %swap3A_747], %swap3A_750 {strides = array<i32>} : memref<128x128xf32, #tpu.memory_space<vmem>>, vector<1x16xf32>,
      %broadcast_in_dim3A_751 = arith.constant 0.000000e+00 : f32
      %broadcast_in_dim3A_752 = vector.broadcast %broadcast_in_dim3A_751 : f32 to vector<16xf32>
      %swap3A_753 = arith.index_cast %scan3A_737 : i32 to index
      %swap3A_754 = arith.constant 32 : index
      %swap3A_755 = tpu.vector_load %arg11[%swap3A_753, %swap3A_754] {strides = array<i32>} : memref<128x128xf32, #tpu.memory_space<vmem>>, vector<1x16xf32>,
      %swap3A_756 = vector.shape_cast %swap3A_755 : vector<1x16xf32> to vector<16xf32>
      %swap3A_757 = vector.shape_cast %broadcast_in_dim3A_752 : vector<16xf32> to vector<1x16xf32>
      tpu.vector_store %arg11[%swap3A_753, %swap3A_754], %swap3A_757 {strides = array<i32>} : memref<128x128xf32, #tpu.memory_space<vmem>>, vector<1x16xf32>,
      %broadcast_in_dim3A_758 = arith.constant 0.000000e+00 : f32
      %broadcast_in_dim3A_759 = vector.broadcast %broadcast_in_dim3A_758 : f32 to vector<16xf32>
      %swap3A_760 = arith.index_cast %scan3A_737 : i32 to index
      %swap3A_761 = arith.constant 48 : index
      %swap3A_762 = tpu.vector_load %arg11[%swap3A_760, %swap3A_761] {strides = array<i32>} : memref<128x128xf32, #tpu.memory_space<vmem>>, vector<1x16xf32>,
      %swap3A_763 = vector.shape_cast %swap3A_762 : vector<1x16xf32> to vector<16xf32>
      %swap3A_764 = vector.shape_cast %broadcast_in_dim3A_759 : vector<16xf32> to vector<1x16xf32>
      tpu.vector_store %arg11[%swap3A_760, %swap3A_761], %swap3A_764 {strides = array<i32>} : memref<128x128xf32, #tpu.memory_space<vmem>>, vector<1x16xf32>,
      %broadcast_in_dim3A_765 = arith.constant 0.000000e+00 : f32
      %broadcast_in_dim3A_766 = vector.broadcast %broadcast_in_dim3A_765 : f32 to vector<16xf32>
      %swap3A_767 = arith.index_cast %scan3A_737 : i32 to index
      %swap3A_768 = arith.constant 64 : index
      %swap3A_769 = tpu.vector_load %arg11[%swap3A_767, %swap3A_768] {strides = array<i32>} : memref<128x128xf32, #tpu.memory_space<vmem>>, vector<1x16xf32>,
      %swap3A_770 = vector.shape_cast %swap3A_769 : vector<1x16xf32> to vector<16xf32>
      %swap3A_771 = vector.shape_cast %broadcast_in_dim3A_766 : vector<16xf32> to vector<1x16xf32>
      tpu.vector_store %arg11[%swap3A_767, %swap3A_768], %swap3A_771 {strides = array<i32>} : memref<128x128xf32, #tpu.memory_space<vmem>>, vector<1x16xf32>,
      %broadcast_in_dim3A_772 = arith.constant 0.000000e+00 : f32
      %broadcast_in_dim3A_773 = vector.broadcast %broadcast_in_dim3A_772 : f32 to vector<16xf32>
      %swap3A_774 = arith.index_cast %scan3A_737 : i32 to index
      %swap3A_775 = arith.constant 80 : index
      %swap3A_776 = tpu.vector_load %arg11[%swap3A_774, %swap3A_775] {strides = array<i32>} : memref<128x128xf32, #tpu.memory_space<vmem>>, vector<1x16xf32>,
      %swap3A_777 = vector.shape_cast %swap3A_776 : vector<1x16xf32> to vector<16xf32>
      %swap3A_778 = vector.shape_cast %broadcast_in_dim3A_773 : vector<16xf32> to vector<1x16xf32>
      tpu.vector_store %arg11[%swap3A_774, %swap3A_775], %swap3A_778 {strides = array<i32>} : memref<128x128xf32, #tpu.memory_space<vmem>>, vector<1x16xf32>,
      %broadcast_in_dim3A_779 = arith.constant 0.000000e+00 : f32
      %broadcast_in_dim3A_780 = vector.broadcast %broadcast_in_dim3A_779 : f32 to vector<16xf32>
      %swap3A_781 = arith.index_cast %scan3A_737 : i32 to index
      %swap3A_782 = arith.constant 96 : index
      %swap3A_783 = tpu.vector_load %arg11[%swap3A_781, %swap3A_782] {strides = array<i32>} : memref<128x128xf32, #tpu.memory_space<vmem>>, vector<1x16xf32>,
      %swap3A_784 = vector.shape_cast %swap3A_783 : vector<1x16xf32> to vector<16xf32>
      %swap3A_785 = vector.shape_cast %broadcast_in_dim3A_780 : vector<16xf32> to vector<1x16xf32>
      tpu.vector_store %arg11[%swap3A_781, %swap3A_782], %swap3A_785 {strides = array<i32>} : memref<128x128xf32, #tpu.memory_space<vmem>>, vector<1x16xf32>,
      %broadcast_in_dim3A_786 = arith.constant 0.000000e+00 : f32
      %broadcast_in_dim3A_787 = vector.broadcast %broadcast_in_dim3A_786 : f32 to vector<16xf32>
      %swap3A_788 = arith.index_cast %scan3A_737 : i32 to index
      %swap3A_789 = arith.constant 112 : index
      %swap3A_790 = tpu.vector_load %arg11[%swap3A_788, %swap3A_789] {strides = array<i32>} : memref<128x128xf32, #tpu.memory_space<vmem>>, vector<1x16xf32>,
      %swap3A_791 = vector.shape_cast %swap3A_790 : vector<1x16xf32> to vector<16xf32>
      %swap3A_792 = vector.shape_cast %broadcast_in_dim3A_787 : vector<16xf32> to vector<1x16xf32>
      tpu.vector_store %arg11[%swap3A_788, %swap3A_789], %swap3A_792 {strides = array<i32>} : memref<128x128xf32, #tpu.memory_space<vmem>>, vector<1x16xf32>,
    }
    %scan3A_11 = arith.constant 104 : i32
    %mul3A = arith.constant 624 : i32
    %mul3A_12 = arith.muli %arg1, %mul3A : i32
    %add3A = arith.constant 0 : i32
    %add3A_13 = arith.addi %mul3A_12, %add3A : i32
    %dma_start3A_14 = arith.constant 0 : i32
    %dma_start3A_15 = arith.constant 0 : i32
    %dma_start3A_16 = tpu.memref_slice %arg11[%dma_start3A_14, %dma_start3A_15] : memref<128x128xf32, #tpu.memory_space<vmem>> -> memref<104x128xf32, #tpu.memory_space<vmem>>
    %dma_start3A_17 = arith.constant 0 : i32
    %dma_start3A_18 = tpu.memref_slice %arg13[%add3A_13, %dma_start3A_17] : memref<10008x128xf32, #tpu.memory_space<vmem_shared>> -> memref<104x128xf32, #tpu.memory_space<vmem_shared>>
    %dma_start3A_19 = arith.constant 0 : i32
    %dma_start3A_20 = tpu.memref_slice %arg13[%add3A_13, %dma_start3A_19] : memref<10008x128xf32, #tpu.memory_space<vmem_shared>> -> memref<104x128xf32, #tpu.memory_space<vmem_shared>>
    %dma_start3A_21 = arith.constant 0 : i32
    %dma_start3A_22 = arith.constant 0 : i32
    %dma_start3A_23 = tpu.memref_slice %arg11[%dma_start3A_21, %dma_start3A_22] : memref<128x128xf32, #tpu.memory_space<vmem>> -> memref<104x128xf32, #tpu.memory_space<vmem>>
    tpu.enqueue_dma source(%dma_start3A_23 : memref<104x128xf32, #tpu.memory_space<vmem>>) target(%dma_start3A_20 : memref<104x128xf32, #tpu.memory_space<vmem_shared>>) target_semaphore(%arg14 : memref<!tpu.dma_semaphore, #tpu.memory_space<semaphore_mem>>)
    %mul3A_24 = arith.constant 624 : i32
    %mul3A_25 = arith.muli %arg1, %mul3A_24 : i32
    %add3A_26 = arith.constant 104 : i32
    %add3A_27 = arith.addi %mul3A_25, %add3A_26 : i32
    %dma_start3A_28 = arith.constant 0 : i32
    %dma_start3A_29 = arith.constant 0 : i32
    %dma_start3A_30 = tpu.memref_slice %arg11[%dma_start3A_28, %dma_start3A_29] : memref<128x128xf32, #tpu.memory_space<vmem>> -> memref<104x128xf32, #tpu.memory_space<vmem>>
    %dma_start3A_31 = arith.constant 0 : i32
    %dma_start3A_32 = tpu.memref_slice %arg13[%add3A_27, %dma_start3A_31] : memref<10008x128xf32, #tpu.memory_space<vmem_shared>> -> memref<104x128xf32, #tpu.memory_space<vmem_shared>>
    %dma_start3A_33 = arith.constant 0 : i32
    %dma_start3A_34 = tpu.memref_slice %arg13[%add3A_27, %dma_start3A_33] : memref<10008x128xf32, #tpu.memory_space<vmem_shared>> -> memref<104x128xf32, #tpu.memory_space<vmem_shared>>
    %dma_start3A_35 = arith.constant 0 : i32
    %dma_start3A_36 = arith.constant 0 : i32
    %dma_start3A_37 = tpu.memref_slice %arg11[%dma_start3A_35, %dma_start3A_36] : memref<128x128xf32, #tpu.memory_space<vmem>> -> memref<104x128xf32, #tpu.memory_space<vmem>>
    tpu.enqueue_dma source(%dma_start3A_37 : memref<104x128xf32, #tpu.memory_space<vmem>>) target(%dma_start3A_34 : memref<104x128xf32, #tpu.memory_space<vmem_shared>>) target_semaphore(%arg14 : memref<!tpu.dma_semaphore, #tpu.memory_space<semaphore_mem>>)
    %mul3A_38 = arith.constant 624 : i32
    %mul3A_39 = arith.muli %arg1, %mul3A_38 : i32
    %add3A_40 = arith.constant 208 : i32
    %add3A_41 = arith.addi %mul3A_39, %add3A_40 : i32
    %dma_start3A_42 = arith.constant 0 : i32
    %dma_start3A_43 = arith.constant 0 : i32
    %dma_start3A_44 = tpu.memref_slice %arg11[%dma_start3A_42, %dma_start3A_43] : memref<128x128xf32, #tpu.memory_space<vmem>> -> memref<104x128xf32, #tpu.memory_space<vmem>>
    %dma_start3A_45 = arith.constant 0 : i32
    %dma_start3A_46 = tpu.memref_slice %arg13[%add3A_41, %dma_start3A_45] : memref<10008x128xf32, #tpu.memory_space<vmem_shared>> -> memref<104x128xf32, #tpu.memory_space<vmem_shared>>
    %dma_start3A_47 = arith.constant 0 : i32
    %dma_start3A_48 = tpu.memref_slice %arg13[%add3A_41, %dma_start3A_47] : memref<10008x128xf32, #tpu.memory_space<vmem_shared>> -> memref<104x128xf32, #tpu.memory_space<vmem_shared>>
    %dma_start3A_49 = arith.constant 0 : i32
    %dma_start3A_50 = arith.constant 0 : i32
    %dma_start3A_51 = tpu.memref_slice %arg11[%dma_start3A_49, %dma_start3A_50] : memref<128x128xf32, #tpu.memory_space<vmem>> -> memref<104x128xf32, #tpu.memory_space<vmem>>
    tpu.enqueue_dma source(%dma_start3A_51 : memref<104x128xf32, #tpu.memory_space<vmem>>) target(%dma_start3A_48 : memref<104x128xf32, #tpu.memory_space<vmem_shared>>) target_semaphore(%arg14 : memref<!tpu.dma_semaphore, #tpu.memory_space<semaphore_mem>>)
    %mul3A_52 = arith.constant 624 : i32
    %mul3A_53 = arith.muli %arg1, %mul3A_52 : i32
    %add3A_54 = arith.constant 312 : i32
    %add3A_55 = arith.addi %mul3A_53, %add3A_54 : i32
    %dma_start3A_56 = arith.constant 0 : i32
    %dma_start3A_57 = arith.constant 0 : i32
    %dma_start3A_58 = tpu.memref_slice %arg11[%dma_start3A_56, %dma_start3A_57] : memref<128x128xf32, #tpu.memory_space<vmem>> -> memref<104x128xf32, #tpu.memory_space<vmem>>
    %dma_start3A_59 = arith.constant 0 : i32
    %dma_start3A_60 = tpu.memref_slice %arg13[%add3A_55, %dma_start3A_59] : memref<10008x128xf32, #tpu.memory_space<vmem_shared>> -> memref<104x128xf32, #tpu.memory_space<vmem_shared>>
    %dma_start3A_61 = arith.constant 0 : i32
    %dma_start3A_62 = tpu.memref_slice %arg13[%add3A_55, %dma_start3A_61] : memref<10008x128xf32, #tpu.memory_space<vmem_shared>> -> memref<104x128xf32, #tpu.memory_space<vmem_shared>>
    %dma_start3A_63 = arith.constant 0 : i32
    %dma_start3A_64 = arith.constant 0 : i32
    %dma_start3A_65 = tpu.memref_slice %arg11[%dma_start3A_63, %dma_start3A_64] : memref<128x128xf32, #tpu.memory_space<vmem>> -> memref<104x128xf32, #tpu.memory_space<vmem>>
    tpu.enqueue_dma source(%dma_start3A_65 : memref<104x128xf32, #tpu.memory_space<vmem>>) target(%dma_start3A_62 : memref<104x128xf32, #tpu.memory_space<vmem_shared>>) target_semaphore(%arg14 : memref<!tpu.dma_semaphore, #tpu.memory_space<semaphore_mem>>)
    %mul3A_66 = arith.constant 624 : i32
    %mul3A_67 = arith.muli %arg1, %mul3A_66 : i32
    %add3A_68 = arith.constant 416 : i32
    %add3A_69 = arith.addi %mul3A_67, %add3A_68 : i32
    %dma_start3A_70 = arith.constant 0 : i32
    %dma_start3A_71 = arith.constant 0 : i32
    %dma_start3A_72 = tpu.memref_slice %arg11[%dma_start3A_70, %dma_start3A_71] : memref<128x128xf32, #tpu.memory_space<vmem>> -> memref<104x128xf32, #tpu.memory_space<vmem>>
    %dma_start3A_73 = arith.constant 0 : i32
    %dma_start3A_74 = tpu.memref_slice %arg13[%add3A_69, %dma_start3A_73] : memref<10008x128xf32, #tpu.memory_space<vmem_shared>> -> memref<104x128xf32, #tpu.memory_space<vmem_shared>>
    %dma_start3A_75 = arith.constant 0 : i32
    %dma_start3A_76 = tpu.memref_slice %arg13[%add3A_69, %dma_start3A_75] : memref<10008x128xf32, #tpu.memory_space<vmem_shared>> -> memref<104x128xf32, #tpu.memory_space<vmem_shared>>
    %dma_start3A_77 = arith.constant 0 : i32
    %dma_start3A_78 = arith.constant 0 : i32
    %dma_start3A_79 = tpu.memref_slice %arg11[%dma_start3A_77, %dma_start3A_78] : memref<128x128xf32, #tpu.memory_space<vmem>> -> memref<104x128xf32, #tpu.memory_space<vmem>>
    tpu.enqueue_dma source(%dma_start3A_79 : memref<104x128xf32, #tpu.memory_space<vmem>>) target(%dma_start3A_76 : memref<104x128xf32, #tpu.memory_space<vmem_shared>>) target_semaphore(%arg14 : memref<!tpu.dma_semaphore, #tpu.memory_space<semaphore_mem>>)
    %mul3A_80 = arith.constant 624 : i32
    %mul3A_81 = arith.muli %arg1, %mul3A_80 : i32
    %add3A_82 = arith.constant 520 : i32
    %add3A_83 = arith.addi %mul3A_81, %add3A_82 : i32
    %dma_start3A_84 = arith.constant 0 : i32
    %dma_start3A_85 = arith.constant 0 : i32
    %dma_start3A_86 = tpu.memref_slice %arg11[%dma_start3A_84, %dma_start3A_85] : memref<128x128xf32, #tpu.memory_space<vmem>> -> memref<104x128xf32, #tpu.memory_space<vmem>>
    %dma_start3A_87 = arith.constant 0 : i32
    %dma_start3A_88 = tpu.memref_slice %arg13[%add3A_83, %dma_start3A_87] : memref<10008x128xf32, #tpu.memory_space<vmem_shared>> -> memref<104x128xf32, #tpu.memory_space<vmem_shared>>
    %dma_start3A_89 = arith.constant 0 : i32
    %dma_start3A_90 = tpu.memref_slice %arg13[%add3A_83, %dma_start3A_89] : memref<10008x128xf32, #tpu.memory_space<vmem_shared>> -> memref<104x128xf32, #tpu.memory_space<vmem_shared>>
    %dma_start3A_91 = arith.constant 0 : i32
    %dma_start3A_92 = arith.constant 0 : i32
    %dma_start3A_93 = tpu.memref_slice %arg11[%dma_start3A_91, %dma_start3A_92] : memref<128x128xf32, #tpu.memory_space<vmem>> -> memref<104x128xf32, #tpu.memory_space<vmem>>
    tpu.enqueue_dma source(%dma_start3A_93 : memref<104x128xf32, #tpu.memory_space<vmem>>) target(%dma_start3A_90 : memref<104x128xf32, #tpu.memory_space<vmem_shared>>) target_semaphore(%arg14 : memref<!tpu.dma_semaphore, #tpu.memory_space<semaphore_mem>>)
    %eq3A = arith.constant 15 : i32
    %eq3A_94 = arith.cmpi eq, %arg1, %eq3A : i32
    %convert_element_type3A = arith.extui %eq3A_94 : i1 to i32
    %cond3A = arith.constant 0 : i32
    %cond3A_95 = arith.cmpi ne, %convert_element_type3A, %cond3A : i32
    scf.if %cond3A_95 {
      %dma_start3A_737 = arith.constant 0 : i32
      %dma_start3A_738 = arith.constant 0 : i32
      %dma_start3A_739 = tpu.memref_slice %arg11[%dma_start3A_737, %dma_start3A_738] : memref<128x128xf32, #tpu.memory_space<vmem>> -> memref<16x128xf32, #tpu.memory_space<vmem>>
      %dma_start3A_740 = arith.constant 9984 : i32
      %dma_start3A_741 = arith.constant 0 : i32
      %dma_start3A_742 = tpu.memref_slice %arg13[%dma_start3A_740, %dma_start3A_741] : memref<10008x128xf32, #tpu.memory_space<vmem_shared>> -> memref<16x128xf32, #tpu.memory_space<vmem_shared>>
      %dma_start3A_743 = arith.constant 9984 : i32
      %dma_start3A_744 = arith.constant 0 : i32
      %dma_start3A_745 = tpu.memref_slice %arg13[%dma_start3A_743, %dma_start3A_744] : memref<10008x128xf32, #tpu.memory_space<vmem_shared>> -> memref<16x128xf32, #tpu.memory_space<vmem_shared>>
      %dma_start3A_746 = arith.constant 0 : i32
      %dma_start3A_747 = arith.constant 0 : i32
      %dma_start3A_748 = tpu.memref_slice %arg11[%dma_start3A_746, %dma_start3A_747] : memref<128x128xf32, #tpu.memory_space<vmem>> -> memref<16x128xf32, #tpu.memory_space<vmem>>
      tpu.enqueue_dma source(%dma_start3A_748 : memref<16x128xf32, #tpu.memory_space<vmem>>) target(%dma_start3A_745 : memref<16x128xf32, #tpu.memory_space<vmem_shared>>) target_semaphore(%arg14 : memref<!tpu.dma_semaphore, #tpu.memory_space<semaphore_mem>>)
    } else {
    }
    %dma_start3A_96 = arith.constant 0 : i32
    %dma_start3A_97 = arith.constant 0 : i32
    %dma_start3A_98 = arith.constant 0 : i32
    %dma_start3A_99 = tpu.memref_slice %arg3[%arg1, %dma_start3A_97, %dma_start3A_98] : memref<16x80x128xi32, #tpu.memory_space<hbm>> -> memref<1x80x128xi32, #tpu.memory_space<hbm>>
    %dma_start3A_100 = tpu.memref_squeeze %dma_start3A_99 : memref<1x80x128xi32, #tpu.memory_space<hbm>> -> memref<80x128xi32, #tpu.memory_space<hbm>>
    %dma_start3A_101 = arith.constant 0 : i32
    %dma_start3A_102 = tpu.memref_slice %dma_start3A_100[%dma_start3A_96, %dma_start3A_101] : memref<80x128xi32, #tpu.memory_space<hbm>> -> memref<1x128xi32, #tpu.memory_space<hbm>>
    %dma_start3A_103 = tpu.memref_squeeze %dma_start3A_102 : memref<1x128xi32, #tpu.memory_space<hbm>> -> memref<128xi32, #tpu.memory_space<hbm>>
    %dma_start3A_104 = arith.constant 0 : i32
    %dma_start3A_105 = arith.constant 0 : i32
    %dma_start3A_106 = tpu.memref_slice %arg3[%arg1, %dma_start3A_104, %dma_start3A_105] : memref<16x80x128xi32, #tpu.memory_space<hbm>> -> memref<1x80x128xi32, #tpu.memory_space<hbm>>
    %dma_start3A_107 = tpu.memref_squeeze %dma_start3A_106 : memref<1x80x128xi32, #tpu.memory_space<hbm>> -> memref<80x128xi32, #tpu.memory_space<hbm>>
    %dma_start3A_108 = arith.constant 0 : i32
    %dma_start3A_109 = tpu.memref_slice %dma_start3A_107[%dma_start3A_96, %dma_start3A_108] : memref<80x128xi32, #tpu.memory_space<hbm>> -> memref<1x128xi32, #tpu.memory_space<hbm>>
    %dma_start3A_110 = tpu.memref_squeeze %dma_start3A_109 : memref<1x128xi32, #tpu.memory_space<hbm>> -> memref<128xi32, #tpu.memory_space<hbm>>
    tpu.enqueue_dma source(%dma_start3A_110 : memref<128xi32, #tpu.memory_space<hbm>>) target(%arg7 : memref<128xi32, #tpu.memory_space<vmem>>) target_semaphore(%arg17 : memref<!tpu.dma_semaphore, #tpu.memory_space<semaphore_mem>>)
    %dma_start3A_111 = arith.constant 1 : i32
    %dma_start3A_112 = arith.constant 0 : i32
    %dma_start3A_113 = arith.constant 0 : i32
    %dma_start3A_114 = tpu.memref_slice %arg3[%arg1, %dma_start3A_112, %dma_start3A_113] : memref<16x80x128xi32, #tpu.memory_space<hbm>> -> memref<1x80x128xi32, #tpu.memory_space<hbm>>
    %dma_start3A_115 = tpu.memref_squeeze %dma_start3A_114 : memref<1x80x128xi32, #tpu.memory_space<hbm>> -> memref<80x128xi32, #tpu.memory_space<hbm>>
    %dma_start3A_116 = arith.constant 0 : i32
    %dma_start3A_117 = tpu.memref_slice %dma_start3A_115[%dma_start3A_111, %dma_start3A_116] : memref<80x128xi32, #tpu.memory_space<hbm>> -> memref<1x128xi32, #tpu.memory_space<hbm>>
    %dma_start3A_118 = tpu.memref_squeeze %dma_start3A_117 : memref<1x128xi32, #tpu.memory_space<hbm>> -> memref<128xi32, #tpu.memory_space<hbm>>
    %dma_start3A_119 = arith.constant 0 : i32
    %dma_start3A_120 = arith.constant 0 : i32
    %dma_start3A_121 = tpu.memref_slice %arg3[%arg1, %dma_start3A_119, %dma_start3A_120] : memref<16x80x128xi32, #tpu.memory_space<hbm>> -> memref<1x80x128xi32, #tpu.memory_space<hbm>>
    %dma_start3A_122 = tpu.memref_squeeze %dma_start3A_121 : memref<1x80x128xi32, #tpu.memory_space<hbm>> -> memref<80x128xi32, #tpu.memory_space<hbm>>
    %dma_start3A_123 = arith.constant 0 : i32
    %dma_start3A_124 = tpu.memref_slice %dma_start3A_122[%dma_start3A_111, %dma_start3A_123] : memref<80x128xi32, #tpu.memory_space<hbm>> -> memref<1x128xi32, #tpu.memory_space<hbm>>
    %dma_start3A_125 = tpu.memref_squeeze %dma_start3A_124 : memref<1x128xi32, #tpu.memory_space<hbm>> -> memref<128xi32, #tpu.memory_space<hbm>>
    tpu.enqueue_dma source(%dma_start3A_125 : memref<128xi32, #tpu.memory_space<hbm>>) target(%arg8 : memref<128xi32, #tpu.memory_space<vmem>>) target_semaphore(%arg18 : memref<!tpu.dma_semaphore, #tpu.memory_space<semaphore_mem>>)
    %dma_start3A_126 = arith.constant 2 : i32
    %dma_start3A_127 = arith.constant 0 : i32
    %dma_start3A_128 = arith.constant 0 : i32
    %dma_start3A_129 = tpu.memref_slice %arg3[%arg1, %dma_start3A_127, %dma_start3A_128] : memref<16x80x128xi32, #tpu.memory_space<hbm>> -> memref<1x80x128xi32, #tpu.memory_space<hbm>>
    %dma_start3A_130 = tpu.memref_squeeze %dma_start3A_129 : memref<1x80x128xi32, #tpu.memory_space<hbm>> -> memref<80x128xi32, #tpu.memory_space<hbm>>
    %dma_start3A_131 = arith.constant 0 : i32
    %dma_start3A_132 = tpu.memref_slice %dma_start3A_130[%dma_start3A_126, %dma_start3A_131] : memref<80x128xi32, #tpu.memory_space<hbm>> -> memref<1x128xi32, #tpu.memory_space<hbm>>
    %dma_start3A_133 = tpu.memref_squeeze %dma_start3A_132 : memref<1x128xi32, #tpu.memory_space<hbm>> -> memref<128xi32, #tpu.memory_space<hbm>>
    %dma_start3A_134 = arith.constant 0 : i32
    %dma_start3A_135 = arith.constant 0 : i32
    %dma_start3A_136 = tpu.memref_slice %arg3[%arg1, %dma_start3A_134, %dma_start3A_135] : memref<16x80x128xi32, #tpu.memory_space<hbm>> -> memref<1x80x128xi32, #tpu.memory_space<hbm>>
    %dma_start3A_137 = tpu.memref_squeeze %dma_start3A_136 : memref<1x80x128xi32, #tpu.memory_space<hbm>> -> memref<80x128xi32, #tpu.memory_space<hbm>>
    %dma_start3A_138 = arith.constant 0 : i32
    %dma_start3A_139 = tpu.memref_slice %dma_start3A_137[%dma_start3A_126, %dma_start3A_138] : memref<80x128xi32, #tpu.memory_space<hbm>> -> memref<1x128xi32, #tpu.memory_space<hbm>>
    %dma_start3A_140 = tpu.memref_squeeze %dma_start3A_139 : memref<1x128xi32, #tpu.memory_space<hbm>> -> memref<128xi32, #tpu.memory_space<hbm>>
    tpu.enqueue_dma source(%dma_start3A_140 : memref<128xi32, #tpu.memory_space<hbm>>) target(%arg9 : memref<128xi32, #tpu.memory_space<vmem>>) target_semaphore(%arg19 : memref<!tpu.dma_semaphore, #tpu.memory_space<semaphore_mem>>)
    %dma_start3A_141 = arith.constant 3 : i32
    %dma_start3A_142 = arith.constant 0 : i32
    %dma_start3A_143 = arith.constant 0 : i32
    %dma_start3A_144 = tpu.memref_slice %arg3[%arg1, %dma_start3A_142, %dma_start3A_143] : memref<16x80x128xi32, #tpu.memory_space<hbm>> -> memref<1x80x128xi32, #tpu.memory_space<hbm>>
    %dma_start3A_145 = tpu.memref_squeeze %dma_start3A_144 : memref<1x80x128xi32, #tpu.memory_space<hbm>> -> memref<80x128xi32, #tpu.memory_space<hbm>>
    %dma_start3A_146 = arith.constant 0 : i32
    %dma_start3A_147 = tpu.memref_slice %dma_start3A_145[%dma_start3A_141, %dma_start3A_146] : memref<80x128xi32, #tpu.memory_space<hbm>> -> memref<1x128xi32, #tpu.memory_space<hbm>>
    %dma_start3A_148 = tpu.memref_squeeze %dma_start3A_147 : memref<1x128xi32, #tpu.memory_space<hbm>> -> memref<128xi32, #tpu.memory_space<hbm>>
    %dma_start3A_149 = arith.constant 0 : i32
    %dma_start3A_150 = arith.constant 0 : i32
    %dma_start3A_151 = tpu.memref_slice %arg3[%arg1, %dma_start3A_149, %dma_start3A_150] : memref<16x80x128xi32, #tpu.memory_space<hbm>> -> memref<1x80x128xi32, #tpu.memory_space<hbm>>
    %dma_start3A_152 = tpu.memref_squeeze %dma_start3A_151 : memref<1x80x128xi32, #tpu.memory_space<hbm>> -> memref<80x128xi32, #tpu.memory_space<hbm>>
    %dma_start3A_153 = arith.constant 0 : i32
    %dma_start3A_154 = tpu.memref_slice %dma_start3A_152[%dma_start3A_141, %dma_start3A_153] : memref<80x128xi32, #tpu.memory_space<hbm>> -> memref<1x128xi32, #tpu.memory_space<hbm>>
    %dma_start3A_155 = tpu.memref_squeeze %dma_start3A_154 : memref<1x128xi32, #tpu.memory_space<hbm>> -> memref<128xi32, #tpu.memory_space<hbm>>
    tpu.enqueue_dma source(%dma_start3A_155 : memref<128xi32, #tpu.memory_space<hbm>>) target(%arg10 : memref<128xi32, #tpu.memory_space<vmem>>) target_semaphore(%arg20 : memref<!tpu.dma_semaphore, #tpu.memory_space<semaphore_mem>>)
    %dma_wait3A = arith.constant 0 : i32
    %dma_wait3A_156 = arith.constant 0 : i32
    %dma_wait3A_157 = arith.constant 0 : i32
    %dma_wait3A_158 = tpu.memref_slice %arg3[%arg1, %dma_wait3A_156, %dma_wait3A_157] : memref<16x80x128xi32, #tpu.memory_space<hbm>> -> memref<1x80x128xi32, #tpu.memory_space<hbm>>
    %dma_wait3A_159 = tpu.memref_squeeze %dma_wait3A_158 : memref<1x80x128xi32, #tpu.memory_space<hbm>> -> memref<80x128xi32, #tpu.memory_space<hbm>>
    %dma_wait3A_160 = arith.constant 0 : i32
    %dma_wait3A_161 = tpu.memref_slice %dma_wait3A_159[%dma_wait3A, %dma_wait3A_160] : memref<80x128xi32, #tpu.memory_space<hbm>> -> memref<1x128xi32, #tpu.memory_space<hbm>>
    %dma_wait3A_162 = tpu.memref_squeeze %dma_wait3A_161 : memref<1x128xi32, #tpu.memory_space<hbm>> -> memref<128xi32, #tpu.memory_space<hbm>>
    %dma_wait3A_163 = arith.constant 0 : i32
    %dma_wait3A_164 = arith.constant 0 : i32
    %dma_wait3A_165 = tpu.memref_slice %arg3[%arg1, %dma_wait3A_163, %dma_wait3A_164] : memref<16x80x128xi32, #tpu.memory_space<hbm>> -> memref<1x80x128xi32, #tpu.memory_space<hbm>>
    %dma_wait3A_166 = tpu.memref_squeeze %dma_wait3A_165 : memref<1x80x128xi32, #tpu.memory_space<hbm>> -> memref<80x128xi32, #tpu.memory_space<hbm>>
    %dma_wait3A_167 = arith.constant 0 : i32
    %dma_wait3A_168 = tpu.memref_slice %dma_wait3A_166[%dma_wait3A, %dma_wait3A_167] : memref<80x128xi32, #tpu.memory_space<hbm>> -> memref<1x128xi32, #tpu.memory_space<hbm>>
    %dma_wait3A_169 = tpu.memref_squeeze %dma_wait3A_168 : memref<1x128xi32, #tpu.memory_space<hbm>> -> memref<128xi32, #tpu.memory_space<hbm>>
    tpu.wait_dma2 semaphore(%arg17 : memref<!tpu.dma_semaphore, #tpu.memory_space<semaphore_mem>>) src(%dma_wait3A_169 : memref<128xi32, #tpu.memory_space<hbm>>) dst(%arg7 : memref<128xi32, #tpu.memory_space<vmem>>)
    %get3A = arith.constant 0 : index
    %get3A_170 = tpu.vector_load %arg7[%get3A] {strides = array<i32>} : memref<128xi32, #tpu.memory_space<vmem>>, vector<16xi32>,
    %get3A_171 = vector.shape_cast %get3A_170 : vector<16xi32> to vector<16xi32>
    %mul3A_172 = arith.constant 2 : i32
    %mul3A_173 = vector.broadcast %mul3A_172 : i32 to vector<16xi32>
    %mul3A_174 = arith.muli %get3A_171, %mul3A_173 : vector<16xi32>
    %add3A_175 = vector.broadcast %arg0 : i32 to vector<16xi32>
    %add3A_176 = arith.addi %mul3A_174, %add3A_175 : vector<16xi32>
    %swap3A = arith.constant 0 : index
    %swap3A_177 = tpu.vector_load %arg7[%swap3A] {strides = array<i32>} : memref<128xi32, #tpu.memory_space<vmem>>, vector<16xi32>,
    %swap3A_178 = vector.shape_cast %swap3A_177 : vector<16xi32> to vector<16xi32>
    %swap3A_179 = vector.shape_cast %add3A_176 : vector<16xi32> to vector<16xi32>
    tpu.vector_store %arg7[%swap3A], %swap3A_179 {strides = array<i32>} : memref<128xi32, #tpu.memory_space<vmem>>, vector<16xi32>,
    %get3A_180 = arith.constant 16 : index
    %get3A_181 = tpu.vector_load %arg7[%get3A_180] {strides = array<i32>} : memref<128xi32, #tpu.memory_space<vmem>>, vector<16xi32>,
    %get3A_182 = vector.shape_cast %get3A_181 : vector<16xi32> to vector<16xi32>
    %mul3A_183 = arith.constant 2 : i32
    %mul3A_184 = vector.broadcast %mul3A_183 : i32 to vector<16xi32>
    %mul3A_185 = arith.muli %get3A_182, %mul3A_184 : vector<16xi32>
    %add3A_186 = vector.broadcast %arg0 : i32 to vector<16xi32>
    %add3A_187 = arith.addi %mul3A_185, %add3A_186 : vector<16xi32>
    %swap3A_188 = arith.constant 16 : index
    %swap3A_189 = tpu.vector_load %arg7[%swap3A_188] {strides = array<i32>} : memref<128xi32, #tpu.memory_space<vmem>>, vector<16xi32>,
    %swap3A_190 = vector.shape_cast %swap3A_189 : vector<16xi32> to vector<16xi32>
    %swap3A_191 = vector.shape_cast %add3A_187 : vector<16xi32> to vector<16xi32>
    tpu.vector_store %arg7[%swap3A_188], %swap3A_191 {strides = array<i32>} : memref<128xi32, #tpu.memory_space<vmem>>, vector<16xi32>,
    %get3A_192 = arith.constant 32 : index
    %get3A_193 = tpu.vector_load %arg7[%get3A_192] {strides = array<i32>} : memref<128xi32, #tpu.memory_space<vmem>>, vector<16xi32>,
    %get3A_194 = vector.shape_cast %get3A_193 : vector<16xi32> to vector<16xi32>
    %mul3A_195 = arith.constant 2 : i32
    %mul3A_196 = vector.broadcast %mul3A_195 : i32 to vector<16xi32>
    %mul3A_197 = arith.muli %get3A_194, %mul3A_196 : vector<16xi32>
    %add3A_198 = vector.broadcast %arg0 : i32 to vector<16xi32>
    %add3A_199 = arith.addi %mul3A_197, %add3A_198 : vector<16xi32>
    %swap3A_200 = arith.constant 32 : index
    %swap3A_201 = tpu.vector_load %arg7[%swap3A_200] {strides = array<i32>} : memref<128xi32, #tpu.memory_space<vmem>>, vector<16xi32>,
    %swap3A_202 = vector.shape_cast %swap3A_201 : vector<16xi32> to vector<16xi32>
    %swap3A_203 = vector.shape_cast %add3A_199 : vector<16xi32> to vector<16xi32>
    tpu.vector_store %arg7[%swap3A_200], %swap3A_203 {strides = array<i32>} : memref<128xi32, #tpu.memory_space<vmem>>, vector<16xi32>,
    %get3A_204 = arith.constant 48 : index
    %get3A_205 = tpu.vector_load %arg7[%get3A_204] {strides = array<i32>} : memref<128xi32, #tpu.memory_space<vmem>>, vector<16xi32>,
    %get3A_206 = vector.shape_cast %get3A_205 : vector<16xi32> to vector<16xi32>
    %mul3A_207 = arith.constant 2 : i32
    %mul3A_208 = vector.broadcast %mul3A_207 : i32 to vector<16xi32>
    %mul3A_209 = arith.muli %get3A_206, %mul3A_208 : vector<16xi32>
    %add3A_210 = vector.broadcast %arg0 : i32 to vector<16xi32>
    %add3A_211 = arith.addi %mul3A_209, %add3A_210 : vector<16xi32>
    %swap3A_212 = arith.constant 48 : index
    %swap3A_213 = tpu.vector_load %arg7[%swap3A_212] {strides = array<i32>} : memref<128xi32, #tpu.memory_space<vmem>>, vector<16xi32>,
    %swap3A_214 = vector.shape_cast %swap3A_213 : vector<16xi32> to vector<16xi32>
    %swap3A_215 = vector.shape_cast %add3A_211 : vector<16xi32> to vector<16xi32>
    tpu.vector_store %arg7[%swap3A_212], %swap3A_215 {strides = array<i32>} : memref<128xi32, #tpu.memory_space<vmem>>, vector<16xi32>,
    %get3A_216 = arith.constant 64 : index
    %get3A_217 = tpu.vector_load %arg7[%get3A_216] {strides = array<i32>} : memref<128xi32, #tpu.memory_space<vmem>>, vector<16xi32>,
    %get3A_218 = vector.shape_cast %get3A_217 : vector<16xi32> to vector<16xi32>
    %mul3A_219 = arith.constant 2 : i32
    %mul3A_220 = vector.broadcast %mul3A_219 : i32 to vector<16xi32>
    %mul3A_221 = arith.muli %get3A_218, %mul3A_220 : vector<16xi32>
    %add3A_222 = vector.broadcast %arg0 : i32 to vector<16xi32>
    %add3A_223 = arith.addi %mul3A_221, %add3A_222 : vector<16xi32>
    %swap3A_224 = arith.constant 64 : index
    %swap3A_225 = tpu.vector_load %arg7[%swap3A_224] {strides = array<i32>} : memref<128xi32, #tpu.memory_space<vmem>>, vector<16xi32>,
    %swap3A_226 = vector.shape_cast %swap3A_225 : vector<16xi32> to vector<16xi32>
    %swap3A_227 = vector.shape_cast %add3A_223 : vector<16xi32> to vector<16xi32>
    tpu.vector_store %arg7[%swap3A_224], %swap3A_227 {strides = array<i32>} : memref<128xi32, #tpu.memory_space<vmem>>, vector<16xi32>,
    %get3A_228 = arith.constant 80 : index
    %get3A_229 = tpu.vector_load %arg7[%get3A_228] {strides = array<i32>} : memref<128xi32, #tpu.memory_space<vmem>>, vector<16xi32>,
    %get3A_230 = vector.shape_cast %get3A_229 : vector<16xi32> to vector<16xi32>
    %mul3A_231 = arith.constant 2 : i32
    %mul3A_232 = vector.broadcast %mul3A_231 : i32 to vector<16xi32>
    %mul3A_233 = arith.muli %get3A_230, %mul3A_232 : vector<16xi32>
    %add3A_234 = vector.broadcast %arg0 : i32 to vector<16xi32>
    %add3A_235 = arith.addi %mul3A_233, %add3A_234 : vector<16xi32>
    %swap3A_236 = arith.constant 80 : index
    %swap3A_237 = tpu.vector_load %arg7[%swap3A_236] {strides = array<i32>} : memref<128xi32, #tpu.memory_space<vmem>>, vector<16xi32>,
    %swap3A_238 = vector.shape_cast %swap3A_237 : vector<16xi32> to vector<16xi32>
    %swap3A_239 = vector.shape_cast %add3A_235 : vector<16xi32> to vector<16xi32>
    tpu.vector_store %arg7[%swap3A_236], %swap3A_239 {strides = array<i32>} : memref<128xi32, #tpu.memory_space<vmem>>, vector<16xi32>,
    %get3A_240 = arith.constant 96 : index
    %get3A_241 = tpu.vector_load %arg7[%get3A_240] {strides = array<i32>} : memref<128xi32, #tpu.memory_space<vmem>>, vector<16xi32>,
    %get3A_242 = vector.shape_cast %get3A_241 : vector<16xi32> to vector<16xi32>
    %mul3A_243 = arith.constant 2 : i32
    %mul3A_244 = vector.broadcast %mul3A_243 : i32 to vector<16xi32>
    %mul3A_245 = arith.muli %get3A_242, %mul3A_244 : vector<16xi32>
    %add3A_246 = vector.broadcast %arg0 : i32 to vector<16xi32>
    %add3A_247 = arith.addi %mul3A_245, %add3A_246 : vector<16xi32>
    %swap3A_248 = arith.constant 96 : index
    %swap3A_249 = tpu.vector_load %arg7[%swap3A_248] {strides = array<i32>} : memref<128xi32, #tpu.memory_space<vmem>>, vector<16xi32>,
    %swap3A_250 = vector.shape_cast %swap3A_249 : vector<16xi32> to vector<16xi32>
    %swap3A_251 = vector.shape_cast %add3A_247 : vector<16xi32> to vector<16xi32>
    tpu.vector_store %arg7[%swap3A_248], %swap3A_251 {strides = array<i32>} : memref<128xi32, #tpu.memory_space<vmem>>, vector<16xi32>,
    %get3A_252 = arith.constant 112 : index
    %get3A_253 = tpu.vector_load %arg7[%get3A_252] {strides = array<i32>} : memref<128xi32, #tpu.memory_space<vmem>>, vector<16xi32>,
    %get3A_254 = vector.shape_cast %get3A_253 : vector<16xi32> to vector<16xi32>
    %mul3A_255 = arith.constant 2 : i32
    %mul3A_256 = vector.broadcast %mul3A_255 : i32 to vector<16xi32>
    %mul3A_257 = arith.muli %get3A_254, %mul3A_256 : vector<16xi32>
    %add3A_258 = vector.broadcast %arg0 : i32 to vector<16xi32>
    %add3A_259 = arith.addi %mul3A_257, %add3A_258 : vector<16xi32>
    %swap3A_260 = arith.constant 112 : index
    %swap3A_261 = tpu.vector_load %arg7[%swap3A_260] {strides = array<i32>} : memref<128xi32, #tpu.memory_space<vmem>>, vector<16xi32>,
    %swap3A_262 = vector.shape_cast %swap3A_261 : vector<16xi32> to vector<16xi32>
    %swap3A_263 = vector.shape_cast %add3A_259 : vector<16xi32> to vector<16xi32>
    tpu.vector_store %arg7[%swap3A_260], %swap3A_263 {strides = array<i32>} : memref<128xi32, #tpu.memory_space<vmem>>, vector<16xi32>,
    %dma_start3A_264 = arith.constant 0 : i32
    %dma_start3A_265 = arith.constant 0 : i32
    %dma_start3A_266 = tpu.memref_slice %arg2[%dma_start3A_264, %dma_start3A_265] : memref<20000x128xf32, #tpu.memory_space<hbm>> -> memref<20000x128xf32, #tpu.memory_space<hbm>>
    tpu.enqueue_indirect_dma source(%dma_start3A_266 : memref<20000x128xf32, #tpu.memory_space<hbm>>) target(%arg12 : memref<128x128xf32, #tpu.memory_space<vmem>>) offsets(%arg7 : memref<128xi32, #tpu.memory_space<vmem>>) semaphore(%arg15 : memref<!tpu.dma_semaphore, #tpu.memory_space<semaphore_mem>>)
    %dma_wait3A_267 = arith.constant 1 : i32
    %dma_wait3A_268 = arith.constant 0 : i32
    %dma_wait3A_269 = arith.constant 0 : i32
    %dma_wait3A_270 = tpu.memref_slice %arg3[%arg1, %dma_wait3A_268, %dma_wait3A_269] : memref<16x80x128xi32, #tpu.memory_space<hbm>> -> memref<1x80x128xi32, #tpu.memory_space<hbm>>
    %dma_wait3A_271 = tpu.memref_squeeze %dma_wait3A_270 : memref<1x80x128xi32, #tpu.memory_space<hbm>> -> memref<80x128xi32, #tpu.memory_space<hbm>>
    %dma_wait3A_272 = arith.constant 0 : i32
    %dma_wait3A_273 = tpu.memref_slice %dma_wait3A_271[%dma_wait3A_267, %dma_wait3A_272] : memref<80x128xi32, #tpu.memory_space<hbm>> -> memref<1x128xi32, #tpu.memory_space<hbm>>
    %dma_wait3A_274 = tpu.memref_squeeze %dma_wait3A_273 : memref<1x128xi32, #tpu.memory_space<hbm>> -> memref<128xi32, #tpu.memory_space<hbm>>
    %dma_wait3A_275 = arith.constant 0 : i32
    %dma_wait3A_276 = arith.constant 0 : i32
    %dma_wait3A_277 = tpu.memref_slice %arg3[%arg1, %dma_wait3A_275, %dma_wait3A_276] : memref<16x80x128xi32, #tpu.memory_space<hbm>> -> memref<1x80x128xi32, #tpu.memory_space<hbm>>
    %dma_wait3A_278 = tpu.memref_squeeze %dma_wait3A_277 : memref<1x80x128xi32, #tpu.memory_space<hbm>> -> memref<80x128xi32, #tpu.memory_space<hbm>>
    %dma_wait3A_279 = arith.constant 0 : i32
    %dma_wait3A_280 = tpu.memref_slice %dma_wait3A_278[%dma_wait3A_267, %dma_wait3A_279] : memref<80x128xi32, #tpu.memory_space<hbm>> -> memref<1x128xi32, #tpu.memory_space<hbm>>
    %dma_wait3A_281 = tpu.memref_squeeze %dma_wait3A_280 : memref<1x128xi32, #tpu.memory_space<hbm>> -> memref<128xi32, #tpu.memory_space<hbm>>
    tpu.wait_dma2 semaphore(%arg18 : memref<!tpu.dma_semaphore, #tpu.memory_space<semaphore_mem>>) src(%dma_wait3A_281 : memref<128xi32, #tpu.memory_space<hbm>>) dst(%arg8 : memref<128xi32, #tpu.memory_space<vmem>>)
    %get3A_282 = arith.constant 0 : index
    %get3A_283 = tpu.vector_load %arg8[%get3A_282] {strides = array<i32>} : memref<128xi32, #tpu.memory_space<vmem>>, vector<16xi32>,
    %get3A_284 = vector.shape_cast %get3A_283 : vector<16xi32> to vector<16xi32>
    %mul3A_285 = arith.constant 2 : i32
    %mul3A_286 = vector.broadcast %mul3A_285 : i32 to vector<16xi32>
    %mul3A_287 = arith.muli %get3A_284, %mul3A_286 : vector<16xi32>
    %add3A_288 = vector.broadcast %arg0 : i32 to vector<16xi32>
    %add3A_289 = arith.addi %mul3A_287, %add3A_288 : vector<16xi32>
    %swap3A_290 = arith.constant 0 : index
    %swap3A_291 = tpu.vector_load %arg8[%swap3A_290] {strides = array<i32>} : memref<128xi32, #tpu.memory_space<vmem>>, vector<16xi32>,
    %swap3A_292 = vector.shape_cast %swap3A_291 : vector<16xi32> to vector<16xi32>
    %swap3A_293 = vector.shape_cast %add3A_289 : vector<16xi32> to vector<16xi32>
    tpu.vector_store %arg8[%swap3A_290], %swap3A_293 {strides = array<i32>} : memref<128xi32, #tpu.memory_space<vmem>>, vector<16xi32>,
    %get3A_294 = arith.constant 16 : index
    %get3A_295 = tpu.vector_load %arg8[%get3A_294] {strides = array<i32>} : memref<128xi32, #tpu.memory_space<vmem>>, vector<16xi32>,
    %get3A_296 = vector.shape_cast %get3A_295 : vector<16xi32> to vector<16xi32>
    %mul3A_297 = arith.constant 2 : i32
    %mul3A_298 = vector.broadcast %mul3A_297 : i32 to vector<16xi32>
    %mul3A_299 = arith.muli %get3A_296, %mul3A_298 : vector<16xi32>
    %add3A_300 = vector.broadcast %arg0 : i32 to vector<16xi32>
    %add3A_301 = arith.addi %mul3A_299, %add3A_300 : vector<16xi32>
    %swap3A_302 = arith.constant 16 : index
    %swap3A_303 = tpu.vector_load %arg8[%swap3A_302] {strides = array<i32>} : memref<128xi32, #tpu.memory_space<vmem>>, vector<16xi32>,
    %swap3A_304 = vector.shape_cast %swap3A_303 : vector<16xi32> to vector<16xi32>
    %swap3A_305 = vector.shape_cast %add3A_301 : vector<16xi32> to vector<16xi32>
    tpu.vector_store %arg8[%swap3A_302], %swap3A_305 {strides = array<i32>} : memref<128xi32, #tpu.memory_space<vmem>>, vector<16xi32>,
    %get3A_306 = arith.constant 32 : index
    %get3A_307 = tpu.vector_load %arg8[%get3A_306] {strides = array<i32>} : memref<128xi32, #tpu.memory_space<vmem>>, vector<16xi32>,
    %get3A_308 = vector.shape_cast %get3A_307 : vector<16xi32> to vector<16xi32>
    %mul3A_309 = arith.constant 2 : i32
    %mul3A_310 = vector.broadcast %mul3A_309 : i32 to vector<16xi32>
    %mul3A_311 = arith.muli %get3A_308, %mul3A_310 : vector<16xi32>
    %add3A_312 = vector.broadcast %arg0 : i32 to vector<16xi32>
    %add3A_313 = arith.addi %mul3A_311, %add3A_312 : vector<16xi32>
    %swap3A_314 = arith.constant 32 : index
    %swap3A_315 = tpu.vector_load %arg8[%swap3A_314] {strides = array<i32>} : memref<128xi32, #tpu.memory_space<vmem>>, vector<16xi32>,
    %swap3A_316 = vector.shape_cast %swap3A_315 : vector<16xi32> to vector<16xi32>
    %swap3A_317 = vector.shape_cast %add3A_313 : vector<16xi32> to vector<16xi32>
    tpu.vector_store %arg8[%swap3A_314], %swap3A_317 {strides = array<i32>} : memref<128xi32, #tpu.memory_space<vmem>>, vector<16xi32>,
    %get3A_318 = arith.constant 48 : index
    %get3A_319 = tpu.vector_load %arg8[%get3A_318] {strides = array<i32>} : memref<128xi32, #tpu.memory_space<vmem>>, vector<16xi32>,
    %get3A_320 = vector.shape_cast %get3A_319 : vector<16xi32> to vector<16xi32>
    %mul3A_321 = arith.constant 2 : i32
    %mul3A_322 = vector.broadcast %mul3A_321 : i32 to vector<16xi32>
    %mul3A_323 = arith.muli %get3A_320, %mul3A_322 : vector<16xi32>
    %add3A_324 = vector.broadcast %arg0 : i32 to vector<16xi32>
    %add3A_325 = arith.addi %mul3A_323, %add3A_324 : vector<16xi32>
    %swap3A_326 = arith.constant 48 : index
    %swap3A_327 = tpu.vector_load %arg8[%swap3A_326] {strides = array<i32>} : memref<128xi32, #tpu.memory_space<vmem>>, vector<16xi32>,
    %swap3A_328 = vector.shape_cast %swap3A_327 : vector<16xi32> to vector<16xi32>
    %swap3A_329 = vector.shape_cast %add3A_325 : vector<16xi32> to vector<16xi32>
    tpu.vector_store %arg8[%swap3A_326], %swap3A_329 {strides = array<i32>} : memref<128xi32, #tpu.memory_space<vmem>>, vector<16xi32>,
    %get3A_330 = arith.constant 64 : index
    %get3A_331 = tpu.vector_load %arg8[%get3A_330] {strides = array<i32>} : memref<128xi32, #tpu.memory_space<vmem>>, vector<16xi32>,
    %get3A_332 = vector.shape_cast %get3A_331 : vector<16xi32> to vector<16xi32>
    %mul3A_333 = arith.constant 2 : i32
    %mul3A_334 = vector.broadcast %mul3A_333 : i32 to vector<16xi32>
    %mul3A_335 = arith.muli %get3A_332, %mul3A_334 : vector<16xi32>
    %add3A_336 = vector.broadcast %arg0 : i32 to vector<16xi32>
    %add3A_337 = arith.addi %mul3A_335, %add3A_336 : vector<16xi32>
    %swap3A_338 = arith.constant 64 : index
    %swap3A_339 = tpu.vector_load %arg8[%swap3A_338] {strides = array<i32>} : memref<128xi32, #tpu.memory_space<vmem>>, vector<16xi32>,
    %swap3A_340 = vector.shape_cast %swap3A_339 : vector<16xi32> to vector<16xi32>
    %swap3A_341 = vector.shape_cast %add3A_337 : vector<16xi32> to vector<16xi32>
    tpu.vector_store %arg8[%swap3A_338], %swap3A_341 {strides = array<i32>} : memref<128xi32, #tpu.memory_space<vmem>>, vector<16xi32>,
    %get3A_342 = arith.constant 80 : index
    %get3A_343 = tpu.vector_load %arg8[%get3A_342] {strides = array<i32>} : memref<128xi32, #tpu.memory_space<vmem>>, vector<16xi32>,
    %get3A_344 = vector.shape_cast %get3A_343 : vector<16xi32> to vector<16xi32>
    %mul3A_345 = arith.constant 2 : i32
    %mul3A_346 = vector.broadcast %mul3A_345 : i32 to vector<16xi32>
    %mul3A_347 = arith.muli %get3A_344, %mul3A_346 : vector<16xi32>
    %add3A_348 = vector.broadcast %arg0 : i32 to vector<16xi32>
    %add3A_349 = arith.addi %mul3A_347, %add3A_348 : vector<16xi32>
    %swap3A_350 = arith.constant 80 : index
    %swap3A_351 = tpu.vector_load %arg8[%swap3A_350] {strides = array<i32>} : memref<128xi32, #tpu.memory_space<vmem>>, vector<16xi32>,
    %swap3A_352 = vector.shape_cast %swap3A_351 : vector<16xi32> to vector<16xi32>
    %swap3A_353 = vector.shape_cast %add3A_349 : vector<16xi32> to vector<16xi32>
    tpu.vector_store %arg8[%swap3A_350], %swap3A_353 {strides = array<i32>} : memref<128xi32, #tpu.memory_space<vmem>>, vector<16xi32>,
    %get3A_354 = arith.constant 96 : index
    %get3A_355 = tpu.vector_load %arg8[%get3A_354] {strides = array<i32>} : memref<128xi32, #tpu.memory_space<vmem>>, vector<16xi32>,
    %get3A_356 = vector.shape_cast %get3A_355 : vector<16xi32> to vector<16xi32>
    %mul3A_357 = arith.constant 2 : i32
    %mul3A_358 = vector.broadcast %mul3A_357 : i32 to vector<16xi32>
    %mul3A_359 = arith.muli %get3A_356, %mul3A_358 : vector<16xi32>
    %add3A_360 = vector.broadcast %arg0 : i32 to vector<16xi32>
    %add3A_361 = arith.addi %mul3A_359, %add3A_360 : vector<16xi32>
    %swap3A_362 = arith.constant 96 : index
    %swap3A_363 = tpu.vector_load %arg8[%swap3A_362] {strides = array<i32>} : memref<128xi32, #tpu.memory_space<vmem>>, vector<16xi32>,
    %swap3A_364 = vector.shape_cast %swap3A_363 : vector<16xi32> to vector<16xi32>
    %swap3A_365 = vector.shape_cast %add3A_361 : vector<16xi32> to vector<16xi32>
    tpu.vector_store %arg8[%swap3A_362], %swap3A_365 {strides = array<i32>} : memref<128xi32, #tpu.memory_space<vmem>>, vector<16xi32>,
    %get3A_366 = arith.constant 112 : index
    %get3A_367 = tpu.vector_load %arg8[%get3A_366] {strides = array<i32>} : memref<128xi32, #tpu.memory_space<vmem>>, vector<16xi32>,
    %get3A_368 = vector.shape_cast %get3A_367 : vector<16xi32> to vector<16xi32>
    %mul3A_369 = arith.constant 2 : i32
    %mul3A_370 = vector.broadcast %mul3A_369 : i32 to vector<16xi32>
    %mul3A_371 = arith.muli %get3A_368, %mul3A_370 : vector<16xi32>
    %add3A_372 = vector.broadcast %arg0 : i32 to vector<16xi32>
    %add3A_373 = arith.addi %mul3A_371, %add3A_372 : vector<16xi32>
    %swap3A_374 = arith.constant 112 : index
    %swap3A_375 = tpu.vector_load %arg8[%swap3A_374] {strides = array<i32>} : memref<128xi32, #tpu.memory_space<vmem>>, vector<16xi32>,
    %swap3A_376 = vector.shape_cast %swap3A_375 : vector<16xi32> to vector<16xi32>
    %swap3A_377 = vector.shape_cast %add3A_373 : vector<16xi32> to vector<16xi32>
    tpu.vector_store %arg8[%swap3A_374], %swap3A_377 {strides = array<i32>} : memref<128xi32, #tpu.memory_space<vmem>>, vector<16xi32>,
    %mul3A_378 = arith.constant 624 : i32
    %mul3A_379 = arith.muli %arg1, %mul3A_378 : i32
    %add3A_380 = arith.constant 0 : i32
    %add3A_381 = arith.addi %mul3A_379, %add3A_380 : i32
    %dma_wait3A_382 = arith.constant 0 : i32
    %dma_wait3A_383 = arith.constant 0 : i32
    %dma_wait3A_384 = tpu.memref_slice %arg11[%dma_wait3A_382, %dma_wait3A_383] : memref<128x128xf32, #tpu.memory_space<vmem>> -> memref<104x128xf32, #tpu.memory_space<vmem>>
    %dma_wait3A_385 = arith.constant 0 : i32
    %dma_wait3A_386 = tpu.memref_slice %arg13[%add3A_381, %dma_wait3A_385] : memref<10008x128xf32, #tpu.memory_space<vmem_shared>> -> memref<104x128xf32, #tpu.memory_space<vmem_shared>>
    %dma_wait3A_387 = arith.constant 0 : i32
    %dma_wait3A_388 = tpu.memref_slice %arg13[%add3A_381, %dma_wait3A_387] : memref<10008x128xf32, #tpu.memory_space<vmem_shared>> -> memref<104x128xf32, #tpu.memory_space<vmem_shared>>
    %dma_wait3A_389 = arith.constant 0 : i32
    %dma_wait3A_390 = arith.constant 0 : i32
    %dma_wait3A_391 = tpu.memref_slice %arg11[%dma_wait3A_389, %dma_wait3A_390] : memref<128x128xf32, #tpu.memory_space<vmem>> -> memref<104x128xf32, #tpu.memory_space<vmem>>
    tpu.wait_dma2 semaphore(%arg14 : memref<!tpu.dma_semaphore, #tpu.memory_space<semaphore_mem>>) src(%dma_wait3A_391 : memref<104x128xf32, #tpu.memory_space<vmem>>) dst(%dma_wait3A_388 : memref<104x128xf32, #tpu.memory_space<vmem_shared>>)
    %mul3A_392 = arith.constant 624 : i32
    %mul3A_393 = arith.muli %arg1, %mul3A_392 : i32
    %add3A_394 = arith.constant 104 : i32
    %add3A_395 = arith.addi %mul3A_393, %add3A_394 : i32
    %dma_wait3A_396 = arith.constant 0 : i32
    %dma_wait3A_397 = arith.constant 0 : i32
    %dma_wait3A_398 = tpu.memref_slice %arg11[%dma_wait3A_396, %dma_wait3A_397] : memref<128x128xf32, #tpu.memory_space<vmem>> -> memref<104x128xf32, #tpu.memory_space<vmem>>
    %dma_wait3A_399 = arith.constant 0 : i32
    %dma_wait3A_400 = tpu.memref_slice %arg13[%add3A_395, %dma_wait3A_399] : memref<10008x128xf32, #tpu.memory_space<vmem_shared>> -> memref<104x128xf32, #tpu.memory_space<vmem_shared>>
    %dma_wait3A_401 = arith.constant 0 : i32
    %dma_wait3A_402 = tpu.memref_slice %arg13[%add3A_395, %dma_wait3A_401] : memref<10008x128xf32, #tpu.memory_space<vmem_shared>> -> memref<104x128xf32, #tpu.memory_space<vmem_shared>>
    %dma_wait3A_403 = arith.constant 0 : i32
    %dma_wait3A_404 = arith.constant 0 : i32
    %dma_wait3A_405 = tpu.memref_slice %arg11[%dma_wait3A_403, %dma_wait3A_404] : memref<128x128xf32, #tpu.memory_space<vmem>> -> memref<104x128xf32, #tpu.memory_space<vmem>>
    tpu.wait_dma2 semaphore(%arg14 : memref<!tpu.dma_semaphore, #tpu.memory_space<semaphore_mem>>) src(%dma_wait3A_405 : memref<104x128xf32, #tpu.memory_space<vmem>>) dst(%dma_wait3A_402 : memref<104x128xf32, #tpu.memory_space<vmem_shared>>)
    %mul3A_406 = arith.constant 624 : i32
    %mul3A_407 = arith.muli %arg1, %mul3A_406 : i32
    %add3A_408 = arith.constant 208 : i32
    %add3A_409 = arith.addi %mul3A_407, %add3A_408 : i32
    %dma_wait3A_410 = arith.constant 0 : i32
    %dma_wait3A_411 = arith.constant 0 : i32
    %dma_wait3A_412 = tpu.memref_slice %arg11[%dma_wait3A_410, %dma_wait3A_411] : memref<128x128xf32, #tpu.memory_space<vmem>> -> memref<104x128xf32, #tpu.memory_space<vmem>>
    %dma_wait3A_413 = arith.constant 0 : i32
    %dma_wait3A_414 = tpu.memref_slice %arg13[%add3A_409, %dma_wait3A_413] : memref<10008x128xf32, #tpu.memory_space<vmem_shared>> -> memref<104x128xf32, #tpu.memory_space<vmem_shared>>
    %dma_wait3A_415 = arith.constant 0 : i32
    %dma_wait3A_416 = tpu.memref_slice %arg13[%add3A_409, %dma_wait3A_415] : memref<10008x128xf32, #tpu.memory_space<vmem_shared>> -> memref<104x128xf32, #tpu.memory_space<vmem_shared>>
    %dma_wait3A_417 = arith.constant 0 : i32
    %dma_wait3A_418 = arith.constant 0 : i32
    %dma_wait3A_419 = tpu.memref_slice %arg11[%dma_wait3A_417, %dma_wait3A_418] : memref<128x128xf32, #tpu.memory_space<vmem>> -> memref<104x128xf32, #tpu.memory_space<vmem>>
    tpu.wait_dma2 semaphore(%arg14 : memref<!tpu.dma_semaphore, #tpu.memory_space<semaphore_mem>>) src(%dma_wait3A_419 : memref<104x128xf32, #tpu.memory_space<vmem>>) dst(%dma_wait3A_416 : memref<104x128xf32, #tpu.memory_space<vmem_shared>>)
    %mul3A_420 = arith.constant 624 : i32
    %mul3A_421 = arith.muli %arg1, %mul3A_420 : i32
    %add3A_422 = arith.constant 312 : i32
    %add3A_423 = arith.addi %mul3A_421, %add3A_422 : i32
    %dma_wait3A_424 = arith.constant 0 : i32
    %dma_wait3A_425 = arith.constant 0 : i32
    %dma_wait3A_426 = tpu.memref_slice %arg11[%dma_wait3A_424, %dma_wait3A_425] : memref<128x128xf32, #tpu.memory_space<vmem>> -> memref<104x128xf32, #tpu.memory_space<vmem>>
    %dma_wait3A_427 = arith.constant 0 : i32
    %dma_wait3A_428 = tpu.memref_slice %arg13[%add3A_423, %dma_wait3A_427] : memref<10008x128xf32, #tpu.memory_space<vmem_shared>> -> memref<104x128xf32, #tpu.memory_space<vmem_shared>>
    %dma_wait3A_429 = arith.constant 0 : i32
    %dma_wait3A_430 = tpu.memref_slice %arg13[%add3A_423, %dma_wait3A_429] : memref<10008x128xf32, #tpu.memory_space<vmem_shared>> -> memref<104x128xf32, #tpu.memory_space<vmem_shared>>
    %dma_wait3A_431 = arith.constant 0 : i32
    %dma_wait3A_432 = arith.constant 0 : i32
    %dma_wait3A_433 = tpu.memref_slice %arg11[%dma_wait3A_431, %dma_wait3A_432] : memref<128x128xf32, #tpu.memory_space<vmem>> -> memref<104x128xf32, #tpu.memory_space<vmem>>
    tpu.wait_dma2 semaphore(%arg14 : memref<!tpu.dma_semaphore, #tpu.memory_space<semaphore_mem>>) src(%dma_wait3A_433 : memref<104x128xf32, #tpu.memory_space<vmem>>) dst(%dma_wait3A_430 : memref<104x128xf32, #tpu.memory_space<vmem_shared>>)
    %mul3A_434 = arith.constant 624 : i32
    %mul3A_435 = arith.muli %arg1, %mul3A_434 : i32
    %add3A_436 = arith.constant 416 : i32
    %add3A_437 = arith.addi %mul3A_435, %add3A_436 : i32
    %dma_wait3A_438 = arith.constant 0 : i32
    %dma_wait3A_439 = arith.constant 0 : i32
    %dma_wait3A_440 = tpu.memref_slice %arg11[%dma_wait3A_438, %dma_wait3A_439] : memref<128x128xf32, #tpu.memory_space<vmem>> -> memref<104x128xf32, #tpu.memory_space<vmem>>
    %dma_wait3A_441 = arith.constant 0 : i32
    %dma_wait3A_442 = tpu.memref_slice %arg13[%add3A_437, %dma_wait3A_441] : memref<10008x128xf32, #tpu.memory_space<vmem_shared>> -> memref<104x128xf32, #tpu.memory_space<vmem_shared>>
    %dma_wait3A_443 = arith.constant 0 : i32
    %dma_wait3A_444 = tpu.memref_slice %arg13[%add3A_437, %dma_wait3A_443] : memref<10008x128xf32, #tpu.memory_space<vmem_shared>> -> memref<104x128xf32, #tpu.memory_space<vmem_shared>>
    %dma_wait3A_445 = arith.constant 0 : i32
    %dma_wait3A_446 = arith.constant 0 : i32
    %dma_wait3A_447 = tpu.memref_slice %arg11[%dma_wait3A_445, %dma_wait3A_446] : memref<128x128xf32, #tpu.memory_space<vmem>> -> memref<104x128xf32, #tpu.memory_space<vmem>>
    tpu.wait_dma2 semaphore(%arg14 : memref<!tpu.dma_semaphore, #tpu.memory_space<semaphore_mem>>) src(%dma_wait3A_447 : memref<104x128xf32, #tpu.memory_space<vmem>>) dst(%dma_wait3A_444 : memref<104x128xf32, #tpu.memory_space<vmem_shared>>)
    %mul3A_448 = arith.constant 624 : i32
    %mul3A_449 = arith.muli %arg1, %mul3A_448 : i32
    %add3A_450 = arith.constant 520 : i32
    %add3A_451 = arith.addi %mul3A_449, %add3A_450 : i32
    %dma_wait3A_452 = arith.constant 0 : i32
    %dma_wait3A_453 = arith.constant 0 : i32
    %dma_wait3A_454 = tpu.memref_slice %arg11[%dma_wait3A_452, %dma_wait3A_453] : memref<128x128xf32, #tpu.memory_space<vmem>> -> memref<104x128xf32, #tpu.memory_space<vmem>>
    %dma_wait3A_455 = arith.constant 0 : i32
    %dma_wait3A_456 = tpu.memref_slice %arg13[%add3A_451, %dma_wait3A_455] : memref<10008x128xf32, #tpu.memory_space<vmem_shared>> -> memref<104x128xf32, #tpu.memory_space<vmem_shared>>
    %dma_wait3A_457 = arith.constant 0 : i32
    %dma_wait3A_458 = tpu.memref_slice %arg13[%add3A_451, %dma_wait3A_457] : memref<10008x128xf32, #tpu.memory_space<vmem_shared>> -> memref<104x128xf32, #tpu.memory_space<vmem_shared>>
    %dma_wait3A_459 = arith.constant 0 : i32
    %dma_wait3A_460 = arith.constant 0 : i32
    %dma_wait3A_461 = tpu.memref_slice %arg11[%dma_wait3A_459, %dma_wait3A_460] : memref<128x128xf32, #tpu.memory_space<vmem>> -> memref<104x128xf32, #tpu.memory_space<vmem>>
    tpu.wait_dma2 semaphore(%arg14 : memref<!tpu.dma_semaphore, #tpu.memory_space<semaphore_mem>>) src(%dma_wait3A_461 : memref<104x128xf32, #tpu.memory_space<vmem>>) dst(%dma_wait3A_458 : memref<104x128xf32, #tpu.memory_space<vmem_shared>>)
    %eq3A_462 = arith.constant 15 : i32
    %eq3A_463 = arith.cmpi eq, %arg1, %eq3A_462 : i32
    %convert_element_type3A_464 = arith.extui %eq3A_463 : i1 to i32
    %cond3A_465 = arith.constant 0 : i32
    %cond3A_466 = arith.cmpi ne, %convert_element_type3A_464, %cond3A_465 : i32
    scf.if %cond3A_466 {
      %dma_wait3A_737 = arith.constant 0 : i32
      %dma_wait3A_738 = arith.constant 0 : i32
      %dma_wait3A_739 = tpu.memref_slice %arg11[%dma_wait3A_737, %dma_wait3A_738] : memref<128x128xf32, #tpu.memory_space<vmem>> -> memref<16x128xf32, #tpu.memory_space<vmem>>
      %dma_wait3A_740 = arith.constant 9984 : i32
      %dma_wait3A_741 = arith.constant 0 : i32
      %dma_wait3A_742 = tpu.memref_slice %arg13[%dma_wait3A_740, %dma_wait3A_741] : memref<10008x128xf32, #tpu.memory_space<vmem_shared>> -> memref<16x128xf32, #tpu.memory_space<vmem_shared>>
      %dma_wait3A_743 = arith.constant 9984 : i32
      %dma_wait3A_744 = arith.constant 0 : i32
      %dma_wait3A_745 = tpu.memref_slice %arg13[%dma_wait3A_743, %dma_wait3A_744] : memref<10008x128xf32, #tpu.memory_space<vmem_shared>> -> memref<16x128xf32, #tpu.memory_space<vmem_shared>>
      %dma_wait3A_746 = arith.constant 0 : i32
      %dma_wait3A_747 = arith.constant 0 : i32
      %dma_wait3A_748 = tpu.memref_slice %arg11[%dma_wait3A_746, %dma_wait3A_747] : memref<128x128xf32, #tpu.memory_space<vmem>> -> memref<16x128xf32, #tpu.memory_space<vmem>>
      tpu.wait_dma2 semaphore(%arg14 : memref<!tpu.dma_semaphore, #tpu.memory_space<semaphore_mem>>) src(%dma_wait3A_748 : memref<16x128xf32, #tpu.memory_space<vmem>>) dst(%dma_wait3A_745 : memref<16x128xf32, #tpu.memory_space<vmem_shared>>)
    } else {
    }
    %dma_wait3A_467 = arith.constant 0 : i32
    %dma_wait3A_468 = arith.constant 0 : i32
    %dma_wait3A_469 = tpu.memref_slice %arg4[%arg1, %dma_wait3A_467, %dma_wait3A_468] : memref<16x80x128xi32, #tpu.memory_space<hbm>> -> memref<1x80x128xi32, #tpu.memory_space<hbm>>
    %dma_wait3A_470 = tpu.memref_squeeze %dma_wait3A_469 : memref<1x80x128xi32, #tpu.memory_space<hbm>> -> memref<80x128xi32, #tpu.memory_space<hbm>>
    %dma_wait3A_471 = arith.constant 0 : i32
    %dma_wait3A_472 = arith.constant 0 : i32
    %dma_wait3A_473 = tpu.memref_slice %arg4[%arg1, %dma_wait3A_471, %dma_wait3A_472] : memref<16x80x128xi32, #tpu.memory_space<hbm>> -> memref<1x80x128xi32, #tpu.memory_space<hbm>>
    %dma_wait3A_474 = tpu.memref_squeeze %dma_wait3A_473 : memref<1x80x128xi32, #tpu.memory_space<hbm>> -> memref<80x128xi32, #tpu.memory_space<hbm>>
    tpu.wait_dma2 semaphore(%arg16 : memref<!tpu.dma_semaphore, #tpu.memory_space<semaphore_mem>>) src(%dma_wait3A_474 : memref<80x128xi32, #tpu.memory_space<hbm>>) dst(%arg6 : memref<80x128xi32, #tpu.memory_space<vmem>>)
    %barrier3A = arith.constant 0 : index
    tpu.barrier barrier_id(%barrier3A)
    %dma_start3A_475 = arith.constant 0 : i32
    %dma_start3A_476 = arith.constant 0 : i32
    %dma_start3A_477 = tpu.memref_slice %arg2[%dma_start3A_475, %dma_start3A_476] : memref<20000x128xf32, #tpu.memory_space<hbm>> -> memref<20000x128xf32, #tpu.memory_space<hbm>>
    tpu.enqueue_indirect_dma source(%dma_start3A_477 : memref<20000x128xf32, #tpu.memory_space<hbm>>) target(%arg11 : memref<128x128xf32, #tpu.memory_space<vmem>>) offsets(%arg8 : memref<128xi32, #tpu.memory_space<vmem>>) semaphore(%arg14 : memref<!tpu.dma_semaphore, #tpu.memory_space<semaphore_mem>>)
    %scan3A_478 = arith.constant 0 : i32
    %scan3A_479 = arith.constant 0 : i32
    %scan3A_480 = arith.constant 19 : i32
    %scan3A_481 = arith.addi %scan3A_479, %scan3A_480 : i32
    %scan3A_482 = arith.constant 1 : i32
    scf.for %scan3A_737 = %scan3A_479 to %scan3A_481 step %scan3A_482  : i32 {
      %mul3A_738 = arith.constant 4 : i32
      %mul3A_739 = arith.muli %scan3A_737, %mul3A_738 : i32
      %add3A_740 = arith.constant 0 : i32
      %add3A_741 = arith.addi %mul3A_739, %add3A_740 : i32
      %dma_wait3A_742 = arith.constant 0 : i32
      %dma_wait3A_743 = arith.constant 0 : i32
      %dma_wait3A_744 = tpu.memref_slice %arg2[%dma_wait3A_742, %dma_wait3A_743] : memref<20000x128xf32, #tpu.memory_space<hbm>> -> memref<20000x128xf32, #tpu.memory_space<hbm>>
      tpu.wait_indirect_dma semaphore(%arg15 : memref<!tpu.dma_semaphore, #tpu.memory_space<semaphore_mem>>) src(%dma_wait3A_744 : memref<20000x128xf32, #tpu.memory_space<hbm>>) dst(%arg12 : memref<128x128xf32, #tpu.memory_space<vmem>>)
      %add3A_745 = arith.constant 4 : i32
      %add3A_746 = arith.addi %add3A_741, %add3A_745 : i32
      %dma_start3A_747 = arith.constant 0 : i32
      %dma_start3A_748 = arith.constant 0 : i32
      %dma_start3A_749 = tpu.memref_slice %arg3[%arg1, %dma_start3A_747, %dma_start3A_748] : memref<16x80x128xi32, #tpu.memory_space<hbm>> -> memref<1x80x128xi32, #tpu.memory_space<hbm>>
      %dma_start3A_750 = tpu.memref_squeeze %dma_start3A_749 : memref<1x80x128xi32, #tpu.memory_space<hbm>> -> memref<80x128xi32, #tpu.memory_space<hbm>>
      %dma_start3A_751 = arith.constant 0 : i32
      %dma_start3A_752 = tpu.memref_slice %dma_start3A_750[%add3A_746, %dma_start3A_751] : memref<80x128xi32, #tpu.memory_space<hbm>> -> memref<1x128xi32, #tpu.memory_space<hbm>>
      %dma_start3A_753 = tpu.memref_squeeze %dma_start3A_752 : memref<1x128xi32, #tpu.memory_space<hbm>> -> memref<128xi32, #tpu.memory_space<hbm>>
      %dma_start3A_754 = arith.constant 0 : i32
      %dma_start3A_755 = arith.constant 0 : i32
      %dma_start3A_756 = tpu.memref_slice %arg3[%arg1, %dma_start3A_754, %dma_start3A_755] : memref<16x80x128xi32, #tpu.memory_space<hbm>> -> memref<1x80x128xi32, #tpu.memory_space<hbm>>
      %dma_start3A_757 = tpu.memref_squeeze %dma_start3A_756 : memref<1x80x128xi32, #tpu.memory_space<hbm>> -> memref<80x128xi32, #tpu.memory_space<hbm>>
      %dma_start3A_758 = arith.constant 0 : i32
      %dma_start3A_759 = tpu.memref_slice %dma_start3A_757[%add3A_746, %dma_start3A_758] : memref<80x128xi32, #tpu.memory_space<hbm>> -> memref<1x128xi32, #tpu.memory_space<hbm>>
      %dma_start3A_760 = tpu.memref_squeeze %dma_start3A_759 : memref<1x128xi32, #tpu.memory_space<hbm>> -> memref<128xi32, #tpu.memory_space<hbm>>
      tpu.enqueue_dma source(%dma_start3A_760 : memref<128xi32, #tpu.memory_space<hbm>>) target(%arg7 : memref<128xi32, #tpu.memory_space<vmem>>) target_semaphore(%arg17 : memref<!tpu.dma_semaphore, #tpu.memory_space<semaphore_mem>>)
      "tpu.region"() ({
        %run_scoped3A_1284 = tpu.sem_alloc : memref<!tpu.dma_semaphore, #tpu.memory_space<semaphore_mem>>
        %dma_start3A_1285 = arith.constant 0 : i32
        %dma_start3A_1286 = tpu.memref_slice %arg6[%add3A_741, %dma_start3A_1285] : memref<80x128xi32, #tpu.memory_space<vmem>> -> memref<1x128xi32, #tpu.memory_space<vmem>>
        %dma_start3A_1287 = tpu.memref_squeeze %dma_start3A_1286 : memref<1x128xi32, #tpu.memory_space<vmem>> -> memref<128xi32, #tpu.memory_space<vmem>>
        %dma_start3A_1288 = arith.constant 0 : i32
        %dma_start3A_1289 = arith.constant 0 : i32
        %dma_start3A_1290 = tpu.memref_slice %arg13[%dma_start3A_1288, %dma_start3A_1289] : memref<10008x128xf32, #tpu.memory_space<vmem_shared>> -> memref<10008x128xf32, #tpu.memory_space<vmem_shared>>
        tpu.enqueue_indirect_dma source(%arg12 : memref<128x128xf32, #tpu.memory_space<vmem>>) target(%dma_start3A_1290 : memref<10008x128xf32, #tpu.memory_space<vmem_shared>>) offsets(%dma_start3A_1287 : memref<128xi32, #tpu.memory_space<vmem>>) semaphore(%run_scoped3A_1284 : memref<!tpu.dma_semaphore, #tpu.memory_space<semaphore_mem>>) {add = true}
        %dma_wait3A_1291 = arith.constant 0 : i32
        %dma_wait3A_1292 = tpu.memref_slice %arg6[%add3A_741, %dma_wait3A_1291] : memref<80x128xi32, #tpu.memory_space<vmem>> -> memref<1x128xi32, #tpu.memory_space<vmem>>
        %dma_wait3A_1293 = tpu.memref_squeeze %dma_wait3A_1292 : memref<1x128xi32, #tpu.memory_space<vmem>> -> memref<128xi32, #tpu.memory_space<vmem>>
        %dma_wait3A_1294 = arith.constant 0 : i32
        %dma_wait3A_1295 = arith.constant 0 : i32
        %dma_wait3A_1296 = tpu.memref_slice %arg13[%dma_wait3A_1294, %dma_wait3A_1295] : memref<10008x128xf32, #tpu.memory_space<vmem_shared>> -> memref<10008x128xf32, #tpu.memory_space<vmem_shared>>
        tpu.wait_indirect_dma semaphore(%run_scoped3A_1284 : memref<!tpu.dma_semaphore, #tpu.memory_space<semaphore_mem>>) src(%arg12 : memref<128x128xf32, #tpu.memory_space<vmem>>) dst(%dma_wait3A_1296 : memref<10008x128xf32, #tpu.memory_space<vmem_shared>>)
        tpu.yield
      }) : () -> ()
      %add3A_761 = arith.constant 2 : i32
      %add3A_762 = arith.addi %add3A_741, %add3A_761 : i32
      %dma_wait3A_763 = arith.constant 0 : i32
      %dma_wait3A_764 = arith.constant 0 : i32
      %dma_wait3A_765 = tpu.memref_slice %arg3[%arg1, %dma_wait3A_763, %dma_wait3A_764] : memref<16x80x128xi32, #tpu.memory_space<hbm>> -> memref<1x80x128xi32, #tpu.memory_space<hbm>>
      %dma_wait3A_766 = tpu.memref_squeeze %dma_wait3A_765 : memref<1x80x128xi32, #tpu.memory_space<hbm>> -> memref<80x128xi32, #tpu.memory_space<hbm>>
      %dma_wait3A_767 = arith.constant 0 : i32
      %dma_wait3A_768 = tpu.memref_slice %dma_wait3A_766[%add3A_762, %dma_wait3A_767] : memref<80x128xi32, #tpu.memory_space<hbm>> -> memref<1x128xi32, #tpu.memory_space<hbm>>
      %dma_wait3A_769 = tpu.memref_squeeze %dma_wait3A_768 : memref<1x128xi32, #tpu.memory_space<hbm>> -> memref<128xi32, #tpu.memory_space<hbm>>
      %dma_wait3A_770 = arith.constant 0 : i32
      %dma_wait3A_771 = arith.constant 0 : i32
      %dma_wait3A_772 = tpu.memref_slice %arg3[%arg1, %dma_wait3A_770, %dma_wait3A_771] : memref<16x80x128xi32, #tpu.memory_space<hbm>> -> memref<1x80x128xi32, #tpu.memory_space<hbm>>
      %dma_wait3A_773 = tpu.memref_squeeze %dma_wait3A_772 : memref<1x80x128xi32, #tpu.memory_space<hbm>> -> memref<80x128xi32, #tpu.memory_space<hbm>>
      %dma_wait3A_774 = arith.constant 0 : i32
      %dma_wait3A_775 = tpu.memref_slice %dma_wait3A_773[%add3A_762, %dma_wait3A_774] : memref<80x128xi32, #tpu.memory_space<hbm>> -> memref<1x128xi32, #tpu.memory_space<hbm>>
      %dma_wait3A_776 = tpu.memref_squeeze %dma_wait3A_775 : memref<1x128xi32, #tpu.memory_space<hbm>> -> memref<128xi32, #tpu.memory_space<hbm>>
      tpu.wait_dma2 semaphore(%arg19 : memref<!tpu.dma_semaphore, #tpu.memory_space<semaphore_mem>>) src(%dma_wait3A_776 : memref<128xi32, #tpu.memory_space<hbm>>) dst(%arg9 : memref<128xi32, #tpu.memory_space<vmem>>)
      %get3A_777 = arith.constant 0 : index
      %get3A_778 = tpu.vector_load %arg9[%get3A_777] {strides = array<i32>} : memref<128xi32, #tpu.memory_space<vmem>>, vector<16xi32>,
      %get3A_779 = vector.shape_cast %get3A_778 : vector<16xi32> to vector<16xi32>
      %mul3A_780 = arith.constant 2 : i32
      %mul3A_781 = vector.broadcast %mul3A_780 : i32 to vector<16xi32>
      %mul3A_782 = arith.muli %get3A_779, %mul3A_781 : vector<16xi32>
      %add3A_783 = vector.broadcast %arg0 : i32 to vector<16xi32>
      %add3A_784 = arith.addi %mul3A_782, %add3A_783 : vector<16xi32>
      %swap3A_785 = arith.constant 0 : index
      %swap3A_786 = tpu.vector_load %arg9[%swap3A_785] {strides = array<i32>} : memref<128xi32, #tpu.memory_space<vmem>>, vector<16xi32>,
      %swap3A_787 = vector.shape_cast %swap3A_786 : vector<16xi32> to vector<16xi32>
      %swap3A_788 = vector.shape_cast %add3A_784 : vector<16xi32> to vector<16xi32>
      tpu.vector_store %arg9[%swap3A_785], %swap3A_788 {strides = array<i32>} : memref<128xi32, #tpu.memory_space<vmem>>, vector<16xi32>,
      %get3A_789 = arith.constant 16 : index
      %get3A_790 = tpu.vector_load %arg9[%get3A_789] {strides = array<i32>} : memref<128xi32, #tpu.memory_space<vmem>>, vector<16xi32>,
      %get3A_791 = vector.shape_cast %get3A_790 : vector<16xi32> to vector<16xi32>
      %mul3A_792 = arith.constant 2 : i32
      %mul3A_793 = vector.broadcast %mul3A_792 : i32 to vector<16xi32>
      %mul3A_794 = arith.muli %get3A_791, %mul3A_793 : vector<16xi32>
      %add3A_795 = vector.broadcast %arg0 : i32 to vector<16xi32>
      %add3A_796 = arith.addi %mul3A_794, %add3A_795 : vector<16xi32>
      %swap3A_797 = arith.constant 16 : index
      %swap3A_798 = tpu.vector_load %arg9[%swap3A_797] {strides = array<i32>} : memref<128xi32, #tpu.memory_space<vmem>>, vector<16xi32>,
      %swap3A_799 = vector.shape_cast %swap3A_798 : vector<16xi32> to vector<16xi32>
      %swap3A_800 = vector.shape_cast %add3A_796 : vector<16xi32> to vector<16xi32>
      tpu.vector_store %arg9[%swap3A_797], %swap3A_800 {strides = array<i32>} : memref<128xi32, #tpu.memory_space<vmem>>, vector<16xi32>,
      %get3A_801 = arith.constant 32 : index
      %get3A_802 = tpu.vector_load %arg9[%get3A_801] {strides = array<i32>} : memref<128xi32, #tpu.memory_space<vmem>>, vector<16xi32>,
      %get3A_803 = vector.shape_cast %get3A_802 : vector<16xi32> to vector<16xi32>
      %mul3A_804 = arith.constant 2 : i32
      %mul3A_805 = vector.broadcast %mul3A_804 : i32 to vector<16xi32>
      %mul3A_806 = arith.muli %get3A_803, %mul3A_805 : vector<16xi32>
      %add3A_807 = vector.broadcast %arg0 : i32 to vector<16xi32>
      %add3A_808 = arith.addi %mul3A_806, %add3A_807 : vector<16xi32>
      %swap3A_809 = arith.constant 32 : index
      %swap3A_810 = tpu.vector_load %arg9[%swap3A_809] {strides = array<i32>} : memref<128xi32, #tpu.memory_space<vmem>>, vector<16xi32>,
      %swap3A_811 = vector.shape_cast %swap3A_810 : vector<16xi32> to vector<16xi32>
      %swap3A_812 = vector.shape_cast %add3A_808 : vector<16xi32> to vector<16xi32>
      tpu.vector_store %arg9[%swap3A_809], %swap3A_812 {strides = array<i32>} : memref<128xi32, #tpu.memory_space<vmem>>, vector<16xi32>,
      %get3A_813 = arith.constant 48 : index
      %get3A_814 = tpu.vector_load %arg9[%get3A_813] {strides = array<i32>} : memref<128xi32, #tpu.memory_space<vmem>>, vector<16xi32>,
      %get3A_815 = vector.shape_cast %get3A_814 : vector<16xi32> to vector<16xi32>
      %mul3A_816 = arith.constant 2 : i32
      %mul3A_817 = vector.broadcast %mul3A_816 : i32 to vector<16xi32>
      %mul3A_818 = arith.muli %get3A_815, %mul3A_817 : vector<16xi32>
      %add3A_819 = vector.broadcast %arg0 : i32 to vector<16xi32>
      %add3A_820 = arith.addi %mul3A_818, %add3A_819 : vector<16xi32>
      %swap3A_821 = arith.constant 48 : index
      %swap3A_822 = tpu.vector_load %arg9[%swap3A_821] {strides = array<i32>} : memref<128xi32, #tpu.memory_space<vmem>>, vector<16xi32>,
      %swap3A_823 = vector.shape_cast %swap3A_822 : vector<16xi32> to vector<16xi32>
      %swap3A_824 = vector.shape_cast %add3A_820 : vector<16xi32> to vector<16xi32>
      tpu.vector_store %arg9[%swap3A_821], %swap3A_824 {strides = array<i32>} : memref<128xi32, #tpu.memory_space<vmem>>, vector<16xi32>,
      %get3A_825 = arith.constant 64 : index
      %get3A_826 = tpu.vector_load %arg9[%get3A_825] {strides = array<i32>} : memref<128xi32, #tpu.memory_space<vmem>>, vector<16xi32>,
      %get3A_827 = vector.shape_cast %get3A_826 : vector<16xi32> to vector<16xi32>
      %mul3A_828 = arith.constant 2 : i32
      %mul3A_829 = vector.broadcast %mul3A_828 : i32 to vector<16xi32>
      %mul3A_830 = arith.muli %get3A_827, %mul3A_829 : vector<16xi32>
      %add3A_831 = vector.broadcast %arg0 : i32 to vector<16xi32>
      %add3A_832 = arith.addi %mul3A_830, %add3A_831 : vector<16xi32>
      %swap3A_833 = arith.constant 64 : index
      %swap3A_834 = tpu.vector_load %arg9[%swap3A_833] {strides = array<i32>} : memref<128xi32, #tpu.memory_space<vmem>>, vector<16xi32>,
      %swap3A_835 = vector.shape_cast %swap3A_834 : vector<16xi32> to vector<16xi32>
      %swap3A_836 = vector.shape_cast %add3A_832 : vector<16xi32> to vector<16xi32>
      tpu.vector_store %arg9[%swap3A_833], %swap3A_836 {strides = array<i32>} : memref<128xi32, #tpu.memory_space<vmem>>, vector<16xi32>,
      %get3A_837 = arith.constant 80 : index
      %get3A_838 = tpu.vector_load %arg9[%get3A_837] {strides = array<i32>} : memref<128xi32, #tpu.memory_space<vmem>>, vector<16xi32>,
      %get3A_839 = vector.shape_cast %get3A_838 : vector<16xi32> to vector<16xi32>
      %mul3A_840 = arith.constant 2 : i32
      %mul3A_841 = vector.broadcast %mul3A_840 : i32 to vector<16xi32>
      %mul3A_842 = arith.muli %get3A_839, %mul3A_841 : vector<16xi32>
      %add3A_843 = vector.broadcast %arg0 : i32 to vector<16xi32>
      %add3A_844 = arith.addi %mul3A_842, %add3A_843 : vector<16xi32>
      %swap3A_845 = arith.constant 80 : index
      %swap3A_846 = tpu.vector_load %arg9[%swap3A_845] {strides = array<i32>} : memref<128xi32, #tpu.memory_space<vmem>>, vector<16xi32>,
      %swap3A_847 = vector.shape_cast %swap3A_846 : vector<16xi32> to vector<16xi32>
      %swap3A_848 = vector.shape_cast %add3A_844 : vector<16xi32> to vector<16xi32>
      tpu.vector_store %arg9[%swap3A_845], %swap3A_848 {strides = array<i32>} : memref<128xi32, #tpu.memory_space<vmem>>, vector<16xi32>,
      %get3A_849 = arith.constant 96 : index
      %get3A_850 = tpu.vector_load %arg9[%get3A_849] {strides = array<i32>} : memref<128xi32, #tpu.memory_space<vmem>>, vector<16xi32>,
      %get3A_851 = vector.shape_cast %get3A_850 : vector<16xi32> to vector<16xi32>
      %mul3A_852 = arith.constant 2 : i32
      %mul3A_853 = vector.broadcast %mul3A_852 : i32 to vector<16xi32>
      %mul3A_854 = arith.muli %get3A_851, %mul3A_853 : vector<16xi32>
      %add3A_855 = vector.broadcast %arg0 : i32 to vector<16xi32>
      %add3A_856 = arith.addi %mul3A_854, %add3A_855 : vector<16xi32>
      %swap3A_857 = arith.constant 96 : index
      %swap3A_858 = tpu.vector_load %arg9[%swap3A_857] {strides = array<i32>} : memref<128xi32, #tpu.memory_space<vmem>>, vector<16xi32>,
      %swap3A_859 = vector.shape_cast %swap3A_858 : vector<16xi32> to vector<16xi32>
      %swap3A_860 = vector.shape_cast %add3A_856 : vector<16xi32> to vector<16xi32>
      tpu.vector_store %arg9[%swap3A_857], %swap3A_860 {strides = array<i32>} : memref<128xi32, #tpu.memory_space<vmem>>, vector<16xi32>,
      %get3A_861 = arith.constant 112 : index
      %get3A_862 = tpu.vector_load %arg9[%get3A_861] {strides = array<i32>} : memref<128xi32, #tpu.memory_space<vmem>>, vector<16xi32>,
      %get3A_863 = vector.shape_cast %get3A_862 : vector<16xi32> to vector<16xi32>
      %mul3A_864 = arith.constant 2 : i32
      %mul3A_865 = vector.broadcast %mul3A_864 : i32 to vector<16xi32>
      %mul3A_866 = arith.muli %get3A_863, %mul3A_865 : vector<16xi32>
      %add3A_867 = vector.broadcast %arg0 : i32 to vector<16xi32>
      %add3A_868 = arith.addi %mul3A_866, %add3A_867 : vector<16xi32>
      %swap3A_869 = arith.constant 112 : index
      %swap3A_870 = tpu.vector_load %arg9[%swap3A_869] {strides = array<i32>} : memref<128xi32, #tpu.memory_space<vmem>>, vector<16xi32>,
      %swap3A_871 = vector.shape_cast %swap3A_870 : vector<16xi32> to vector<16xi32>
      %swap3A_872 = vector.shape_cast %add3A_868 : vector<16xi32> to vector<16xi32>
      tpu.vector_store %arg9[%swap3A_869], %swap3A_872 {strides = array<i32>} : memref<128xi32, #tpu.memory_space<vmem>>, vector<16xi32>,
      %dma_start3A_873 = arith.constant 0 : i32
      %dma_start3A_874 = arith.constant 0 : i32
      %dma_start3A_875 = tpu.memref_slice %arg2[%dma_start3A_873, %dma_start3A_874] : memref<20000x128xf32, #tpu.memory_space<hbm>> -> memref<20000x128xf32, #tpu.memory_space<hbm>>
      tpu.enqueue_indirect_dma source(%dma_start3A_875 : memref<20000x128xf32, #tpu.memory_space<hbm>>) target(%arg12 : memref<128x128xf32, #tpu.memory_space<vmem>>) offsets(%arg9 : memref<128xi32, #tpu.memory_space<vmem>>) semaphore(%arg15 : memref<!tpu.dma_semaphore, #tpu.memory_space<semaphore_mem>>)
      %add3A_876 = arith.constant 1 : i32
      %add3A_877 = arith.addi %mul3A_739, %add3A_876 : i32
      %dma_wait3A_878 = arith.constant 0 : i32
      %dma_wait3A_879 = arith.constant 0 : i32
      %dma_wait3A_880 = tpu.memref_slice %arg2[%dma_wait3A_878, %dma_wait3A_879] : memref<20000x128xf32, #tpu.memory_space<hbm>> -> memref<20000x128xf32, #tpu.memory_space<hbm>>
      tpu.wait_indirect_dma semaphore(%arg14 : memref<!tpu.dma_semaphore, #tpu.memory_space<semaphore_mem>>) src(%dma_wait3A_880 : memref<20000x128xf32, #tpu.memory_space<hbm>>) dst(%arg11 : memref<128x128xf32, #tpu.memory_space<vmem>>)
      %add3A_881 = arith.constant 4 : i32
      %add3A_882 = arith.addi %add3A_877, %add3A_881 : i32
      %dma_start3A_883 = arith.constant 0 : i32
      %dma_start3A_884 = arith.constant 0 : i32
      %dma_start3A_885 = tpu.memref_slice %arg3[%arg1, %dma_start3A_883, %dma_start3A_884] : memref<16x80x128xi32, #tpu.memory_space<hbm>> -> memref<1x80x128xi32, #tpu.memory_space<hbm>>
      %dma_start3A_886 = tpu.memref_squeeze %dma_start3A_885 : memref<1x80x128xi32, #tpu.memory_space<hbm>> -> memref<80x128xi32, #tpu.memory_space<hbm>>
      %dma_start3A_887 = arith.constant 0 : i32
      %dma_start3A_888 = tpu.memref_slice %dma_start3A_886[%add3A_882, %dma_start3A_887] : memref<80x128xi32, #tpu.memory_space<hbm>> -> memref<1x128xi32, #tpu.memory_space<hbm>>
      %dma_start3A_889 = tpu.memref_squeeze %dma_start3A_888 : memref<1x128xi32, #tpu.memory_space<hbm>> -> memref<128xi32, #tpu.memory_space<hbm>>
      %dma_start3A_890 = arith.constant 0 : i32
      %dma_start3A_891 = arith.constant 0 : i32
      %dma_start3A_892 = tpu.memref_slice %arg3[%arg1, %dma_start3A_890, %dma_start3A_891] : memref<16x80x128xi32, #tpu.memory_space<hbm>> -> memref<1x80x128xi32, #tpu.memory_space<hbm>>
      %dma_start3A_893 = tpu.memref_squeeze %dma_start3A_892 : memref<1x80x128xi32, #tpu.memory_space<hbm>> -> memref<80x128xi32, #tpu.memory_space<hbm>>
      %dma_start3A_894 = arith.constant 0 : i32
      %dma_start3A_895 = tpu.memref_slice %dma_start3A_893[%add3A_882, %dma_start3A_894] : memref<80x128xi32, #tpu.memory_space<hbm>> -> memref<1x128xi32, #tpu.memory_space<hbm>>
      %dma_start3A_896 = tpu.memref_squeeze %dma_start3A_895 : memref<1x128xi32, #tpu.memory_space<hbm>> -> memref<128xi32, #tpu.memory_space<hbm>>
      tpu.enqueue_dma source(%dma_start3A_896 : memref<128xi32, #tpu.memory_space<hbm>>) target(%arg8 : memref<128xi32, #tpu.memory_space<vmem>>) target_semaphore(%arg18 : memref<!tpu.dma_semaphore, #tpu.memory_space<semaphore_mem>>)
      "tpu.region"() ({
        %run_scoped3A_1284 = tpu.sem_alloc : memref<!tpu.dma_semaphore, #tpu.memory_space<semaphore_mem>>
        %dma_start3A_1285 = arith.constant 0 : i32
        %dma_start3A_1286 = tpu.memref_slice %arg6[%add3A_877, %dma_start3A_1285] : memref<80x128xi32, #tpu.memory_space<vmem>> -> memref<1x128xi32, #tpu.memory_space<vmem>>
        %dma_start3A_1287 = tpu.memref_squeeze %dma_start3A_1286 : memref<1x128xi32, #tpu.memory_space<vmem>> -> memref<128xi32, #tpu.memory_space<vmem>>
        %dma_start3A_1288 = arith.constant 0 : i32
        %dma_start3A_1289 = arith.constant 0 : i32
        %dma_start3A_1290 = tpu.memref_slice %arg13[%dma_start3A_1288, %dma_start3A_1289] : memref<10008x128xf32, #tpu.memory_space<vmem_shared>> -> memref<10008x128xf32, #tpu.memory_space<vmem_shared>>
        tpu.enqueue_indirect_dma source(%arg11 : memref<128x128xf32, #tpu.memory_space<vmem>>) target(%dma_start3A_1290 : memref<10008x128xf32, #tpu.memory_space<vmem_shared>>) offsets(%dma_start3A_1287 : memref<128xi32, #tpu.memory_space<vmem>>) semaphore(%run_scoped3A_1284 : memref<!tpu.dma_semaphore, #tpu.memory_space<semaphore_mem>>) {add = true}
        %dma_wait3A_1291 = arith.constant 0 : i32
        %dma_wait3A_1292 = tpu.memref_slice %arg6[%add3A_877, %dma_wait3A_1291] : memref<80x128xi32, #tpu.memory_space<vmem>> -> memref<1x128xi32, #tpu.memory_space<vmem>>
        %dma_wait3A_1293 = tpu.memref_squeeze %dma_wait3A_1292 : memref<1x128xi32, #tpu.memory_space<vmem>> -> memref<128xi32, #tpu.memory_space<vmem>>
        %dma_wait3A_1294 = arith.constant 0 : i32
        %dma_wait3A_1295 = arith.constant 0 : i32
        %dma_wait3A_1296 = tpu.memref_slice %arg13[%dma_wait3A_1294, %dma_wait3A_1295] : memref<10008x128xf32, #tpu.memory_space<vmem_shared>> -> memref<10008x128xf32, #tpu.memory_space<vmem_shared>>
        tpu.wait_indirect_dma semaphore(%run_scoped3A_1284 : memref<!tpu.dma_semaphore, #tpu.memory_space<semaphore_mem>>) src(%arg11 : memref<128x128xf32, #tpu.memory_space<vmem>>) dst(%dma_wait3A_1296 : memref<10008x128xf32, #tpu.memory_space<vmem_shared>>)
        tpu.yield
      }) : () -> ()
      %add3A_897 = arith.constant 2 : i32
      %add3A_898 = arith.addi %add3A_877, %add3A_897 : i32
      %dma_wait3A_899 = arith.constant 0 : i32
      %dma_wait3A_900 = arith.constant 0 : i32
      %dma_wait3A_901 = tpu.memref_slice %arg3[%arg1, %dma_wait3A_899, %dma_wait3A_900] : memref<16x80x128xi32, #tpu.memory_space<hbm>> -> memref<1x80x128xi32, #tpu.memory_space<hbm>>
      %dma_wait3A_902 = tpu.memref_squeeze %dma_wait3A_901 : memref<1x80x128xi32, #tpu.memory_space<hbm>> -> memref<80x128xi32, #tpu.memory_space<hbm>>
      %dma_wait3A_903 = arith.constant 0 : i32
      %dma_wait3A_904 = tpu.memref_slice %dma_wait3A_902[%add3A_898, %dma_wait3A_903] : memref<80x128xi32, #tpu.memory_space<hbm>> -> memref<1x128xi32, #tpu.memory_space<hbm>>
      %dma_wait3A_905 = tpu.memref_squeeze %dma_wait3A_904 : memref<1x128xi32, #tpu.memory_space<hbm>> -> memref<128xi32, #tpu.memory_space<hbm>>
      %dma_wait3A_906 = arith.constant 0 : i32
      %dma_wait3A_907 = arith.constant 0 : i32
      %dma_wait3A_908 = tpu.memref_slice %arg3[%arg1, %dma_wait3A_906, %dma_wait3A_907] : memref<16x80x128xi32, #tpu.memory_space<hbm>> -> memref<1x80x128xi32, #tpu.memory_space<hbm>>
      %dma_wait3A_909 = tpu.memref_squeeze %dma_wait3A_908 : memref<1x80x128xi32, #tpu.memory_space<hbm>> -> memref<80x128xi32, #tpu.memory_space<hbm>>
      %dma_wait3A_910 = arith.constant 0 : i32
      %dma_wait3A_911 = tpu.memref_slice %dma_wait3A_909[%add3A_898, %dma_wait3A_910] : memref<80x128xi32, #tpu.memory_space<hbm>> -> memref<1x128xi32, #tpu.memory_space<hbm>>
      %dma_wait3A_912 = tpu.memref_squeeze %dma_wait3A_911 : memref<1x128xi32, #tpu.memory_space<hbm>> -> memref<128xi32, #tpu.memory_space<hbm>>
      tpu.wait_dma2 semaphore(%arg20 : memref<!tpu.dma_semaphore, #tpu.memory_space<semaphore_mem>>) src(%dma_wait3A_912 : memref<128xi32, #tpu.memory_space<hbm>>) dst(%arg10 : memref<128xi32, #tpu.memory_space<vmem>>)
      %get3A_913 = arith.constant 0 : index
      %get3A_914 = tpu.vector_load %arg10[%get3A_913] {strides = array<i32>} : memref<128xi32, #tpu.memory_space<vmem>>, vector<16xi32>,
      %get3A_915 = vector.shape_cast %get3A_914 : vector<16xi32> to vector<16xi32>
      %mul3A_916 = arith.constant 2 : i32
      %mul3A_917 = vector.broadcast %mul3A_916 : i32 to vector<16xi32>
      %mul3A_918 = arith.muli %get3A_915, %mul3A_917 : vector<16xi32>
      %add3A_919 = vector.broadcast %arg0 : i32 to vector<16xi32>
      %add3A_920 = arith.addi %mul3A_918, %add3A_919 : vector<16xi32>
      %swap3A_921 = arith.constant 0 : index
      %swap3A_922 = tpu.vector_load %arg10[%swap3A_921] {strides = array<i32>} : memref<128xi32, #tpu.memory_space<vmem>>, vector<16xi32>,
      %swap3A_923 = vector.shape_cast %swap3A_922 : vector<16xi32> to vector<16xi32>
      %swap3A_924 = vector.shape_cast %add3A_920 : vector<16xi32> to vector<16xi32>
      tpu.vector_store %arg10[%swap3A_921], %swap3A_924 {strides = array<i32>} : memref<128xi32, #tpu.memory_space<vmem>>, vector<16xi32>,
      %get3A_925 = arith.constant 16 : index
      %get3A_926 = tpu.vector_load %arg10[%get3A_925] {strides = array<i32>} : memref<128xi32, #tpu.memory_space<vmem>>, vector<16xi32>,
      %get3A_927 = vector.shape_cast %get3A_926 : vector<16xi32> to vector<16xi32>
      %mul3A_928 = arith.constant 2 : i32
      %mul3A_929 = vector.broadcast %mul3A_928 : i32 to vector<16xi32>
      %mul3A_930 = arith.muli %get3A_927, %mul3A_929 : vector<16xi32>
      %add3A_931 = vector.broadcast %arg0 : i32 to vector<16xi32>
      %add3A_932 = arith.addi %mul3A_930, %add3A_931 : vector<16xi32>
      %swap3A_933 = arith.constant 16 : index
      %swap3A_934 = tpu.vector_load %arg10[%swap3A_933] {strides = array<i32>} : memref<128xi32, #tpu.memory_space<vmem>>, vector<16xi32>,
      %swap3A_935 = vector.shape_cast %swap3A_934 : vector<16xi32> to vector<16xi32>
      %swap3A_936 = vector.shape_cast %add3A_932 : vector<16xi32> to vector<16xi32>
      tpu.vector_store %arg10[%swap3A_933], %swap3A_936 {strides = array<i32>} : memref<128xi32, #tpu.memory_space<vmem>>, vector<16xi32>,
      %get3A_937 = arith.constant 32 : index
      %get3A_938 = tpu.vector_load %arg10[%get3A_937] {strides = array<i32>} : memref<128xi32, #tpu.memory_space<vmem>>, vector<16xi32>,
      %get3A_939 = vector.shape_cast %get3A_938 : vector<16xi32> to vector<16xi32>
      %mul3A_940 = arith.constant 2 : i32
      %mul3A_941 = vector.broadcast %mul3A_940 : i32 to vector<16xi32>
      %mul3A_942 = arith.muli %get3A_939, %mul3A_941 : vector<16xi32>
      %add3A_943 = vector.broadcast %arg0 : i32 to vector<16xi32>
      %add3A_944 = arith.addi %mul3A_942, %add3A_943 : vector<16xi32>
      %swap3A_945 = arith.constant 32 : index
      %swap3A_946 = tpu.vector_load %arg10[%swap3A_945] {strides = array<i32>} : memref<128xi32, #tpu.memory_space<vmem>>, vector<16xi32>,
      %swap3A_947 = vector.shape_cast %swap3A_946 : vector<16xi32> to vector<16xi32>
      %swap3A_948 = vector.shape_cast %add3A_944 : vector<16xi32> to vector<16xi32>
      tpu.vector_store %arg10[%swap3A_945], %swap3A_948 {strides = array<i32>} : memref<128xi32, #tpu.memory_space<vmem>>, vector<16xi32>,
      %get3A_949 = arith.constant 48 : index
      %get3A_950 = tpu.vector_load %arg10[%get3A_949] {strides = array<i32>} : memref<128xi32, #tpu.memory_space<vmem>>, vector<16xi32>,
      %get3A_951 = vector.shape_cast %get3A_950 : vector<16xi32> to vector<16xi32>
      %mul3A_952 = arith.constant 2 : i32
      %mul3A_953 = vector.broadcast %mul3A_952 : i32 to vector<16xi32>
      %mul3A_954 = arith.muli %get3A_951, %mul3A_953 : vector<16xi32>
      %add3A_955 = vector.broadcast %arg0 : i32 to vector<16xi32>
      %add3A_956 = arith.addi %mul3A_954, %add3A_955 : vector<16xi32>
      %swap3A_957 = arith.constant 48 : index
      %swap3A_958 = tpu.vector_load %arg10[%swap3A_957] {strides = array<i32>} : memref<128xi32, #tpu.memory_space<vmem>>, vector<16xi32>,
      %swap3A_959 = vector.shape_cast %swap3A_958 : vector<16xi32> to vector<16xi32>
      %swap3A_960 = vector.shape_cast %add3A_956 : vector<16xi32> to vector<16xi32>
      tpu.vector_store %arg10[%swap3A_957], %swap3A_960 {strides = array<i32>} : memref<128xi32, #tpu.memory_space<vmem>>, vector<16xi32>,
      %get3A_961 = arith.constant 64 : index
      %get3A_962 = tpu.vector_load %arg10[%get3A_961] {strides = array<i32>} : memref<128xi32, #tpu.memory_space<vmem>>, vector<16xi32>,
      %get3A_963 = vector.shape_cast %get3A_962 : vector<16xi32> to vector<16xi32>
      %mul3A_964 = arith.constant 2 : i32
      %mul3A_965 = vector.broadcast %mul3A_964 : i32 to vector<16xi32>
      %mul3A_966 = arith.muli %get3A_963, %mul3A_965 : vector<16xi32>
      %add3A_967 = vector.broadcast %arg0 : i32 to vector<16xi32>
      %add3A_968 = arith.addi %mul3A_966, %add3A_967 : vector<16xi32>
      %swap3A_969 = arith.constant 64 : index
      %swap3A_970 = tpu.vector_load %arg10[%swap3A_969] {strides = array<i32>} : memref<128xi32, #tpu.memory_space<vmem>>, vector<16xi32>,
      %swap3A_971 = vector.shape_cast %swap3A_970 : vector<16xi32> to vector<16xi32>
      %swap3A_972 = vector.shape_cast %add3A_968 : vector<16xi32> to vector<16xi32>
      tpu.vector_store %arg10[%swap3A_969], %swap3A_972 {strides = array<i32>} : memref<128xi32, #tpu.memory_space<vmem>>, vector<16xi32>,
      %get3A_973 = arith.constant 80 : index
      %get3A_974 = tpu.vector_load %arg10[%get3A_973] {strides = array<i32>} : memref<128xi32, #tpu.memory_space<vmem>>, vector<16xi32>,
      %get3A_975 = vector.shape_cast %get3A_974 : vector<16xi32> to vector<16xi32>
      %mul3A_976 = arith.constant 2 : i32
      %mul3A_977 = vector.broadcast %mul3A_976 : i32 to vector<16xi32>
      %mul3A_978 = arith.muli %get3A_975, %mul3A_977 : vector<16xi32>
      %add3A_979 = vector.broadcast %arg0 : i32 to vector<16xi32>
      %add3A_980 = arith.addi %mul3A_978, %add3A_979 : vector<16xi32>
      %swap3A_981 = arith.constant 80 : index
      %swap3A_982 = tpu.vector_load %arg10[%swap3A_981] {strides = array<i32>} : memref<128xi32, #tpu.memory_space<vmem>>, vector<16xi32>,
      %swap3A_983 = vector.shape_cast %swap3A_982 : vector<16xi32> to vector<16xi32>
      %swap3A_984 = vector.shape_cast %add3A_980 : vector<16xi32> to vector<16xi32>
      tpu.vector_store %arg10[%swap3A_981], %swap3A_984 {strides = array<i32>} : memref<128xi32, #tpu.memory_space<vmem>>, vector<16xi32>,
      %get3A_985 = arith.constant 96 : index
      %get3A_986 = tpu.vector_load %arg10[%get3A_985] {strides = array<i32>} : memref<128xi32, #tpu.memory_space<vmem>>, vector<16xi32>,
      %get3A_987 = vector.shape_cast %get3A_986 : vector<16xi32> to vector<16xi32>
      %mul3A_988 = arith.constant 2 : i32
      %mul3A_989 = vector.broadcast %mul3A_988 : i32 to vector<16xi32>
      %mul3A_990 = arith.muli %get3A_987, %mul3A_989 : vector<16xi32>
      %add3A_991 = vector.broadcast %arg0 : i32 to vector<16xi32>
      %add3A_992 = arith.addi %mul3A_990, %add3A_991 : vector<16xi32>
      %swap3A_993 = arith.constant 96 : index
      %swap3A_994 = tpu.vector_load %arg10[%swap3A_993] {strides = array<i32>} : memref<128xi32, #tpu.memory_space<vmem>>, vector<16xi32>,
      %swap3A_995 = vector.shape_cast %swap3A_994 : vector<16xi32> to vector<16xi32>
      %swap3A_996 = vector.shape_cast %add3A_992 : vector<16xi32> to vector<16xi32>
      tpu.vector_store %arg10[%swap3A_993], %swap3A_996 {strides = array<i32>} : memref<128xi32, #tpu.memory_space<vmem>>, vector<16xi32>,
      %get3A_997 = arith.constant 112 : index
      %get3A_998 = tpu.vector_load %arg10[%get3A_997] {strides = array<i32>} : memref<128xi32, #tpu.memory_space<vmem>>, vector<16xi32>,
      %get3A_999 = vector.shape_cast %get3A_998 : vector<16xi32> to vector<16xi32>
      %mul3A_1000 = arith.constant 2 : i32
      %mul3A_1001 = vector.broadcast %mul3A_1000 : i32 to vector<16xi32>
      %mul3A_1002 = arith.muli %get3A_999, %mul3A_1001 : vector<16xi32>
      %add3A_1003 = vector.broadcast %arg0 : i32 to vector<16xi32>
      %add3A_1004 = arith.addi %mul3A_1002, %add3A_1003 : vector<16xi32>
      %swap3A_1005 = arith.constant 112 : index
      %swap3A_1006 = tpu.vector_load %arg10[%swap3A_1005] {strides = array<i32>} : memref<128xi32, #tpu.memory_space<vmem>>, vector<16xi32>,
      %swap3A_1007 = vector.shape_cast %swap3A_1006 : vector<16xi32> to vector<16xi32>
      %swap3A_1008 = vector.shape_cast %add3A_1004 : vector<16xi32> to vector<16xi32>
      tpu.vector_store %arg10[%swap3A_1005], %swap3A_1008 {strides = array<i32>} : memref<128xi32, #tpu.memory_space<vmem>>, vector<16xi32>,
      %dma_start3A_1009 = arith.constant 0 : i32
      %dma_start3A_1010 = arith.constant 0 : i32
      %dma_start3A_1011 = tpu.memref_slice %arg2[%dma_start3A_1009, %dma_start3A_1010] : memref<20000x128xf32, #tpu.memory_space<hbm>> -> memref<20000x128xf32, #tpu.memory_space<hbm>>
      tpu.enqueue_indirect_dma source(%dma_start3A_1011 : memref<20000x128xf32, #tpu.memory_space<hbm>>) target(%arg11 : memref<128x128xf32, #tpu.memory_space<vmem>>) offsets(%arg10 : memref<128xi32, #tpu.memory_space<vmem>>) semaphore(%arg14 : memref<!tpu.dma_semaphore, #tpu.memory_space<semaphore_mem>>)
      %add3A_1012 = arith.constant 2 : i32
      %add3A_1013 = arith.addi %mul3A_739, %add3A_1012 : i32
      %dma_wait3A_1014 = arith.constant 0 : i32
      %dma_wait3A_1015 = arith.constant 0 : i32
      %dma_wait3A_1016 = tpu.memref_slice %arg2[%dma_wait3A_1014, %dma_wait3A_1015] : memref<20000x128xf32, #tpu.memory_space<hbm>> -> memref<20000x128xf32, #tpu.memory_space<hbm>>
      tpu.wait_indirect_dma semaphore(%arg15 : memref<!tpu.dma_semaphore, #tpu.memory_space<semaphore_mem>>) src(%dma_wait3A_1016 : memref<20000x128xf32, #tpu.memory_space<hbm>>) dst(%arg12 : memref<128x128xf32, #tpu.memory_space<vmem>>)
      %add3A_1017 = arith.constant 4 : i32
      %add3A_1018 = arith.addi %add3A_1013, %add3A_1017 : i32
      %dma_start3A_1019 = arith.constant 0 : i32
      %dma_start3A_1020 = arith.constant 0 : i32
      %dma_start3A_1021 = tpu.memref_slice %arg3[%arg1, %dma_start3A_1019, %dma_start3A_1020] : memref<16x80x128xi32, #tpu.memory_space<hbm>> -> memref<1x80x128xi32, #tpu.memory_space<hbm>>
      %dma_start3A_1022 = tpu.memref_squeeze %dma_start3A_1021 : memref<1x80x128xi32, #tpu.memory_space<hbm>> -> memref<80x128xi32, #tpu.memory_space<hbm>>
      %dma_start3A_1023 = arith.constant 0 : i32
      %dma_start3A_1024 = tpu.memref_slice %dma_start3A_1022[%add3A_1018, %dma_start3A_1023] : memref<80x128xi32, #tpu.memory_space<hbm>> -> memref<1x128xi32, #tpu.memory_space<hbm>>
      %dma_start3A_1025 = tpu.memref_squeeze %dma_start3A_1024 : memref<1x128xi32, #tpu.memory_space<hbm>> -> memref<128xi32, #tpu.memory_space<hbm>>
      %dma_start3A_1026 = arith.constant 0 : i32
      %dma_start3A_1027 = arith.constant 0 : i32
      %dma_start3A_1028 = tpu.memref_slice %arg3[%arg1, %dma_start3A_1026, %dma_start3A_1027] : memref<16x80x128xi32, #tpu.memory_space<hbm>> -> memref<1x80x128xi32, #tpu.memory_space<hbm>>
      %dma_start3A_1029 = tpu.memref_squeeze %dma_start3A_1028 : memref<1x80x128xi32, #tpu.memory_space<hbm>> -> memref<80x128xi32, #tpu.memory_space<hbm>>
      %dma_start3A_1030 = arith.constant 0 : i32
      %dma_start3A_1031 = tpu.memref_slice %dma_start3A_1029[%add3A_1018, %dma_start3A_1030] : memref<80x128xi32, #tpu.memory_space<hbm>> -> memref<1x128xi32, #tpu.memory_space<hbm>>
      %dma_start3A_1032 = tpu.memref_squeeze %dma_start3A_1031 : memref<1x128xi32, #tpu.memory_space<hbm>> -> memref<128xi32, #tpu.memory_space<hbm>>
      tpu.enqueue_dma source(%dma_start3A_1032 : memref<128xi32, #tpu.memory_space<hbm>>) target(%arg9 : memref<128xi32, #tpu.memory_space<vmem>>) target_semaphore(%arg19 : memref<!tpu.dma_semaphore, #tpu.memory_space<semaphore_mem>>)
      "tpu.region"() ({
        %run_scoped3A_1284 = tpu.sem_alloc : memref<!tpu.dma_semaphore, #tpu.memory_space<semaphore_mem>>
        %dma_start3A_1285 = arith.constant 0 : i32
        %dma_start3A_1286 = tpu.memref_slice %arg6[%add3A_1013, %dma_start3A_1285] : memref<80x128xi32, #tpu.memory_space<vmem>> -> memref<1x128xi32, #tpu.memory_space<vmem>>
        %dma_start3A_1287 = tpu.memref_squeeze %dma_start3A_1286 : memref<1x128xi32, #tpu.memory_space<vmem>> -> memref<128xi32, #tpu.memory_space<vmem>>
        %dma_start3A_1288 = arith.constant 0 : i32
        %dma_start3A_1289 = arith.constant 0 : i32
        %dma_start3A_1290 = tpu.memref_slice %arg13[%dma_start3A_1288, %dma_start3A_1289] : memref<10008x128xf32, #tpu.memory_space<vmem_shared>> -> memref<10008x128xf32, #tpu.memory_space<vmem_shared>>
        tpu.enqueue_indirect_dma source(%arg12 : memref<128x128xf32, #tpu.memory_space<vmem>>) target(%dma_start3A_1290 : memref<10008x128xf32, #tpu.memory_space<vmem_shared>>) offsets(%dma_start3A_1287 : memref<128xi32, #tpu.memory_space<vmem>>) semaphore(%run_scoped3A_1284 : memref<!tpu.dma_semaphore, #tpu.memory_space<semaphore_mem>>) {add = true}
        %dma_wait3A_1291 = arith.constant 0 : i32
        %dma_wait3A_1292 = tpu.memref_slice %arg6[%add3A_1013, %dma_wait3A_1291] : memref<80x128xi32, #tpu.memory_space<vmem>> -> memref<1x128xi32, #tpu.memory_space<vmem>>
        %dma_wait3A_1293 = tpu.memref_squeeze %dma_wait3A_1292 : memref<1x128xi32, #tpu.memory_space<vmem>> -> memref<128xi32, #tpu.memory_space<vmem>>
        %dma_wait3A_1294 = arith.constant 0 : i32
        %dma_wait3A_1295 = arith.constant 0 : i32
        %dma_wait3A_1296 = tpu.memref_slice %arg13[%dma_wait3A_1294, %dma_wait3A_1295] : memref<10008x128xf32, #tpu.memory_space<vmem_shared>> -> memref<10008x128xf32, #tpu.memory_space<vmem_shared>>
        tpu.wait_indirect_dma semaphore(%run_scoped3A_1284 : memref<!tpu.dma_semaphore, #tpu.memory_space<semaphore_mem>>) src(%arg12 : memref<128x128xf32, #tpu.memory_space<vmem>>) dst(%dma_wait3A_1296 : memref<10008x128xf32, #tpu.memory_space<vmem_shared>>)
        tpu.yield
      }) : () -> ()
      %add3A_1033 = arith.constant 2 : i32
      %add3A_1034 = arith.addi %add3A_1013, %add3A_1033 : i32
      %dma_wait3A_1035 = arith.constant 0 : i32
      %dma_wait3A_1036 = arith.constant 0 : i32
      %dma_wait3A_1037 = tpu.memref_slice %arg3[%arg1, %dma_wait3A_1035, %dma_wait3A_1036] : memref<16x80x128xi32, #tpu.memory_space<hbm>> -> memref<1x80x128xi32, #tpu.memory_space<hbm>>
      %dma_wait3A_1038 = tpu.memref_squeeze %dma_wait3A_1037 : memref<1x80x128xi32, #tpu.memory_space<hbm>> -> memref<80x128xi32, #tpu.memory_space<hbm>>
      %dma_wait3A_1039 = arith.constant 0 : i32
      %dma_wait3A_1040 = tpu.memref_slice %dma_wait3A_1038[%add3A_1034, %dma_wait3A_1039] : memref<80x128xi32, #tpu.memory_space<hbm>> -> memref<1x128xi32, #tpu.memory_space<hbm>>
      %dma_wait3A_1041 = tpu.memref_squeeze %dma_wait3A_1040 : memref<1x128xi32, #tpu.memory_space<hbm>> -> memref<128xi32, #tpu.memory_space<hbm>>
      %dma_wait3A_1042 = arith.constant 0 : i32
      %dma_wait3A_1043 = arith.constant 0 : i32
      %dma_wait3A_1044 = tpu.memref_slice %arg3[%arg1, %dma_wait3A_1042, %dma_wait3A_1043] : memref<16x80x128xi32, #tpu.memory_space<hbm>> -> memref<1x80x128xi32, #tpu.memory_space<hbm>>
      %dma_wait3A_1045 = tpu.memref_squeeze %dma_wait3A_1044 : memref<1x80x128xi32, #tpu.memory_space<hbm>> -> memref<80x128xi32, #tpu.memory_space<hbm>>
      %dma_wait3A_1046 = arith.constant 0 : i32
      %dma_wait3A_1047 = tpu.memref_slice %dma_wait3A_1045[%add3A_1034, %dma_wait3A_1046] : memref<80x128xi32, #tpu.memory_space<hbm>> -> memref<1x128xi32, #tpu.memory_space<hbm>>
      %dma_wait3A_1048 = tpu.memref_squeeze %dma_wait3A_1047 : memref<1x128xi32, #tpu.memory_space<hbm>> -> memref<128xi32, #tpu.memory_space<hbm>>
      tpu.wait_dma2 semaphore(%arg17 : memref<!tpu.dma_semaphore, #tpu.memory_space<semaphore_mem>>) src(%dma_wait3A_1048 : memref<128xi32, #tpu.memory_space<hbm>>) dst(%arg7 : memref<128xi32, #tpu.memory_space<vmem>>)
      %get3A_1049 = arith.constant 0 : index
      %get3A_1050 = tpu.vector_load %arg7[%get3A_1049] {strides = array<i32>} : memref<128xi32, #tpu.memory_space<vmem>>, vector<16xi32>,
      %get3A_1051 = vector.shape_cast %get3A_1050 : vector<16xi32> to vector<16xi32>
      %mul3A_1052 = arith.constant 2 : i32
      %mul3A_1053 = vector.broadcast %mul3A_1052 : i32 to vector<16xi32>
      %mul3A_1054 = arith.muli %get3A_1051, %mul3A_1053 : vector<16xi32>
      %add3A_1055 = vector.broadcast %arg0 : i32 to vector<16xi32>
      %add3A_1056 = arith.addi %mul3A_1054, %add3A_1055 : vector<16xi32>
      %swap3A_1057 = arith.constant 0 : index
      %swap3A_1058 = tpu.vector_load %arg7[%swap3A_1057] {strides = array<i32>} : memref<128xi32, #tpu.memory_space<vmem>>, vector<16xi32>,
      %swap3A_1059 = vector.shape_cast %swap3A_1058 : vector<16xi32> to vector<16xi32>
      %swap3A_1060 = vector.shape_cast %add3A_1056 : vector<16xi32> to vector<16xi32>
      tpu.vector_store %arg7[%swap3A_1057], %swap3A_1060 {strides = array<i32>} : memref<128xi32, #tpu.memory_space<vmem>>, vector<16xi32>,
      %get3A_1061 = arith.constant 16 : index
      %get3A_1062 = tpu.vector_load %arg7[%get3A_1061] {strides = array<i32>} : memref<128xi32, #tpu.memory_space<vmem>>, vector<16xi32>,
      %get3A_1063 = vector.shape_cast %get3A_1062 : vector<16xi32> to vector<16xi32>
      %mul3A_1064 = arith.constant 2 : i32
      %mul3A_1065 = vector.broadcast %mul3A_1064 : i32 to vector<16xi32>
      %mul3A_1066 = arith.muli %get3A_1063, %mul3A_1065 : vector<16xi32>
      %add3A_1067 = vector.broadcast %arg0 : i32 to vector<16xi32>
      %add3A_1068 = arith.addi %mul3A_1066, %add3A_1067 : vector<16xi32>
      %swap3A_1069 = arith.constant 16 : index
      %swap3A_1070 = tpu.vector_load %arg7[%swap3A_1069] {strides = array<i32>} : memref<128xi32, #tpu.memory_space<vmem>>, vector<16xi32>,
      %swap3A_1071 = vector.shape_cast %swap3A_1070 : vector<16xi32> to vector<16xi32>
      %swap3A_1072 = vector.shape_cast %add3A_1068 : vector<16xi32> to vector<16xi32>
      tpu.vector_store %arg7[%swap3A_1069], %swap3A_1072 {strides = array<i32>} : memref<128xi32, #tpu.memory_space<vmem>>, vector<16xi32>,
      %get3A_1073 = arith.constant 32 : index
      %get3A_1074 = tpu.vector_load %arg7[%get3A_1073] {strides = array<i32>} : memref<128xi32, #tpu.memory_space<vmem>>, vector<16xi32>,
      %get3A_1075 = vector.shape_cast %get3A_1074 : vector<16xi32> to vector<16xi32>
      %mul3A_1076 = arith.constant 2 : i32
      %mul3A_1077 = vector.broadcast %mul3A_1076 : i32 to vector<16xi32>
      %mul3A_1078 = arith.muli %get3A_1075, %mul3A_1077 : vector<16xi32>
      %add3A_1079 = vector.broadcast %arg0 : i32 to vector<16xi32>
      %add3A_1080 = arith.addi %mul3A_1078, %add3A_1079 : vector<16xi32>
      %swap3A_1081 = arith.constant 32 : index
      %swap3A_1082 = tpu.vector_load %arg7[%swap3A_1081] {strides = array<i32>} : memref<128xi32, #tpu.memory_space<vmem>>, vector<16xi32>,
      %swap3A_1083 = vector.shape_cast %swap3A_1082 : vector<16xi32> to vector<16xi32>
      %swap3A_1084 = vector.shape_cast %add3A_1080 : vector<16xi32> to vector<16xi32>
      tpu.vector_store %arg7[%swap3A_1081], %swap3A_1084 {strides = array<i32>} : memref<128xi32, #tpu.memory_space<vmem>>, vector<16xi32>,
      %get3A_1085 = arith.constant 48 : index
      %get3A_1086 = tpu.vector_load %arg7[%get3A_1085] {strides = array<i32>} : memref<128xi32, #tpu.memory_space<vmem>>, vector<16xi32>,
      %get3A_1087 = vector.shape_cast %get3A_1086 : vector<16xi32> to vector<16xi32>
      %mul3A_1088 = arith.constant 2 : i32
      %mul3A_1089 = vector.broadcast %mul3A_1088 : i32 to vector<16xi32>
      %mul3A_1090 = arith.muli %get3A_1087, %mul3A_1089 : vector<16xi32>
      %add3A_1091 = vector.broadcast %arg0 : i32 to vector<16xi32>
      %add3A_1092 = arith.addi %mul3A_1090, %add3A_1091 : vector<16xi32>
      %swap3A_1093 = arith.constant 48 : index
      %swap3A_1094 = tpu.vector_load %arg7[%swap3A_1093] {strides = array<i32>} : memref<128xi32, #tpu.memory_space<vmem>>, vector<16xi32>,
      %swap3A_1095 = vector.shape_cast %swap3A_1094 : vector<16xi32> to vector<16xi32>
      %swap3A_1096 = vector.shape_cast %add3A_1092 : vector<16xi32> to vector<16xi32>
      tpu.vector_store %arg7[%swap3A_1093], %swap3A_1096 {strides = array<i32>} : memref<128xi32, #tpu.memory_space<vmem>>, vector<16xi32>,
      %get3A_1097 = arith.constant 64 : index
      %get3A_1098 = tpu.vector_load %arg7[%get3A_1097] {strides = array<i32>} : memref<128xi32, #tpu.memory_space<vmem>>, vector<16xi32>,
      %get3A_1099 = vector.shape_cast %get3A_1098 : vector<16xi32> to vector<16xi32>
      %mul3A_1100 = arith.constant 2 : i32
      %mul3A_1101 = vector.broadcast %mul3A_1100 : i32 to vector<16xi32>
      %mul3A_1102 = arith.muli %get3A_1099, %mul3A_1101 : vector<16xi32>
      %add3A_1103 = vector.broadcast %arg0 : i32 to vector<16xi32>
      %add3A_1104 = arith.addi %mul3A_1102, %add3A_1103 : vector<16xi32>
      %swap3A_1105 = arith.constant 64 : index
      %swap3A_1106 = tpu.vector_load %arg7[%swap3A_1105] {strides = array<i32>} : memref<128xi32, #tpu.memory_space<vmem>>, vector<16xi32>,
      %swap3A_1107 = vector.shape_cast %swap3A_1106 : vector<16xi32> to vector<16xi32>
      %swap3A_1108 = vector.shape_cast %add3A_1104 : vector<16xi32> to vector<16xi32>
      tpu.vector_store %arg7[%swap3A_1105], %swap3A_1108 {strides = array<i32>} : memref<128xi32, #tpu.memory_space<vmem>>, vector<16xi32>,
      %get3A_1109 = arith.constant 80 : index
      %get3A_1110 = tpu.vector_load %arg7[%get3A_1109] {strides = array<i32>} : memref<128xi32, #tpu.memory_space<vmem>>, vector<16xi32>,
      %get3A_1111 = vector.shape_cast %get3A_1110 : vector<16xi32> to vector<16xi32>
      %mul3A_1112 = arith.constant 2 : i32
      %mul3A_1113 = vector.broadcast %mul3A_1112 : i32 to vector<16xi32>
      %mul3A_1114 = arith.muli %get3A_1111, %mul3A_1113 : vector<16xi32>
      %add3A_1115 = vector.broadcast %arg0 : i32 to vector<16xi32>
      %add3A_1116 = arith.addi %mul3A_1114, %add3A_1115 : vector<16xi32>
      %swap3A_1117 = arith.constant 80 : index
      %swap3A_1118 = tpu.vector_load %arg7[%swap3A_1117] {strides = array<i32>} : memref<128xi32, #tpu.memory_space<vmem>>, vector<16xi32>,
      %swap3A_1119 = vector.shape_cast %swap3A_1118 : vector<16xi32> to vector<16xi32>
      %swap3A_1120 = vector.shape_cast %add3A_1116 : vector<16xi32> to vector<16xi32>
      tpu.vector_store %arg7[%swap3A_1117], %swap3A_1120 {strides = array<i32>} : memref<128xi32, #tpu.memory_space<vmem>>, vector<16xi32>,
      %get3A_1121 = arith.constant 96 : index
      %get3A_1122 = tpu.vector_load %arg7[%get3A_1121] {strides = array<i32>} : memref<128xi32, #tpu.memory_space<vmem>>, vector<16xi32>,
      %get3A_1123 = vector.shape_cast %get3A_1122 : vector<16xi32> to vector<16xi32>
      %mul3A_1124 = arith.constant 2 : i32
      %mul3A_1125 = vector.broadcast %mul3A_1124 : i32 to vector<16xi32>
      %mul3A_1126 = arith.muli %get3A_1123, %mul3A_1125 : vector<16xi32>
      %add3A_1127 = vector.broadcast %arg0 : i32 to vector<16xi32>
      %add3A_1128 = arith.addi %mul3A_1126, %add3A_1127 : vector<16xi32>
      %swap3A_1129 = arith.constant 96 : index
      %swap3A_1130 = tpu.vector_load %arg7[%swap3A_1129] {strides = array<i32>} : memref<128xi32, #tpu.memory_space<vmem>>, vector<16xi32>,
      %swap3A_1131 = vector.shape_cast %swap3A_1130 : vector<16xi32> to vector<16xi32>
      %swap3A_1132 = vector.shape_cast %add3A_1128 : vector<16xi32> to vector<16xi32>
      tpu.vector_store %arg7[%swap3A_1129], %swap3A_1132 {strides = array<i32>} : memref<128xi32, #tpu.memory_space<vmem>>, vector<16xi32>,
      %get3A_1133 = arith.constant 112 : index
      %get3A_1134 = tpu.vector_load %arg7[%get3A_1133] {strides = array<i32>} : memref<128xi32, #tpu.memory_space<vmem>>, vector<16xi32>,
      %get3A_1135 = vector.shape_cast %get3A_1134 : vector<16xi32> to vector<16xi32>
      %mul3A_1136 = arith.constant 2 : i32
      %mul3A_1137 = vector.broadcast %mul3A_1136 : i32 to vector<16xi32>
      %mul3A_1138 = arith.muli %get3A_1135, %mul3A_1137 : vector<16xi32>
      %add3A_1139 = vector.broadcast %arg0 : i32 to vector<16xi32>
      %add3A_1140 = arith.addi %mul3A_1138, %add3A_1139 : vector<16xi32>
      %swap3A_1141 = arith.constant 112 : index
      %swap3A_1142 = tpu.vector_load %arg7[%swap3A_1141] {strides = array<i32>} : memref<128xi32, #tpu.memory_space<vmem>>, vector<16xi32>,
      %swap3A_1143 = vector.shape_cast %swap3A_1142 : vector<16xi32> to vector<16xi32>
      %swap3A_1144 = vector.shape_cast %add3A_1140 : vector<16xi32> to vector<16xi32>
      tpu.vector_store %arg7[%swap3A_1141], %swap3A_1144 {strides = array<i32>} : memref<128xi32, #tpu.memory_space<vmem>>, vector<16xi32>,
      %dma_start3A_1145 = arith.constant 0 : i32
      %dma_start3A_1146 = arith.constant 0 : i32
      %dma_start3A_1147 = tpu.memref_slice %arg2[%dma_start3A_1145, %dma_start3A_1146] : memref<20000x128xf32, #tpu.memory_space<hbm>> -> memref<20000x128xf32, #tpu.memory_space<hbm>>
      tpu.enqueue_indirect_dma source(%dma_start3A_1147 : memref<20000x128xf32, #tpu.memory_space<hbm>>) target(%arg12 : memref<128x128xf32, #tpu.memory_space<vmem>>) offsets(%arg7 : memref<128xi32, #tpu.memory_space<vmem>>) semaphore(%arg15 : memref<!tpu.dma_semaphore, #tpu.memory_space<semaphore_mem>>)
      %add3A_1148 = arith.constant 3 : i32
      %add3A_1149 = arith.addi %mul3A_739, %add3A_1148 : i32
      %dma_wait3A_1150 = arith.constant 0 : i32
      %dma_wait3A_1151 = arith.constant 0 : i32
      %dma_wait3A_1152 = tpu.memref_slice %arg2[%dma_wait3A_1150, %dma_wait3A_1151] : memref<20000x128xf32, #tpu.memory_space<hbm>> -> memref<20000x128xf32, #tpu.memory_space<hbm>>
      tpu.wait_indirect_dma semaphore(%arg14 : memref<!tpu.dma_semaphore, #tpu.memory_space<semaphore_mem>>) src(%dma_wait3A_1152 : memref<20000x128xf32, #tpu.memory_space<hbm>>) dst(%arg11 : memref<128x128xf32, #tpu.memory_space<vmem>>)
      %add3A_1153 = arith.constant 4 : i32
      %add3A_1154 = arith.addi %add3A_1149, %add3A_1153 : i32
      %dma_start3A_1155 = arith.constant 0 : i32
      %dma_start3A_1156 = arith.constant 0 : i32
      %dma_start3A_1157 = tpu.memref_slice %arg3[%arg1, %dma_start3A_1155, %dma_start3A_1156] : memref<16x80x128xi32, #tpu.memory_space<hbm>> -> memref<1x80x128xi32, #tpu.memory_space<hbm>>
      %dma_start3A_1158 = tpu.memref_squeeze %dma_start3A_1157 : memref<1x80x128xi32, #tpu.memory_space<hbm>> -> memref<80x128xi32, #tpu.memory_space<hbm>>
      %dma_start3A_1159 = arith.constant 0 : i32
      %dma_start3A_1160 = tpu.memref_slice %dma_start3A_1158[%add3A_1154, %dma_start3A_1159] : memref<80x128xi32, #tpu.memory_space<hbm>> -> memref<1x128xi32, #tpu.memory_space<hbm>>
      %dma_start3A_1161 = tpu.memref_squeeze %dma_start3A_1160 : memref<1x128xi32, #tpu.memory_space<hbm>> -> memref<128xi32, #tpu.memory_space<hbm>>
      %dma_start3A_1162 = arith.constant 0 : i32
      %dma_start3A_1163 = arith.constant 0 : i32
      %dma_start3A_1164 = tpu.memref_slice %arg3[%arg1, %dma_start3A_1162, %dma_start3A_1163] : memref<16x80x128xi32, #tpu.memory_space<hbm>> -> memref<1x80x128xi32, #tpu.memory_space<hbm>>
      %dma_start3A_1165 = tpu.memref_squeeze %dma_start3A_1164 : memref<1x80x128xi32, #tpu.memory_space<hbm>> -> memref<80x128xi32, #tpu.memory_space<hbm>>
      %dma_start3A_1166 = arith.constant 0 : i32
      %dma_start3A_1167 = tpu.memref_slice %dma_start3A_1165[%add3A_1154, %dma_start3A_1166] : memref<80x128xi32, #tpu.memory_space<hbm>> -> memref<1x128xi32, #tpu.memory_space<hbm>>
      %dma_start3A_1168 = tpu.memref_squeeze %dma_start3A_1167 : memref<1x128xi32, #tpu.memory_space<hbm>> -> memref<128xi32, #tpu.memory_space<hbm>>
      tpu.enqueue_dma source(%dma_start3A_1168 : memref<128xi32, #tpu.memory_space<hbm>>) target(%arg10 : memref<128xi32, #tpu.memory_space<vmem>>) target_semaphore(%arg20 : memref<!tpu.dma_semaphore, #tpu.memory_space<semaphore_mem>>)
      "tpu.region"() ({
        %run_scoped3A_1284 = tpu.sem_alloc : memref<!tpu.dma_semaphore, #tpu.memory_space<semaphore_mem>>
        %dma_start3A_1285 = arith.constant 0 : i32
        %dma_start3A_1286 = tpu.memref_slice %arg6[%add3A_1149, %dma_start3A_1285] : memref<80x128xi32, #tpu.memory_space<vmem>> -> memref<1x128xi32, #tpu.memory_space<vmem>>
        %dma_start3A_1287 = tpu.memref_squeeze %dma_start3A_1286 : memref<1x128xi32, #tpu.memory_space<vmem>> -> memref<128xi32, #tpu.memory_space<vmem>>
        %dma_start3A_1288 = arith.constant 0 : i32
        %dma_start3A_1289 = arith.constant 0 : i32
        %dma_start3A_1290 = tpu.memref_slice %arg13[%dma_start3A_1288, %dma_start3A_1289] : memref<10008x128xf32, #tpu.memory_space<vmem_shared>> -> memref<10008x128xf32, #tpu.memory_space<vmem_shared>>
        tpu.enqueue_indirect_dma source(%arg11 : memref<128x128xf32, #tpu.memory_space<vmem>>) target(%dma_start3A_1290 : memref<10008x128xf32, #tpu.memory_space<vmem_shared>>) offsets(%dma_start3A_1287 : memref<128xi32, #tpu.memory_space<vmem>>) semaphore(%run_scoped3A_1284 : memref<!tpu.dma_semaphore, #tpu.memory_space<semaphore_mem>>) {add = true}
        %dma_wait3A_1291 = arith.constant 0 : i32
        %dma_wait3A_1292 = tpu.memref_slice %arg6[%add3A_1149, %dma_wait3A_1291] : memref<80x128xi32, #tpu.memory_space<vmem>> -> memref<1x128xi32, #tpu.memory_space<vmem>>
        %dma_wait3A_1293 = tpu.memref_squeeze %dma_wait3A_1292 : memref<1x128xi32, #tpu.memory_space<vmem>> -> memref<128xi32, #tpu.memory_space<vmem>>
        %dma_wait3A_1294 = arith.constant 0 : i32
        %dma_wait3A_1295 = arith.constant 0 : i32
        %dma_wait3A_1296 = tpu.memref_slice %arg13[%dma_wait3A_1294, %dma_wait3A_1295] : memref<10008x128xf32, #tpu.memory_space<vmem_shared>> -> memref<10008x128xf32, #tpu.memory_space<vmem_shared>>
        tpu.wait_indirect_dma semaphore(%run_scoped3A_1284 : memref<!tpu.dma_semaphore, #tpu.memory_space<semaphore_mem>>) src(%arg11 : memref<128x128xf32, #tpu.memory_space<vmem>>) dst(%dma_wait3A_1296 : memref<10008x128xf32, #tpu.memory_space<vmem_shared>>)
        tpu.yield
      }) : () -> ()
      %add3A_1169 = arith.constant 2 : i32
      %add3A_1170 = arith.addi %add3A_1149, %add3A_1169 : i32
      %dma_wait3A_1171 = arith.constant 0 : i32
      %dma_wait3A_1172 = arith.constant 0 : i32
      %dma_wait3A_1173 = tpu.memref_slice %arg3[%arg1, %dma_wait3A_1171, %dma_wait3A_1172] : memref<16x80x128xi32, #tpu.memory_space<hbm>> -> memref<1x80x128xi32, #tpu.memory_space<hbm>>
      %dma_wait3A_1174 = tpu.memref_squeeze %dma_wait3A_1173 : memref<1x80x128xi32, #tpu.memory_space<hbm>> -> memref<80x128xi32, #tpu.memory_space<hbm>>
      %dma_wait3A_1175 = arith.constant 0 : i32
      %dma_wait3A_1176 = tpu.memref_slice %dma_wait3A_1174[%add3A_1170, %dma_wait3A_1175] : memref<80x128xi32, #tpu.memory_space<hbm>> -> memref<1x128xi32, #tpu.memory_space<hbm>>
      %dma_wait3A_1177 = tpu.memref_squeeze %dma_wait3A_1176 : memref<1x128xi32, #tpu.memory_space<hbm>> -> memref<128xi32, #tpu.memory_space<hbm>>
      %dma_wait3A_1178 = arith.constant 0 : i32
      %dma_wait3A_1179 = arith.constant 0 : i32
      %dma_wait3A_1180 = tpu.memref_slice %arg3[%arg1, %dma_wait3A_1178, %dma_wait3A_1179] : memref<16x80x128xi32, #tpu.memory_space<hbm>> -> memref<1x80x128xi32, #tpu.memory_space<hbm>>
      %dma_wait3A_1181 = tpu.memref_squeeze %dma_wait3A_1180 : memref<1x80x128xi32, #tpu.memory_space<hbm>> -> memref<80x128xi32, #tpu.memory_space<hbm>>
      %dma_wait3A_1182 = arith.constant 0 : i32
      %dma_wait3A_1183 = tpu.memref_slice %dma_wait3A_1181[%add3A_1170, %dma_wait3A_1182] : memref<80x128xi32, #tpu.memory_space<hbm>> -> memref<1x128xi32, #tpu.memory_space<hbm>>
      %dma_wait3A_1184 = tpu.memref_squeeze %dma_wait3A_1183 : memref<1x128xi32, #tpu.memory_space<hbm>> -> memref<128xi32, #tpu.memory_space<hbm>>
      tpu.wait_dma2 semaphore(%arg18 : memref<!tpu.dma_semaphore, #tpu.memory_space<semaphore_mem>>) src(%dma_wait3A_1184 : memref<128xi32, #tpu.memory_space<hbm>>) dst(%arg8 : memref<128xi32, #tpu.memory_space<vmem>>)
      %get3A_1185 = arith.constant 0 : index
      %get3A_1186 = tpu.vector_load %arg8[%get3A_1185] {strides = array<i32>} : memref<128xi32, #tpu.memory_space<vmem>>, vector<16xi32>,
      %get3A_1187 = vector.shape_cast %get3A_1186 : vector<16xi32> to vector<16xi32>
      %mul3A_1188 = arith.constant 2 : i32
      %mul3A_1189 = vector.broadcast %mul3A_1188 : i32 to vector<16xi32>
      %mul3A_1190 = arith.muli %get3A_1187, %mul3A_1189 : vector<16xi32>
      %add3A_1191 = vector.broadcast %arg0 : i32 to vector<16xi32>
      %add3A_1192 = arith.addi %mul3A_1190, %add3A_1191 : vector<16xi32>
      %swap3A_1193 = arith.constant 0 : index
      %swap3A_1194 = tpu.vector_load %arg8[%swap3A_1193] {strides = array<i32>} : memref<128xi32, #tpu.memory_space<vmem>>, vector<16xi32>,
      %swap3A_1195 = vector.shape_cast %swap3A_1194 : vector<16xi32> to vector<16xi32>
      %swap3A_1196 = vector.shape_cast %add3A_1192 : vector<16xi32> to vector<16xi32>
      tpu.vector_store %arg8[%swap3A_1193], %swap3A_1196 {strides = array<i32>} : memref<128xi32, #tpu.memory_space<vmem>>, vector<16xi32>,
      %get3A_1197 = arith.constant 16 : index
      %get3A_1198 = tpu.vector_load %arg8[%get3A_1197] {strides = array<i32>} : memref<128xi32, #tpu.memory_space<vmem>>, vector<16xi32>,
      %get3A_1199 = vector.shape_cast %get3A_1198 : vector<16xi32> to vector<16xi32>
      %mul3A_1200 = arith.constant 2 : i32
      %mul3A_1201 = vector.broadcast %mul3A_1200 : i32 to vector<16xi32>
      %mul3A_1202 = arith.muli %get3A_1199, %mul3A_1201 : vector<16xi32>
      %add3A_1203 = vector.broadcast %arg0 : i32 to vector<16xi32>
      %add3A_1204 = arith.addi %mul3A_1202, %add3A_1203 : vector<16xi32>
      %swap3A_1205 = arith.constant 16 : index
      %swap3A_1206 = tpu.vector_load %arg8[%swap3A_1205] {strides = array<i32>} : memref<128xi32, #tpu.memory_space<vmem>>, vector<16xi32>,
      %swap3A_1207 = vector.shape_cast %swap3A_1206 : vector<16xi32> to vector<16xi32>
      %swap3A_1208 = vector.shape_cast %add3A_1204 : vector<16xi32> to vector<16xi32>
      tpu.vector_store %arg8[%swap3A_1205], %swap3A_1208 {strides = array<i32>} : memref<128xi32, #tpu.memory_space<vmem>>, vector<16xi32>,
      %get3A_1209 = arith.constant 32 : index
      %get3A_1210 = tpu.vector_load %arg8[%get3A_1209] {strides = array<i32>} : memref<128xi32, #tpu.memory_space<vmem>>, vector<16xi32>,
      %get3A_1211 = vector.shape_cast %get3A_1210 : vector<16xi32> to vector<16xi32>
      %mul3A_1212 = arith.constant 2 : i32
      %mul3A_1213 = vector.broadcast %mul3A_1212 : i32 to vector<16xi32>
      %mul3A_1214 = arith.muli %get3A_1211, %mul3A_1213 : vector<16xi32>
      %add3A_1215 = vector.broadcast %arg0 : i32 to vector<16xi32>
      %add3A_1216 = arith.addi %mul3A_1214, %add3A_1215 : vector<16xi32>
      %swap3A_1217 = arith.constant 32 : index
      %swap3A_1218 = tpu.vector_load %arg8[%swap3A_1217] {strides = array<i32>} : memref<128xi32, #tpu.memory_space<vmem>>, vector<16xi32>,
      %swap3A_1219 = vector.shape_cast %swap3A_1218 : vector<16xi32> to vector<16xi32>
      %swap3A_1220 = vector.shape_cast %add3A_1216 : vector<16xi32> to vector<16xi32>
      tpu.vector_store %arg8[%swap3A_1217], %swap3A_1220 {strides = array<i32>} : memref<128xi32, #tpu.memory_space<vmem>>, vector<16xi32>,
      %get3A_1221 = arith.constant 48 : index
      %get3A_1222 = tpu.vector_load %arg8[%get3A_1221] {strides = array<i32>} : memref<128xi32, #tpu.memory_space<vmem>>, vector<16xi32>,
      %get3A_1223 = vector.shape_cast %get3A_1222 : vector<16xi32> to vector<16xi32>
      %mul3A_1224 = arith.constant 2 : i32
      %mul3A_1225 = vector.broadcast %mul3A_1224 : i32 to vector<16xi32>
      %mul3A_1226 = arith.muli %get3A_1223, %mul3A_1225 : vector<16xi32>
      %add3A_1227 = vector.broadcast %arg0 : i32 to vector<16xi32>
      %add3A_1228 = arith.addi %mul3A_1226, %add3A_1227 : vector<16xi32>
      %swap3A_1229 = arith.constant 48 : index
      %swap3A_1230 = tpu.vector_load %arg8[%swap3A_1229] {strides = array<i32>} : memref<128xi32, #tpu.memory_space<vmem>>, vector<16xi32>,
      %swap3A_1231 = vector.shape_cast %swap3A_1230 : vector<16xi32> to vector<16xi32>
      %swap3A_1232 = vector.shape_cast %add3A_1228 : vector<16xi32> to vector<16xi32>
      tpu.vector_store %arg8[%swap3A_1229], %swap3A_1232 {strides = array<i32>} : memref<128xi32, #tpu.memory_space<vmem>>, vector<16xi32>,
      %get3A_1233 = arith.constant 64 : index
      %get3A_1234 = tpu.vector_load %arg8[%get3A_1233] {strides = array<i32>} : memref<128xi32, #tpu.memory_space<vmem>>, vector<16xi32>,
      %get3A_1235 = vector.shape_cast %get3A_1234 : vector<16xi32> to vector<16xi32>
      %mul3A_1236 = arith.constant 2 : i32
      %mul3A_1237 = vector.broadcast %mul3A_1236 : i32 to vector<16xi32>
      %mul3A_1238 = arith.muli %get3A_1235, %mul3A_1237 : vector<16xi32>
      %add3A_1239 = vector.broadcast %arg0 : i32 to vector<16xi32>
      %add3A_1240 = arith.addi %mul3A_1238, %add3A_1239 : vector<16xi32>
      %swap3A_1241 = arith.constant 64 : index
      %swap3A_1242 = tpu.vector_load %arg8[%swap3A_1241] {strides = array<i32>} : memref<128xi32, #tpu.memory_space<vmem>>, vector<16xi32>,
      %swap3A_1243 = vector.shape_cast %swap3A_1242 : vector<16xi32> to vector<16xi32>
      %swap3A_1244 = vector.shape_cast %add3A_1240 : vector<16xi32> to vector<16xi32>
      tpu.vector_store %arg8[%swap3A_1241], %swap3A_1244 {strides = array<i32>} : memref<128xi32, #tpu.memory_space<vmem>>, vector<16xi32>,
      %get3A_1245 = arith.constant 80 : index
      %get3A_1246 = tpu.vector_load %arg8[%get3A_1245] {strides = array<i32>} : memref<128xi32, #tpu.memory_space<vmem>>, vector<16xi32>,
      %get3A_1247 = vector.shape_cast %get3A_1246 : vector<16xi32> to vector<16xi32>
      %mul3A_1248 = arith.constant 2 : i32
      %mul3A_1249 = vector.broadcast %mul3A_1248 : i32 to vector<16xi32>
      %mul3A_1250 = arith.muli %get3A_1247, %mul3A_1249 : vector<16xi32>
      %add3A_1251 = vector.broadcast %arg0 : i32 to vector<16xi32>
      %add3A_1252 = arith.addi %mul3A_1250, %add3A_1251 : vector<16xi32>
      %swap3A_1253 = arith.constant 80 : index
      %swap3A_1254 = tpu.vector_load %arg8[%swap3A_1253] {strides = array<i32>} : memref<128xi32, #tpu.memory_space<vmem>>, vector<16xi32>,
      %swap3A_1255 = vector.shape_cast %swap3A_1254 : vector<16xi32> to vector<16xi32>
      %swap3A_1256 = vector.shape_cast %add3A_1252 : vector<16xi32> to vector<16xi32>
      tpu.vector_store %arg8[%swap3A_1253], %swap3A_1256 {strides = array<i32>} : memref<128xi32, #tpu.memory_space<vmem>>, vector<16xi32>,
      %get3A_1257 = arith.constant 96 : index
      %get3A_1258 = tpu.vector_load %arg8[%get3A_1257] {strides = array<i32>} : memref<128xi32, #tpu.memory_space<vmem>>, vector<16xi32>,
      %get3A_1259 = vector.shape_cast %get3A_1258 : vector<16xi32> to vector<16xi32>
      %mul3A_1260 = arith.constant 2 : i32
      %mul3A_1261 = vector.broadcast %mul3A_1260 : i32 to vector<16xi32>
      %mul3A_1262 = arith.muli %get3A_1259, %mul3A_1261 : vector<16xi32>
      %add3A_1263 = vector.broadcast %arg0 : i32 to vector<16xi32>
      %add3A_1264 = arith.addi %mul3A_1262, %add3A_1263 : vector<16xi32>
      %swap3A_1265 = arith.constant 96 : index
      %swap3A_1266 = tpu.vector_load %arg8[%swap3A_1265] {strides = array<i32>} : memref<128xi32, #tpu.memory_space<vmem>>, vector<16xi32>,
      %swap3A_1267 = vector.shape_cast %swap3A_1266 : vector<16xi32> to vector<16xi32>
      %swap3A_1268 = vector.shape_cast %add3A_1264 : vector<16xi32> to vector<16xi32>
      tpu.vector_store %arg8[%swap3A_1265], %swap3A_1268 {strides = array<i32>} : memref<128xi32, #tpu.memory_space<vmem>>, vector<16xi32>,
      %get3A_1269 = arith.constant 112 : index
      %get3A_1270 = tpu.vector_load %arg8[%get3A_1269] {strides = array<i32>} : memref<128xi32, #tpu.memory_space<vmem>>, vector<16xi32>,
      %get3A_1271 = vector.shape_cast %get3A_1270 : vector<16xi32> to vector<16xi32>
      %mul3A_1272 = arith.constant 2 : i32
      %mul3A_1273 = vector.broadcast %mul3A_1272 : i32 to vector<16xi32>
      %mul3A_1274 = arith.muli %get3A_1271, %mul3A_1273 : vector<16xi32>
      %add3A_1275 = vector.broadcast %arg0 : i32 to vector<16xi32>
      %add3A_1276 = arith.addi %mul3A_1274, %add3A_1275 : vector<16xi32>
      %swap3A_1277 = arith.constant 112 : index
      %swap3A_1278 = tpu.vector_load %arg8[%swap3A_1277] {strides = array<i32>} : memref<128xi32, #tpu.memory_space<vmem>>, vector<16xi32>,
      %swap3A_1279 = vector.shape_cast %swap3A_1278 : vector<16xi32> to vector<16xi32>
      %swap3A_1280 = vector.shape_cast %add3A_1276 : vector<16xi32> to vector<16xi32>
      tpu.vector_store %arg8[%swap3A_1277], %swap3A_1280 {strides = array<i32>} : memref<128xi32, #tpu.memory_space<vmem>>, vector<16xi32>,
      %dma_start3A_1281 = arith.constant 0 : i32
      %dma_start3A_1282 = arith.constant 0 : i32
      %dma_start3A_1283 = tpu.memref_slice %arg2[%dma_start3A_1281, %dma_start3A_1282] : memref<20000x128xf32, #tpu.memory_space<hbm>> -> memref<20000x128xf32, #tpu.memory_space<hbm>>
      tpu.enqueue_indirect_dma source(%dma_start3A_1283 : memref<20000x128xf32, #tpu.memory_space<hbm>>) target(%arg11 : memref<128x128xf32, #tpu.memory_space<vmem>>) offsets(%arg8 : memref<128xi32, #tpu.memory_space<vmem>>) semaphore(%arg14 : memref<!tpu.dma_semaphore, #tpu.memory_space<semaphore_mem>>)
    }
    %scan3A_483 = arith.constant 19 : i32
    %dma_wait3A_484 = arith.constant 0 : i32
    %dma_wait3A_485 = arith.constant 0 : i32
    %dma_wait3A_486 = tpu.memref_slice %arg2[%dma_wait3A_484, %dma_wait3A_485] : memref<20000x128xf32, #tpu.memory_space<hbm>> -> memref<20000x128xf32, #tpu.memory_space<hbm>>
    tpu.wait_indirect_dma semaphore(%arg15 : memref<!tpu.dma_semaphore, #tpu.memory_space<semaphore_mem>>) src(%dma_wait3A_486 : memref<20000x128xf32, #tpu.memory_space<hbm>>) dst(%arg12 : memref<128x128xf32, #tpu.memory_space<vmem>>)
    %run_scoped3A = arith.constant 76 : i32
    "tpu.region"() ({
      %run_scoped3A_737 = tpu.sem_alloc : memref<!tpu.dma_semaphore, #tpu.memory_space<semaphore_mem>>
      %dma_start3A_738 = arith.constant 0 : i32
      %dma_start3A_739 = tpu.memref_slice %arg6[%run_scoped3A, %dma_start3A_738] : memref<80x128xi32, #tpu.memory_space<vmem>> -> memref<1x128xi32, #tpu.memory_space<vmem>>
      %dma_start3A_740 = tpu.memref_squeeze %dma_start3A_739 : memref<1x128xi32, #tpu.memory_space<vmem>> -> memref<128xi32, #tpu.memory_space<vmem>>
      %dma_start3A_741 = arith.constant 0 : i32
      %dma_start3A_742 = arith.constant 0 : i32
      %dma_start3A_743 = tpu.memref_slice %arg13[%dma_start3A_741, %dma_start3A_742] : memref<10008x128xf32, #tpu.memory_space<vmem_shared>> -> memref<10008x128xf32, #tpu.memory_space<vmem_shared>>
      tpu.enqueue_indirect_dma source(%arg12 : memref<128x128xf32, #tpu.memory_space<vmem>>) target(%dma_start3A_743 : memref<10008x128xf32, #tpu.memory_space<vmem_shared>>) offsets(%dma_start3A_740 : memref<128xi32, #tpu.memory_space<vmem>>) semaphore(%run_scoped3A_737 : memref<!tpu.dma_semaphore, #tpu.memory_space<semaphore_mem>>) {add = true}
      %dma_wait3A_744 = arith.constant 0 : i32
      %dma_wait3A_745 = tpu.memref_slice %arg6[%run_scoped3A, %dma_wait3A_744] : memref<80x128xi32, #tpu.memory_space<vmem>> -> memref<1x128xi32, #tpu.memory_space<vmem>>
      %dma_wait3A_746 = tpu.memref_squeeze %dma_wait3A_745 : memref<1x128xi32, #tpu.memory_space<vmem>> -> memref<128xi32, #tpu.memory_space<vmem>>
      %dma_wait3A_747 = arith.constant 0 : i32
      %dma_wait3A_748 = arith.constant 0 : i32
      %dma_wait3A_749 = tpu.memref_slice %arg13[%dma_wait3A_747, %dma_wait3A_748] : memref<10008x128xf32, #tpu.memory_space<vmem_shared>> -> memref<10008x128xf32, #tpu.memory_space<vmem_shared>>
      tpu.wait_indirect_dma semaphore(%run_scoped3A_737 : memref<!tpu.dma_semaphore, #tpu.memory_space<semaphore_mem>>) src(%arg12 : memref<128x128xf32, #tpu.memory_space<vmem>>) dst(%dma_wait3A_749 : memref<10008x128xf32, #tpu.memory_space<vmem_shared>>)
      tpu.yield
    }) : () -> ()
    %dma_wait3A_487 = arith.constant 78 : i32
    %dma_wait3A_488 = arith.constant 0 : i32
    %dma_wait3A_489 = arith.constant 0 : i32
    %dma_wait3A_490 = tpu.memref_slice %arg3[%arg1, %dma_wait3A_488, %dma_wait3A_489] : memref<16x80x128xi32, #tpu.memory_space<hbm>> -> memref<1x80x128xi32, #tpu.memory_space<hbm>>
    %dma_wait3A_491 = tpu.memref_squeeze %dma_wait3A_490 : memref<1x80x128xi32, #tpu.memory_space<hbm>> -> memref<80x128xi32, #tpu.memory_space<hbm>>
    %dma_wait3A_492 = arith.constant 0 : i32
    %dma_wait3A_493 = tpu.memref_slice %dma_wait3A_491[%dma_wait3A_487, %dma_wait3A_492] : memref<80x128xi32, #tpu.memory_space<hbm>> -> memref<1x128xi32, #tpu.memory_space<hbm>>
    %dma_wait3A_494 = tpu.memref_squeeze %dma_wait3A_493 : memref<1x128xi32, #tpu.memory_space<hbm>> -> memref<128xi32, #tpu.memory_space<hbm>>
    %dma_wait3A_495 = arith.constant 0 : i32
    %dma_wait3A_496 = arith.constant 0 : i32
    %dma_wait3A_497 = tpu.memref_slice %arg3[%arg1, %dma_wait3A_495, %dma_wait3A_496] : memref<16x80x128xi32, #tpu.memory_space<hbm>> -> memref<1x80x128xi32, #tpu.memory_space<hbm>>
    %dma_wait3A_498 = tpu.memref_squeeze %dma_wait3A_497 : memref<1x80x128xi32, #tpu.memory_space<hbm>> -> memref<80x128xi32, #tpu.memory_space<hbm>>
    %dma_wait3A_499 = arith.constant 0 : i32
    %dma_wait3A_500 = tpu.memref_slice %dma_wait3A_498[%dma_wait3A_487, %dma_wait3A_499] : memref<80x128xi32, #tpu.memory_space<hbm>> -> memref<1x128xi32, #tpu.memory_space<hbm>>
    %dma_wait3A_501 = tpu.memref_squeeze %dma_wait3A_500 : memref<1x128xi32, #tpu.memory_space<hbm>> -> memref<128xi32, #tpu.memory_space<hbm>>
    tpu.wait_dma2 semaphore(%arg19 : memref<!tpu.dma_semaphore, #tpu.memory_space<semaphore_mem>>) src(%dma_wait3A_501 : memref<128xi32, #tpu.memory_space<hbm>>) dst(%arg9 : memref<128xi32, #tpu.memory_space<vmem>>)
    %get3A_502 = arith.constant 0 : index
    %get3A_503 = tpu.vector_load %arg9[%get3A_502] {strides = array<i32>} : memref<128xi32, #tpu.memory_space<vmem>>, vector<16xi32>,
    %get3A_504 = vector.shape_cast %get3A_503 : vector<16xi32> to vector<16xi32>
    %mul3A_505 = arith.constant 2 : i32
    %mul3A_506 = vector.broadcast %mul3A_505 : i32 to vector<16xi32>
    %mul3A_507 = arith.muli %get3A_504, %mul3A_506 : vector<16xi32>
    %add3A_508 = vector.broadcast %arg0 : i32 to vector<16xi32>
    %add3A_509 = arith.addi %mul3A_507, %add3A_508 : vector<16xi32>
    %swap3A_510 = arith.constant 0 : index
    %swap3A_511 = tpu.vector_load %arg9[%swap3A_510] {strides = array<i32>} : memref<128xi32, #tpu.memory_space<vmem>>, vector<16xi32>,
    %swap3A_512 = vector.shape_cast %swap3A_511 : vector<16xi32> to vector<16xi32>
    %swap3A_513 = vector.shape_cast %add3A_509 : vector<16xi32> to vector<16xi32>
    tpu.vector_store %arg9[%swap3A_510], %swap3A_513 {strides = array<i32>} : memref<128xi32, #tpu.memory_space<vmem>>, vector<16xi32>,
    %get3A_514 = arith.constant 16 : index
    %get3A_515 = tpu.vector_load %arg9[%get3A_514] {strides = array<i32>} : memref<128xi32, #tpu.memory_space<vmem>>, vector<16xi32>,
    %get3A_516 = vector.shape_cast %get3A_515 : vector<16xi32> to vector<16xi32>
    %mul3A_517 = arith.constant 2 : i32
    %mul3A_518 = vector.broadcast %mul3A_517 : i32 to vector<16xi32>
    %mul3A_519 = arith.muli %get3A_516, %mul3A_518 : vector<16xi32>
    %add3A_520 = vector.broadcast %arg0 : i32 to vector<16xi32>
    %add3A_521 = arith.addi %mul3A_519, %add3A_520 : vector<16xi32>
    %swap3A_522 = arith.constant 16 : index
    %swap3A_523 = tpu.vector_load %arg9[%swap3A_522] {strides = array<i32>} : memref<128xi32, #tpu.memory_space<vmem>>, vector<16xi32>,
    %swap3A_524 = vector.shape_cast %swap3A_523 : vector<16xi32> to vector<16xi32>
    %swap3A_525 = vector.shape_cast %add3A_521 : vector<16xi32> to vector<16xi32>
    tpu.vector_store %arg9[%swap3A_522], %swap3A_525 {strides = array<i32>} : memref<128xi32, #tpu.memory_space<vmem>>, vector<16xi32>,
    %get3A_526 = arith.constant 32 : index
    %get3A_527 = tpu.vector_load %arg9[%get3A_526] {strides = array<i32>} : memref<128xi32, #tpu.memory_space<vmem>>, vector<16xi32>,
    %get3A_528 = vector.shape_cast %get3A_527 : vector<16xi32> to vector<16xi32>
    %mul3A_529 = arith.constant 2 : i32
    %mul3A_530 = vector.broadcast %mul3A_529 : i32 to vector<16xi32>
    %mul3A_531 = arith.muli %get3A_528, %mul3A_530 : vector<16xi32>
    %add3A_532 = vector.broadcast %arg0 : i32 to vector<16xi32>
    %add3A_533 = arith.addi %mul3A_531, %add3A_532 : vector<16xi32>
    %swap3A_534 = arith.constant 32 : index
    %swap3A_535 = tpu.vector_load %arg9[%swap3A_534] {strides = array<i32>} : memref<128xi32, #tpu.memory_space<vmem>>, vector<16xi32>,
    %swap3A_536 = vector.shape_cast %swap3A_535 : vector<16xi32> to vector<16xi32>
    %swap3A_537 = vector.shape_cast %add3A_533 : vector<16xi32> to vector<16xi32>
    tpu.vector_store %arg9[%swap3A_534], %swap3A_537 {strides = array<i32>} : memref<128xi32, #tpu.memory_space<vmem>>, vector<16xi32>,
    %get3A_538 = arith.constant 48 : index
    %get3A_539 = tpu.vector_load %arg9[%get3A_538] {strides = array<i32>} : memref<128xi32, #tpu.memory_space<vmem>>, vector<16xi32>,
    %get3A_540 = vector.shape_cast %get3A_539 : vector<16xi32> to vector<16xi32>
    %mul3A_541 = arith.constant 2 : i32
    %mul3A_542 = vector.broadcast %mul3A_541 : i32 to vector<16xi32>
    %mul3A_543 = arith.muli %get3A_540, %mul3A_542 : vector<16xi32>
    %add3A_544 = vector.broadcast %arg0 : i32 to vector<16xi32>
    %add3A_545 = arith.addi %mul3A_543, %add3A_544 : vector<16xi32>
    %swap3A_546 = arith.constant 48 : index
    %swap3A_547 = tpu.vector_load %arg9[%swap3A_546] {strides = array<i32>} : memref<128xi32, #tpu.memory_space<vmem>>, vector<16xi32>,
    %swap3A_548 = vector.shape_cast %swap3A_547 : vector<16xi32> to vector<16xi32>
    %swap3A_549 = vector.shape_cast %add3A_545 : vector<16xi32> to vector<16xi32>
    tpu.vector_store %arg9[%swap3A_546], %swap3A_549 {strides = array<i32>} : memref<128xi32, #tpu.memory_space<vmem>>, vector<16xi32>,
    %get3A_550 = arith.constant 64 : index
    %get3A_551 = tpu.vector_load %arg9[%get3A_550] {strides = array<i32>} : memref<128xi32, #tpu.memory_space<vmem>>, vector<16xi32>,
    %get3A_552 = vector.shape_cast %get3A_551 : vector<16xi32> to vector<16xi32>
    %mul3A_553 = arith.constant 2 : i32
    %mul3A_554 = vector.broadcast %mul3A_553 : i32 to vector<16xi32>
    %mul3A_555 = arith.muli %get3A_552, %mul3A_554 : vector<16xi32>
    %add3A_556 = vector.broadcast %arg0 : i32 to vector<16xi32>
    %add3A_557 = arith.addi %mul3A_555, %add3A_556 : vector<16xi32>
    %swap3A_558 = arith.constant 64 : index
    %swap3A_559 = tpu.vector_load %arg9[%swap3A_558] {strides = array<i32>} : memref<128xi32, #tpu.memory_space<vmem>>, vector<16xi32>,
    %swap3A_560 = vector.shape_cast %swap3A_559 : vector<16xi32> to vector<16xi32>
    %swap3A_561 = vector.shape_cast %add3A_557 : vector<16xi32> to vector<16xi32>
    tpu.vector_store %arg9[%swap3A_558], %swap3A_561 {strides = array<i32>} : memref<128xi32, #tpu.memory_space<vmem>>, vector<16xi32>,
    %get3A_562 = arith.constant 80 : index
    %get3A_563 = tpu.vector_load %arg9[%get3A_562] {strides = array<i32>} : memref<128xi32, #tpu.memory_space<vmem>>, vector<16xi32>,
    %get3A_564 = vector.shape_cast %get3A_563 : vector<16xi32> to vector<16xi32>
    %mul3A_565 = arith.constant 2 : i32
    %mul3A_566 = vector.broadcast %mul3A_565 : i32 to vector<16xi32>
    %mul3A_567 = arith.muli %get3A_564, %mul3A_566 : vector<16xi32>
    %add3A_568 = vector.broadcast %arg0 : i32 to vector<16xi32>
    %add3A_569 = arith.addi %mul3A_567, %add3A_568 : vector<16xi32>
    %swap3A_570 = arith.constant 80 : index
    %swap3A_571 = tpu.vector_load %arg9[%swap3A_570] {strides = array<i32>} : memref<128xi32, #tpu.memory_space<vmem>>, vector<16xi32>,
    %swap3A_572 = vector.shape_cast %swap3A_571 : vector<16xi32> to vector<16xi32>
    %swap3A_573 = vector.shape_cast %add3A_569 : vector<16xi32> to vector<16xi32>
    tpu.vector_store %arg9[%swap3A_570], %swap3A_573 {strides = array<i32>} : memref<128xi32, #tpu.memory_space<vmem>>, vector<16xi32>,
    %get3A_574 = arith.constant 96 : index
    %get3A_575 = tpu.vector_load %arg9[%get3A_574] {strides = array<i32>} : memref<128xi32, #tpu.memory_space<vmem>>, vector<16xi32>,
    %get3A_576 = vector.shape_cast %get3A_575 : vector<16xi32> to vector<16xi32>
    %mul3A_577 = arith.constant 2 : i32
    %mul3A_578 = vector.broadcast %mul3A_577 : i32 to vector<16xi32>
    %mul3A_579 = arith.muli %get3A_576, %mul3A_578 : vector<16xi32>
    %add3A_580 = vector.broadcast %arg0 : i32 to vector<16xi32>
    %add3A_581 = arith.addi %mul3A_579, %add3A_580 : vector<16xi32>
    %swap3A_582 = arith.constant 96 : index
    %swap3A_583 = tpu.vector_load %arg9[%swap3A_582] {strides = array<i32>} : memref<128xi32, #tpu.memory_space<vmem>>, vector<16xi32>,
    %swap3A_584 = vector.shape_cast %swap3A_583 : vector<16xi32> to vector<16xi32>
    %swap3A_585 = vector.shape_cast %add3A_581 : vector<16xi32> to vector<16xi32>
    tpu.vector_store %arg9[%swap3A_582], %swap3A_585 {strides = array<i32>} : memref<128xi32, #tpu.memory_space<vmem>>, vector<16xi32>,
    %get3A_586 = arith.constant 112 : index
    %get3A_587 = tpu.vector_load %arg9[%get3A_586] {strides = array<i32>} : memref<128xi32, #tpu.memory_space<vmem>>, vector<16xi32>,
    %get3A_588 = vector.shape_cast %get3A_587 : vector<16xi32> to vector<16xi32>
    %mul3A_589 = arith.constant 2 : i32
    %mul3A_590 = vector.broadcast %mul3A_589 : i32 to vector<16xi32>
    %mul3A_591 = arith.muli %get3A_588, %mul3A_590 : vector<16xi32>
    %add3A_592 = vector.broadcast %arg0 : i32 to vector<16xi32>
    %add3A_593 = arith.addi %mul3A_591, %add3A_592 : vector<16xi32>
    %swap3A_594 = arith.constant 112 : index
    %swap3A_595 = tpu.vector_load %arg9[%swap3A_594] {strides = array<i32>} : memref<128xi32, #tpu.memory_space<vmem>>, vector<16xi32>,
    %swap3A_596 = vector.shape_cast %swap3A_595 : vector<16xi32> to vector<16xi32>
    %swap3A_597 = vector.shape_cast %add3A_593 : vector<16xi32> to vector<16xi32>
    tpu.vector_store %arg9[%swap3A_594], %swap3A_597 {strides = array<i32>} : memref<128xi32, #tpu.memory_space<vmem>>, vector<16xi32>,
    %dma_start3A_598 = arith.constant 0 : i32
    %dma_start3A_599 = arith.constant 0 : i32
    %dma_start3A_600 = tpu.memref_slice %arg2[%dma_start3A_598, %dma_start3A_599] : memref<20000x128xf32, #tpu.memory_space<hbm>> -> memref<20000x128xf32, #tpu.memory_space<hbm>>
    tpu.enqueue_indirect_dma source(%dma_start3A_600 : memref<20000x128xf32, #tpu.memory_space<hbm>>) target(%arg12 : memref<128x128xf32, #tpu.memory_space<vmem>>) offsets(%arg9 : memref<128xi32, #tpu.memory_space<vmem>>) semaphore(%arg15 : memref<!tpu.dma_semaphore, #tpu.memory_space<semaphore_mem>>)
    %dma_wait3A_601 = arith.constant 0 : i32
    %dma_wait3A_602 = arith.constant 0 : i32
    %dma_wait3A_603 = tpu.memref_slice %arg2[%dma_wait3A_601, %dma_wait3A_602] : memref<20000x128xf32, #tpu.memory_space<hbm>> -> memref<20000x128xf32, #tpu.memory_space<hbm>>
    tpu.wait_indirect_dma semaphore(%arg14 : memref<!tpu.dma_semaphore, #tpu.memory_space<semaphore_mem>>) src(%dma_wait3A_603 : memref<20000x128xf32, #tpu.memory_space<hbm>>) dst(%arg11 : memref<128x128xf32, #tpu.memory_space<vmem>>)
    %run_scoped3A_604 = arith.constant 77 : i32
    "tpu.region"() ({
      %run_scoped3A_737 = tpu.sem_alloc : memref<!tpu.dma_semaphore, #tpu.memory_space<semaphore_mem>>
      %dma_start3A_738 = arith.constant 0 : i32
      %dma_start3A_739 = tpu.memref_slice %arg6[%run_scoped3A_604, %dma_start3A_738] : memref<80x128xi32, #tpu.memory_space<vmem>> -> memref<1x128xi32, #tpu.memory_space<vmem>>
      %dma_start3A_740 = tpu.memref_squeeze %dma_start3A_739 : memref<1x128xi32, #tpu.memory_space<vmem>> -> memref<128xi32, #tpu.memory_space<vmem>>
      %dma_start3A_741 = arith.constant 0 : i32
      %dma_start3A_742 = arith.constant 0 : i32
      %dma_start3A_743 = tpu.memref_slice %arg13[%dma_start3A_741, %dma_start3A_742] : memref<10008x128xf32, #tpu.memory_space<vmem_shared>> -> memref<10008x128xf32, #tpu.memory_space<vmem_shared>>
      tpu.enqueue_indirect_dma source(%arg11 : memref<128x128xf32, #tpu.memory_space<vmem>>) target(%dma_start3A_743 : memref<10008x128xf32, #tpu.memory_space<vmem_shared>>) offsets(%dma_start3A_740 : memref<128xi32, #tpu.memory_space<vmem>>) semaphore(%run_scoped3A_737 : memref<!tpu.dma_semaphore, #tpu.memory_space<semaphore_mem>>) {add = true}
      %dma_wait3A_744 = arith.constant 0 : i32
      %dma_wait3A_745 = tpu.memref_slice %arg6[%run_scoped3A_604, %dma_wait3A_744] : memref<80x128xi32, #tpu.memory_space<vmem>> -> memref<1x128xi32, #tpu.memory_space<vmem>>
      %dma_wait3A_746 = tpu.memref_squeeze %dma_wait3A_745 : memref<1x128xi32, #tpu.memory_space<vmem>> -> memref<128xi32, #tpu.memory_space<vmem>>
      %dma_wait3A_747 = arith.constant 0 : i32
      %dma_wait3A_748 = arith.constant 0 : i32
      %dma_wait3A_749 = tpu.memref_slice %arg13[%dma_wait3A_747, %dma_wait3A_748] : memref<10008x128xf32, #tpu.memory_space<vmem_shared>> -> memref<10008x128xf32, #tpu.memory_space<vmem_shared>>
      tpu.wait_indirect_dma semaphore(%run_scoped3A_737 : memref<!tpu.dma_semaphore, #tpu.memory_space<semaphore_mem>>) src(%arg11 : memref<128x128xf32, #tpu.memory_space<vmem>>) dst(%dma_wait3A_749 : memref<10008x128xf32, #tpu.memory_space<vmem_shared>>)
      tpu.yield
    }) : () -> ()
    %dma_wait3A_605 = arith.constant 79 : i32
    %dma_wait3A_606 = arith.constant 0 : i32
    %dma_wait3A_607 = arith.constant 0 : i32
    %dma_wait3A_608 = tpu.memref_slice %arg3[%arg1, %dma_wait3A_606, %dma_wait3A_607] : memref<16x80x128xi32, #tpu.memory_space<hbm>> -> memref<1x80x128xi32, #tpu.memory_space<hbm>>
    %dma_wait3A_609 = tpu.memref_squeeze %dma_wait3A_608 : memref<1x80x128xi32, #tpu.memory_space<hbm>> -> memref<80x128xi32, #tpu.memory_space<hbm>>
    %dma_wait3A_610 = arith.constant 0 : i32
    %dma_wait3A_611 = tpu.memref_slice %dma_wait3A_609[%dma_wait3A_605, %dma_wait3A_610] : memref<80x128xi32, #tpu.memory_space<hbm>> -> memref<1x128xi32, #tpu.memory_space<hbm>>
    %dma_wait3A_612 = tpu.memref_squeeze %dma_wait3A_611 : memref<1x128xi32, #tpu.memory_space<hbm>> -> memref<128xi32, #tpu.memory_space<hbm>>
    %dma_wait3A_613 = arith.constant 0 : i32
    %dma_wait3A_614 = arith.constant 0 : i32
    %dma_wait3A_615 = tpu.memref_slice %arg3[%arg1, %dma_wait3A_613, %dma_wait3A_614] : memref<16x80x128xi32, #tpu.memory_space<hbm>> -> memref<1x80x128xi32, #tpu.memory_space<hbm>>
    %dma_wait3A_616 = tpu.memref_squeeze %dma_wait3A_615 : memref<1x80x128xi32, #tpu.memory_space<hbm>> -> memref<80x128xi32, #tpu.memory_space<hbm>>
    %dma_wait3A_617 = arith.constant 0 : i32
    %dma_wait3A_618 = tpu.memref_slice %dma_wait3A_616[%dma_wait3A_605, %dma_wait3A_617] : memref<80x128xi32, #tpu.memory_space<hbm>> -> memref<1x128xi32, #tpu.memory_space<hbm>>
    %dma_wait3A_619 = tpu.memref_squeeze %dma_wait3A_618 : memref<1x128xi32, #tpu.memory_space<hbm>> -> memref<128xi32, #tpu.memory_space<hbm>>
    tpu.wait_dma2 semaphore(%arg20 : memref<!tpu.dma_semaphore, #tpu.memory_space<semaphore_mem>>) src(%dma_wait3A_619 : memref<128xi32, #tpu.memory_space<hbm>>) dst(%arg10 : memref<128xi32, #tpu.memory_space<vmem>>)
    %get3A_620 = arith.constant 0 : index
    %get3A_621 = tpu.vector_load %arg10[%get3A_620] {strides = array<i32>} : memref<128xi32, #tpu.memory_space<vmem>>, vector<16xi32>,
    %get3A_622 = vector.shape_cast %get3A_621 : vector<16xi32> to vector<16xi32>
    %mul3A_623 = arith.constant 2 : i32
    %mul3A_624 = vector.broadcast %mul3A_623 : i32 to vector<16xi32>
    %mul3A_625 = arith.muli %get3A_622, %mul3A_624 : vector<16xi32>
    %add3A_626 = vector.broadcast %arg0 : i32 to vector<16xi32>
    %add3A_627 = arith.addi %mul3A_625, %add3A_626 : vector<16xi32>
    %swap3A_628 = arith.constant 0 : index
    %swap3A_629 = tpu.vector_load %arg10[%swap3A_628] {strides = array<i32>} : memref<128xi32, #tpu.memory_space<vmem>>, vector<16xi32>,
    %swap3A_630 = vector.shape_cast %swap3A_629 : vector<16xi32> to vector<16xi32>
    %swap3A_631 = vector.shape_cast %add3A_627 : vector<16xi32> to vector<16xi32>
    tpu.vector_store %arg10[%swap3A_628], %swap3A_631 {strides = array<i32>} : memref<128xi32, #tpu.memory_space<vmem>>, vector<16xi32>,
    %get3A_632 = arith.constant 16 : index
    %get3A_633 = tpu.vector_load %arg10[%get3A_632] {strides = array<i32>} : memref<128xi32, #tpu.memory_space<vmem>>, vector<16xi32>,
    %get3A_634 = vector.shape_cast %get3A_633 : vector<16xi32> to vector<16xi32>
    %mul3A_635 = arith.constant 2 : i32
    %mul3A_636 = vector.broadcast %mul3A_635 : i32 to vector<16xi32>
    %mul3A_637 = arith.muli %get3A_634, %mul3A_636 : vector<16xi32>
    %add3A_638 = vector.broadcast %arg0 : i32 to vector<16xi32>
    %add3A_639 = arith.addi %mul3A_637, %add3A_638 : vector<16xi32>
    %swap3A_640 = arith.constant 16 : index
    %swap3A_641 = tpu.vector_load %arg10[%swap3A_640] {strides = array<i32>} : memref<128xi32, #tpu.memory_space<vmem>>, vector<16xi32>,
    %swap3A_642 = vector.shape_cast %swap3A_641 : vector<16xi32> to vector<16xi32>
    %swap3A_643 = vector.shape_cast %add3A_639 : vector<16xi32> to vector<16xi32>
    tpu.vector_store %arg10[%swap3A_640], %swap3A_643 {strides = array<i32>} : memref<128xi32, #tpu.memory_space<vmem>>, vector<16xi32>,
    %get3A_644 = arith.constant 32 : index
    %get3A_645 = tpu.vector_load %arg10[%get3A_644] {strides = array<i32>} : memref<128xi32, #tpu.memory_space<vmem>>, vector<16xi32>,
    %get3A_646 = vector.shape_cast %get3A_645 : vector<16xi32> to vector<16xi32>
    %mul3A_647 = arith.constant 2 : i32
    %mul3A_648 = vector.broadcast %mul3A_647 : i32 to vector<16xi32>
    %mul3A_649 = arith.muli %get3A_646, %mul3A_648 : vector<16xi32>
    %add3A_650 = vector.broadcast %arg0 : i32 to vector<16xi32>
    %add3A_651 = arith.addi %mul3A_649, %add3A_650 : vector<16xi32>
    %swap3A_652 = arith.constant 32 : index
    %swap3A_653 = tpu.vector_load %arg10[%swap3A_652] {strides = array<i32>} : memref<128xi32, #tpu.memory_space<vmem>>, vector<16xi32>,
    %swap3A_654 = vector.shape_cast %swap3A_653 : vector<16xi32> to vector<16xi32>
    %swap3A_655 = vector.shape_cast %add3A_651 : vector<16xi32> to vector<16xi32>
    tpu.vector_store %arg10[%swap3A_652], %swap3A_655 {strides = array<i32>} : memref<128xi32, #tpu.memory_space<vmem>>, vector<16xi32>,
    %get3A_656 = arith.constant 48 : index
    %get3A_657 = tpu.vector_load %arg10[%get3A_656] {strides = array<i32>} : memref<128xi32, #tpu.memory_space<vmem>>, vector<16xi32>,
    %get3A_658 = vector.shape_cast %get3A_657 : vector<16xi32> to vector<16xi32>
    %mul3A_659 = arith.constant 2 : i32
    %mul3A_660 = vector.broadcast %mul3A_659 : i32 to vector<16xi32>
    %mul3A_661 = arith.muli %get3A_658, %mul3A_660 : vector<16xi32>
    %add3A_662 = vector.broadcast %arg0 : i32 to vector<16xi32>
    %add3A_663 = arith.addi %mul3A_661, %add3A_662 : vector<16xi32>
    %swap3A_664 = arith.constant 48 : index
    %swap3A_665 = tpu.vector_load %arg10[%swap3A_664] {strides = array<i32>} : memref<128xi32, #tpu.memory_space<vmem>>, vector<16xi32>,
    %swap3A_666 = vector.shape_cast %swap3A_665 : vector<16xi32> to vector<16xi32>
    %swap3A_667 = vector.shape_cast %add3A_663 : vector<16xi32> to vector<16xi32>
    tpu.vector_store %arg10[%swap3A_664], %swap3A_667 {strides = array<i32>} : memref<128xi32, #tpu.memory_space<vmem>>, vector<16xi32>,
    %get3A_668 = arith.constant 64 : index
    %get3A_669 = tpu.vector_load %arg10[%get3A_668] {strides = array<i32>} : memref<128xi32, #tpu.memory_space<vmem>>, vector<16xi32>,
    %get3A_670 = vector.shape_cast %get3A_669 : vector<16xi32> to vector<16xi32>
    %mul3A_671 = arith.constant 2 : i32
    %mul3A_672 = vector.broadcast %mul3A_671 : i32 to vector<16xi32>
    %mul3A_673 = arith.muli %get3A_670, %mul3A_672 : vector<16xi32>
    %add3A_674 = vector.broadcast %arg0 : i32 to vector<16xi32>
    %add3A_675 = arith.addi %mul3A_673, %add3A_674 : vector<16xi32>
    %swap3A_676 = arith.constant 64 : index
    %swap3A_677 = tpu.vector_load %arg10[%swap3A_676] {strides = array<i32>} : memref<128xi32, #tpu.memory_space<vmem>>, vector<16xi32>,
    %swap3A_678 = vector.shape_cast %swap3A_677 : vector<16xi32> to vector<16xi32>
    %swap3A_679 = vector.shape_cast %add3A_675 : vector<16xi32> to vector<16xi32>
    tpu.vector_store %arg10[%swap3A_676], %swap3A_679 {strides = array<i32>} : memref<128xi32, #tpu.memory_space<vmem>>, vector<16xi32>,
    %get3A_680 = arith.constant 80 : index
    %get3A_681 = tpu.vector_load %arg10[%get3A_680] {strides = array<i32>} : memref<128xi32, #tpu.memory_space<vmem>>, vector<16xi32>,
    %get3A_682 = vector.shape_cast %get3A_681 : vector<16xi32> to vector<16xi32>
    %mul3A_683 = arith.constant 2 : i32
    %mul3A_684 = vector.broadcast %mul3A_683 : i32 to vector<16xi32>
    %mul3A_685 = arith.muli %get3A_682, %mul3A_684 : vector<16xi32>
    %add3A_686 = vector.broadcast %arg0 : i32 to vector<16xi32>
    %add3A_687 = arith.addi %mul3A_685, %add3A_686 : vector<16xi32>
    %swap3A_688 = arith.constant 80 : index
    %swap3A_689 = tpu.vector_load %arg10[%swap3A_688] {strides = array<i32>} : memref<128xi32, #tpu.memory_space<vmem>>, vector<16xi32>,
    %swap3A_690 = vector.shape_cast %swap3A_689 : vector<16xi32> to vector<16xi32>
    %swap3A_691 = vector.shape_cast %add3A_687 : vector<16xi32> to vector<16xi32>
    tpu.vector_store %arg10[%swap3A_688], %swap3A_691 {strides = array<i32>} : memref<128xi32, #tpu.memory_space<vmem>>, vector<16xi32>,
    %get3A_692 = arith.constant 96 : index
    %get3A_693 = tpu.vector_load %arg10[%get3A_692] {strides = array<i32>} : memref<128xi32, #tpu.memory_space<vmem>>, vector<16xi32>,
    %get3A_694 = vector.shape_cast %get3A_693 : vector<16xi32> to vector<16xi32>
    %mul3A_695 = arith.constant 2 : i32
    %mul3A_696 = vector.broadcast %mul3A_695 : i32 to vector<16xi32>
    %mul3A_697 = arith.muli %get3A_694, %mul3A_696 : vector<16xi32>
    %add3A_698 = vector.broadcast %arg0 : i32 to vector<16xi32>
    %add3A_699 = arith.addi %mul3A_697, %add3A_698 : vector<16xi32>
    %swap3A_700 = arith.constant 96 : index
    %swap3A_701 = tpu.vector_load %arg10[%swap3A_700] {strides = array<i32>} : memref<128xi32, #tpu.memory_space<vmem>>, vector<16xi32>,
    %swap3A_702 = vector.shape_cast %swap3A_701 : vector<16xi32> to vector<16xi32>
    %swap3A_703 = vector.shape_cast %add3A_699 : vector<16xi32> to vector<16xi32>
    tpu.vector_store %arg10[%swap3A_700], %swap3A_703 {strides = array<i32>} : memref<128xi32, #tpu.memory_space<vmem>>, vector<16xi32>,
    %get3A_704 = arith.constant 112 : index
    %get3A_705 = tpu.vector_load %arg10[%get3A_704] {strides = array<i32>} : memref<128xi32, #tpu.memory_space<vmem>>, vector<16xi32>,
    %get3A_706 = vector.shape_cast %get3A_705 : vector<16xi32> to vector<16xi32>
    %mul3A_707 = arith.constant 2 : i32
    %mul3A_708 = vector.broadcast %mul3A_707 : i32 to vector<16xi32>
    %mul3A_709 = arith.muli %get3A_706, %mul3A_708 : vector<16xi32>
    %add3A_710 = vector.broadcast %arg0 : i32 to vector<16xi32>
    %add3A_711 = arith.addi %mul3A_709, %add3A_710 : vector<16xi32>
    %swap3A_712 = arith.constant 112 : index
    %swap3A_713 = tpu.vector_load %arg10[%swap3A_712] {strides = array<i32>} : memref<128xi32, #tpu.memory_space<vmem>>, vector<16xi32>,
    %swap3A_714 = vector.shape_cast %swap3A_713 : vector<16xi32> to vector<16xi32>
    %swap3A_715 = vector.shape_cast %add3A_711 : vector<16xi32> to vector<16xi32>
    tpu.vector_store %arg10[%swap3A_712], %swap3A_715 {strides = array<i32>} : memref<128xi32, #tpu.memory_space<vmem>>, vector<16xi32>,
    %dma_start3A_716 = arith.constant 0 : i32
    %dma_start3A_717 = arith.constant 0 : i32
    %dma_start3A_718 = tpu.memref_slice %arg2[%dma_start3A_716, %dma_start3A_717] : memref<20000x128xf32, #tpu.memory_space<hbm>> -> memref<20000x128xf32, #tpu.memory_space<hbm>>
    tpu.enqueue_indirect_dma source(%dma_start3A_718 : memref<20000x128xf32, #tpu.memory_space<hbm>>) target(%arg11 : memref<128x128xf32, #tpu.memory_space<vmem>>) offsets(%arg10 : memref<128xi32, #tpu.memory_space<vmem>>) semaphore(%arg14 : memref<!tpu.dma_semaphore, #tpu.memory_space<semaphore_mem>>)
    %dma_wait3A_719 = arith.constant 0 : i32
    %dma_wait3A_720 = arith.constant 0 : i32
    %dma_wait3A_721 = tpu.memref_slice %arg2[%dma_wait3A_719, %dma_wait3A_720] : memref<20000x128xf32, #tpu.memory_space<hbm>> -> memref<20000x128xf32, #tpu.memory_space<hbm>>
    tpu.wait_indirect_dma semaphore(%arg15 : memref<!tpu.dma_semaphore, #tpu.memory_space<semaphore_mem>>) src(%dma_wait3A_721 : memref<20000x128xf32, #tpu.memory_space<hbm>>) dst(%arg12 : memref<128x128xf32, #tpu.memory_space<vmem>>)
    %run_scoped3A_722 = arith.constant 78 : i32
    "tpu.region"() ({
      %run_scoped3A_737 = tpu.sem_alloc : memref<!tpu.dma_semaphore, #tpu.memory_space<semaphore_mem>>
      %dma_start3A_738 = arith.constant 0 : i32
      %dma_start3A_739 = tpu.memref_slice %arg6[%run_scoped3A_722, %dma_start3A_738] : memref<80x128xi32, #tpu.memory_space<vmem>> -> memref<1x128xi32, #tpu.memory_space<vmem>>
      %dma_start3A_740 = tpu.memref_squeeze %dma_start3A_739 : memref<1x128xi32, #tpu.memory_space<vmem>> -> memref<128xi32, #tpu.memory_space<vmem>>
      %dma_start3A_741 = arith.constant 0 : i32
      %dma_start3A_742 = arith.constant 0 : i32
      %dma_start3A_743 = tpu.memref_slice %arg13[%dma_start3A_741, %dma_start3A_742] : memref<10008x128xf32, #tpu.memory_space<vmem_shared>> -> memref<10008x128xf32, #tpu.memory_space<vmem_shared>>
      tpu.enqueue_indirect_dma source(%arg12 : memref<128x128xf32, #tpu.memory_space<vmem>>) target(%dma_start3A_743 : memref<10008x128xf32, #tpu.memory_space<vmem_shared>>) offsets(%dma_start3A_740 : memref<128xi32, #tpu.memory_space<vmem>>) semaphore(%run_scoped3A_737 : memref<!tpu.dma_semaphore, #tpu.memory_space<semaphore_mem>>) {add = true}
      %dma_wait3A_744 = arith.constant 0 : i32
      %dma_wait3A_745 = tpu.memref_slice %arg6[%run_scoped3A_722, %dma_wait3A_744] : memref<80x128xi32, #tpu.memory_space<vmem>> -> memref<1x128xi32, #tpu.memory_space<vmem>>
      %dma_wait3A_746 = tpu.memref_squeeze %dma_wait3A_745 : memref<1x128xi32, #tpu.memory_space<vmem>> -> memref<128xi32, #tpu.memory_space<vmem>>
      %dma_wait3A_747 = arith.constant 0 : i32
      %dma_wait3A_748 = arith.constant 0 : i32
      %dma_wait3A_749 = tpu.memref_slice %arg13[%dma_wait3A_747, %dma_wait3A_748] : memref<10008x128xf32, #tpu.memory_space<vmem_shared>> -> memref<10008x128xf32, #tpu.memory_space<vmem_shared>>
      tpu.wait_indirect_dma semaphore(%run_scoped3A_737 : memref<!tpu.dma_semaphore, #tpu.memory_space<semaphore_mem>>) src(%arg12 : memref<128x128xf32, #tpu.memory_space<vmem>>) dst(%dma_wait3A_749 : memref<10008x128xf32, #tpu.memory_space<vmem_shared>>)
      tpu.yield
    }) : () -> ()
    %dma_wait3A_723 = arith.constant 0 : i32
    %dma_wait3A_724 = arith.constant 0 : i32
    %dma_wait3A_725 = tpu.memref_slice %arg2[%dma_wait3A_723, %dma_wait3A_724] : memref<20000x128xf32, #tpu.memory_space<hbm>> -> memref<20000x128xf32, #tpu.memory_space<hbm>>
    tpu.wait_indirect_dma semaphore(%arg14 : memref<!tpu.dma_semaphore, #tpu.memory_space<semaphore_mem>>) src(%dma_wait3A_725 : memref<20000x128xf32, #tpu.memory_space<hbm>>) dst(%arg11 : memref<128x128xf32, #tpu.memory_space<vmem>>)
    %run_scoped3A_726 = arith.constant 79 : i32
    "tpu.region"() ({
      %run_scoped3A_737 = tpu.sem_alloc : memref<!tpu.dma_semaphore, #tpu.memory_space<semaphore_mem>>
      %dma_start3A_738 = arith.constant 0 : i32
      %dma_start3A_739 = tpu.memref_slice %arg6[%run_scoped3A_726, %dma_start3A_738] : memref<80x128xi32, #tpu.memory_space<vmem>> -> memref<1x128xi32, #tpu.memory_space<vmem>>
      %dma_start3A_740 = tpu.memref_squeeze %dma_start3A_739 : memref<1x128xi32, #tpu.memory_space<vmem>> -> memref<128xi32, #tpu.memory_space<vmem>>
      %dma_start3A_741 = arith.constant 0 : i32
      %dma_start3A_742 = arith.constant 0 : i32
      %dma_start3A_743 = tpu.memref_slice %arg13[%dma_start3A_741, %dma_start3A_742] : memref<10008x128xf32, #tpu.memory_space<vmem_shared>> -> memref<10008x128xf32, #tpu.memory_space<vmem_shared>>
      tpu.enqueue_indirect_dma source(%arg11 : memref<128x128xf32, #tpu.memory_space<vmem>>) target(%dma_start3A_743 : memref<10008x128xf32, #tpu.memory_space<vmem_shared>>) offsets(%dma_start3A_740 : memref<128xi32, #tpu.memory_space<vmem>>) semaphore(%run_scoped3A_737 : memref<!tpu.dma_semaphore, #tpu.memory_space<semaphore_mem>>) {add = true}
      %dma_wait3A_744 = arith.constant 0 : i32
      %dma_wait3A_745 = tpu.memref_slice %arg6[%run_scoped3A_726, %dma_wait3A_744] : memref<80x128xi32, #tpu.memory_space<vmem>> -> memref<1x128xi32, #tpu.memory_space<vmem>>
      %dma_wait3A_746 = tpu.memref_squeeze %dma_wait3A_745 : memref<1x128xi32, #tpu.memory_space<vmem>> -> memref<128xi32, #tpu.memory_space<vmem>>
      %dma_wait3A_747 = arith.constant 0 : i32
      %dma_wait3A_748 = arith.constant 0 : i32
      %dma_wait3A_749 = tpu.memref_slice %arg13[%dma_wait3A_747, %dma_wait3A_748] : memref<10008x128xf32, #tpu.memory_space<vmem_shared>> -> memref<10008x128xf32, #tpu.memory_space<vmem_shared>>
      tpu.wait_indirect_dma semaphore(%run_scoped3A_737 : memref<!tpu.dma_semaphore, #tpu.memory_space<semaphore_mem>>) src(%arg11 : memref<128x128xf32, #tpu.memory_space<vmem>>) dst(%dma_wait3A_749 : memref<10008x128xf32, #tpu.memory_space<vmem_shared>>)
      tpu.yield
    }) : () -> ()
    %barrier3A_727 = arith.constant 0 : index
    tpu.barrier barrier_id(%barrier3A_727)
    %mul3A_728 = arith.constant 624 : i32
    %mul3A_729 = arith.muli %arg1, %mul3A_728 : i32
    %mul3A_730 = arith.constant 624 : i32
    %mul3A_731 = arith.muli %arg1, %mul3A_730 : i32
    "tpu.region"() ({
      %run_scoped3A_737 = tpu.sem_alloc : memref<!tpu.dma_semaphore, #tpu.memory_space<semaphore_mem>>
      %dma_start3A_738 = arith.constant 0 : i32
      %dma_start3A_739 = arith.constant 0 : i32
      %dma_start3A_740 = tpu.memref_slice %arg5[%arg0, %dma_start3A_738, %dma_start3A_739] : memref<2x10000x128xf32, #tpu.memory_space<hbm>> -> memref<1x10000x128xf32, #tpu.memory_space<hbm>>
      %dma_start3A_741 = tpu.memref_squeeze %dma_start3A_740 : memref<1x10000x128xf32, #tpu.memory_space<hbm>> -> memref<10000x128xf32, #tpu.memory_space<hbm>>
      %dma_start3A_742 = arith.constant 0 : i32
      %dma_start3A_743 = tpu.memref_slice %dma_start3A_741[%mul3A_731, %dma_start3A_742] : memref<10000x128xf32, #tpu.memory_space<hbm>> -> memref<624x128xf32, #tpu.memory_space<hbm>>
      %dma_start3A_744 = arith.constant 0 : i32
      %dma_start3A_745 = tpu.memref_slice %arg13[%mul3A_729, %dma_start3A_744] : memref<10008x128xf32, #tpu.memory_space<vmem_shared>> -> memref<624x128xf32, #tpu.memory_space<vmem_shared>>
      tpu.enqueue_dma source(%dma_start3A_745 : memref<624x128xf32, #tpu.memory_space<vmem_shared>>) target(%dma_start3A_743 : memref<624x128xf32, #tpu.memory_space<hbm>>) target_semaphore(%run_scoped3A_737 : memref<!tpu.dma_semaphore, #tpu.memory_space<semaphore_mem>>)
      %dma_wait3A_746 = arith.constant 0 : i32
      %dma_wait3A_747 = arith.constant 0 : i32
      %dma_wait3A_748 = tpu.memref_slice %arg5[%arg0, %dma_wait3A_746, %dma_wait3A_747] : memref<2x10000x128xf32, #tpu.memory_space<hbm>> -> memref<1x10000x128xf32, #tpu.memory_space<hbm>>
      %dma_wait3A_749 = tpu.memref_squeeze %dma_wait3A_748 : memref<1x10000x128xf32, #tpu.memory_space<hbm>> -> memref<10000x128xf32, #tpu.memory_space<hbm>>
      %dma_wait3A_750 = arith.constant 0 : i32
      %dma_wait3A_751 = tpu.memref_slice %dma_wait3A_749[%mul3A_731, %dma_wait3A_750] : memref<10000x128xf32, #tpu.memory_space<hbm>> -> memref<624x128xf32, #tpu.memory_space<hbm>>
      %dma_wait3A_752 = arith.constant 0 : i32
      %dma_wait3A_753 = tpu.memref_slice %arg13[%mul3A_729, %dma_wait3A_752] : memref<10008x128xf32, #tpu.memory_space<vmem_shared>> -> memref<624x128xf32, #tpu.memory_space<vmem_shared>>
      tpu.wait_dma2 semaphore(%run_scoped3A_737 : memref<!tpu.dma_semaphore, #tpu.memory_space<semaphore_mem>>) src(%dma_wait3A_753 : memref<624x128xf32, #tpu.memory_space<vmem_shared>>) dst(%dma_wait3A_751 : memref<624x128xf32, #tpu.memory_space<hbm>>)
      tpu.yield
    }) : () -> ()
    %eq3A_732 = arith.constant 15 : i32
    %eq3A_733 = arith.cmpi eq, %arg1, %eq3A_732 : i32
    %convert_element_type3A_734 = arith.extui %eq3A_733 : i1 to i32
    %cond3A_735 = arith.constant 0 : i32
    %cond3A_736 = arith.cmpi ne, %convert_element_type3A_734, %cond3A_735 : i32
    scf.if %cond3A_736 {
      "tpu.region"() ({
        %run_scoped3A_737 = tpu.sem_alloc : memref<!tpu.dma_semaphore, #tpu.memory_space<semaphore_mem>>
        %dma_start3A_738 = arith.constant 0 : i32
        %dma_start3A_739 = arith.constant 0 : i32
        %dma_start3A_740 = tpu.memref_slice %arg5[%arg0, %dma_start3A_738, %dma_start3A_739] : memref<2x10000x128xf32, #tpu.memory_space<hbm>> -> memref<1x10000x128xf32, #tpu.memory_space<hbm>>
        %dma_start3A_741 = tpu.memref_squeeze %dma_start3A_740 : memref<1x10000x128xf32, #tpu.memory_space<hbm>> -> memref<10000x128xf32, #tpu.memory_space<hbm>>
        %dma_start3A_742 = arith.constant 9984 : i32
        %dma_start3A_743 = arith.constant 0 : i32
        %dma_start3A_744 = tpu.memref_slice %dma_start3A_741[%dma_start3A_742, %dma_start3A_743] : memref<10000x128xf32, #tpu.memory_space<hbm>> -> memref<16x128xf32, #tpu.memory_space<hbm>>
        %dma_start3A_745 = arith.constant 9984 : i32
        %dma_start3A_746 = arith.constant 0 : i32
        %dma_start3A_747 = tpu.memref_slice %arg13[%dma_start3A_745, %dma_start3A_746] : memref<10008x128xf32, #tpu.memory_space<vmem_shared>> -> memref<16x128xf32, #tpu.memory_space<vmem_shared>>
        tpu.enqueue_dma source(%dma_start3A_747 : memref<16x128xf32, #tpu.memory_space<vmem_shared>>) target(%dma_start3A_744 : memref<16x128xf32, #tpu.memory_space<hbm>>) target_semaphore(%run_scoped3A_737 : memref<!tpu.dma_semaphore, #tpu.memory_space<semaphore_mem>>)
        %dma_wait3A_748 = arith.constant 0 : i32
        %dma_wait3A_749 = arith.constant 0 : i32
        %dma_wait3A_750 = tpu.memref_slice %arg5[%arg0, %dma_wait3A_748, %dma_wait3A_749] : memref<2x10000x128xf32, #tpu.memory_space<hbm>> -> memref<1x10000x128xf32, #tpu.memory_space<hbm>>
        %dma_wait3A_751 = tpu.memref_squeeze %dma_wait3A_750 : memref<1x10000x128xf32, #tpu.memory_space<hbm>> -> memref<10000x128xf32, #tpu.memory_space<hbm>>
        %dma_wait3A_752 = arith.constant 9984 : i32
        %dma_wait3A_753 = arith.constant 0 : i32
        %dma_wait3A_754 = tpu.memref_slice %dma_wait3A_751[%dma_wait3A_752, %dma_wait3A_753] : memref<10000x128xf32, #tpu.memory_space<hbm>> -> memref<16x128xf32, #tpu.memory_space<hbm>>
        %dma_wait3A_755 = arith.constant 9984 : i32
        %dma_wait3A_756 = arith.constant 0 : i32
        %dma_wait3A_757 = tpu.memref_slice %arg13[%dma_wait3A_755, %dma_wait3A_756] : memref<10008x128xf32, #tpu.memory_space<vmem_shared>> -> memref<16x128xf32, #tpu.memory_space<vmem_shared>>
        tpu.wait_dma2 semaphore(%run_scoped3A_737 : memref<!tpu.dma_semaphore, #tpu.memory_space<semaphore_mem>>) src(%dma_wait3A_757 : memref<16x128xf32, #tpu.memory_space<vmem_shared>>) dst(%dma_wait3A_754 : memref<16x128xf32, #tpu.memory_space<hbm>>)
        tpu.yield
      }) : () -> ()
    } else {
    }
    return
  }
}

module attributes {stable_mosaic.version = 14 : i64} {
  func.func @_linear_body(%arg0: i32, %arg1: memref<1000x128xf32, #tpu.memory_space<vmem>>, %arg2: memref<1000x128xf32, #tpu.memory_space<vmem>>, %arg3: memref<256x128xf32, #tpu.memory_space<vmem>>, %arg4: memref<256x128xf32, #tpu.memory_space<vmem>>, %arg5: memref<1x256xf32, #tpu.memory_space<vmem>>, %arg6: memref<1000x256xf32, #tpu.memory_space<vmem>>) attributes {dimension_semantics = [#tpu.dimension_semantics<arbitrary>], iteration_bounds = array<i64: 10>, scalar_prefetch = 0 : i64, scratch_operands = 0 : i64, tpu.core_type = #tpu.core_type<tc>, window_params = [{transform_indices = @transform_0, window_bounds = array<i64: 1000, 128>}, {transform_indices = @transform_1, window_bounds = array<i64: 1000, 128>}, {pipeline_mode = #tpu.pipeline_mode<synchronous>, transform_indices = @transform_2, window_bounds = array<i64: 256, 128>}, {pipeline_mode = #tpu.pipeline_mode<synchronous>, transform_indices = @transform_3, window_bounds = array<i64: 256, 128>}, {pipeline_mode = #tpu.pipeline_mode<synchronous>, transform_indices = @transform_4, window_bounds = array<i64: 1, 256>}, {transform_indices = @transform_5, window_bounds = array<i64: 1000, 256>}]} {
    %get3A = arith.constant 0 : index
    %get3A_0 = arith.constant 0 : index
    %get3A_1 = vector.load %arg1[%get3A, %get3A_0] : memref<1000x128xf32, #tpu.memory_space<vmem>>, vector<1000x128xf32>
    %get3A_2 = arith.constant 0 : index
    %get3A_3 = arith.constant 0 : index
    %get3A_4 = vector.load %arg3[%get3A_2, %get3A_3] : memref<256x128xf32, #tpu.memory_space<vmem>>, vector<256x128xf32>
    %dot_general3A = arith.constant dense<0.000000e+00> : vector<1000x256xf32>
    %dot_general3A_5 = tpu.matmul %get3A_1, %get3A_4, %dot_general3A {dimension_numbers = #tpu.dot_dimension_numbers<[1], [1], [0], [0], [0, 0, 1, 0], [], []>, transpose_lhs_hint = false} : vector<1000x128xf32>, vector<256x128xf32>, vector<1000x256xf32> -> vector<1000x256xf32>
    %get3A_6 = arith.constant 0 : index
    %get3A_7 = arith.constant 0 : index
    %get3A_8 = vector.load %arg2[%get3A_6, %get3A_7] : memref<1000x128xf32, #tpu.memory_space<vmem>>, vector<1000x128xf32>
    %get3A_9 = arith.constant 0 : index
    %get3A_10 = arith.constant 0 : index
    %get3A_11 = vector.load %arg4[%get3A_9, %get3A_10] : memref<256x128xf32, #tpu.memory_space<vmem>>, vector<256x128xf32>
    %dot_general3A_12 = arith.constant dense<0.000000e+00> : vector<1000x256xf32>
    %dot_general3A_13 = tpu.matmul %get3A_8, %get3A_11, %dot_general3A_12 {dimension_numbers = #tpu.dot_dimension_numbers<[1], [1], [0], [0], [0, 0, 1, 0], [], []>, transpose_lhs_hint = false} : vector<1000x128xf32>, vector<256x128xf32>, vector<1000x256xf32> -> vector<1000x256xf32>
    %add3A = arith.addf %dot_general3A_5, %dot_general3A_13 : vector<1000x256xf32>
    %get3A_14 = arith.constant 0 : index
    %get3A_15 = arith.constant 0 : index
    %get3A_16 = vector.load %arg5[%get3A_14, %get3A_15] : memref<1x256xf32, #tpu.memory_space<vmem>>, vector<1x256xf32>
    %add3A_17 = vector.broadcast %get3A_16 : vector<1x256xf32> to vector<1000x256xf32>
    %add3A_18 = arith.addf %add3A, %add3A_17 : vector<1000x256xf32>
    %swap3A = arith.constant 0 : index
    %swap3A_19 = arith.constant 0 : index
    %swap3A_20 = vector.load %arg6[%swap3A, %swap3A_19] : memref<1000x256xf32, #tpu.memory_space<vmem>>, vector<1000x256xf32>
    tpu.vector_store %arg6[%swap3A, %swap3A_19], %add3A_18 {strides = array<i32>} : memref<1000x256xf32, #tpu.memory_space<vmem>>, vector<1000x256xf32>,
    return
  }
  func.func @transform_0(%arg0: i32) -> (i32, i32) {
    %c0_i32 = arith.constant 0 : i32
    %c0_i32_0 = arith.constant 0 : i32
    return %arg0, %c0_i32 : i32, i32
  }
  func.func @transform_1(%arg0: i32) -> (i32, i32) {
    %c0_i32 = arith.constant 0 : i32
    %c0_i32_0 = arith.constant 0 : i32
    return %arg0, %c0_i32 : i32, i32
  }
  func.func @transform_2(%arg0: i32) -> (i32, i32) {
    %c0_i32 = arith.constant 0 : i32
    %c0_i32_0 = arith.constant 0 : i32
    %c0_i32_1 = arith.constant 0 : i32
    return %c0_i32, %c0_i32_0 : i32, i32
  }
  func.func @transform_3(%arg0: i32) -> (i32, i32) {
    %c0_i32 = arith.constant 0 : i32
    %c0_i32_0 = arith.constant 0 : i32
    %c0_i32_1 = arith.constant 0 : i32
    return %c0_i32, %c0_i32_0 : i32, i32
  }
  func.func @transform_4(%arg0: i32) -> (i32, i32) {
    %c0_i32 = arith.constant 0 : i32
    %c0_i32_0 = arith.constant 0 : i32
    %c0_i32_1 = arith.constant 0 : i32
    return %c0_i32, %c0_i32_0 : i32, i32
  }
  func.func @transform_5(%arg0: i32) -> (i32, i32) {
    %c0_i32 = arith.constant 0 : i32
    %c0_i32_0 = arith.constant 0 : i32
    return %arg0, %c0_i32 : i32, i32
  }
}

</mosaic_0001>

<sc_bundles>
// kernel: kernel.4.cloned.1.call-start
scs
__scs_entry_jumppad:
0x0: {  	(pc) =	sbr.rel $0x88, $3  }
0x1: {  	(tag) =	ssettag $0x0;
	lr =	simm.s32 $0x1  }
0x2: {  	[smem:$0x3F9D] =	sst lr;
	_ =	strace $0xD0000000  }
0x3: {  	_ = 	snop  }
0x4: {  	_ = 	snop  }
0x5: {  	_ = 	snop  }
0x6: {  	_ = 	snop  }
0x7: {  	_ = 	snop  }
__scs_overlays_trampoline_lowered:
0x8: {  	[smem:$0x3FAC] =	sst s0  }
0x9: {  	[smem:$0x3FAD] =	sst s1  }
0xa: {  	[smem:$0x3FAE] =	sst s2  }
0xb: {  	[smem:$0x3FAF] =	sst s3  }
0xc: {  	[smem:$0x3FB0] =	sst s4  }
0xd: {  	[smem:$0x3FB1] =	sst s5  }
0xe: {  	[smem:$0x3FB2] =	sst s6  }
0xf: {  	[smem:$0x3FB3] =	sst s7  }
0x10: {  	[smem:$0x3FB4] =	sst s8  }
0x11: {  	[smem:$0x3FB5] =	sst s9;
	s0 =	simm.s32 @!p0 $0x0  }
0x12: {  	s1 =	sld [smem:$0x3F9B];
	s0 =	simm.s32 @p0 $0x1  }
0x13: {  	[smem:$0x3FB6] =	sst s0;
	s0 =	simm.s32 @!p1 $0x0  }
0x14: {  	s2 =	sld [smem:$0x3F9A];
	s0 =	simm.s32 @p1 $0x1  }
0x15: {  	[smem:$0x3FB7] =	sst s0;
	s0 =	simm.s32 @!p2 $0x0  }
0x16: {  	s3 =	sld [smem:$0x3FDB];
	s0 =	simm.s32 @p2 $0x1  }
0x17: {  	s4 =	simm.s32 $0x1BF5;
	[smem:$0x3FB9] =	sst s0  }
0x18: {  	s0 =	sld [smem:$0x3F9C];
	_ =	swait.ge [sflag:s4], $0x0  }
0x19: {  	s7 =	sld [smem:$0x3F9D]  }
0x1a: {  	s8 =	sadd.s32 $0xFFFFE003, lr  }
0x1b: {  	s9 =	sadd.s32 $0xFFFFFEF7, lr;
	s5 =	simm.s32 $0xFFFFFFFF;
	p2 =	slt.u32 s8, $0xFFFFF086  }
0x1c: {  	p1 =	slt.u32 s9, $0xF7A;
	s5 =	simm.s32 @!p2 $0x0  }
0x1d: {  	s5 =	simm.s32 @p1 $0x1;
	p0 =	seq.s32 s7, s2  }
0x1e: {  	s7 =	smul.u32 @!p0 $0xF7A, s2;
	p2 =	seq.s32 @!p0 s5, $0x0  }
0x1f: {  	s9 =	smul.u32 $0xF7A, s1;
	s8 =	simm.s32 @!p0 $0x1BF5;
	p2 =	por !p2, p0  }
0x20: {  	[sflag:s8] =	ssyncset.s32 @!p0 $0xFFFFF086;
	s6 =	sadd.s32 @!p0 s3, s7;
	s7 =	simm.s32 @!p0 $0x108  }
0x21: {  	s3 =	sadd.s32 s3, s9;
	s6 =	sadd.s32 @!p0 $0x88, s6;
	s7 =	simm.s32 @p2 $0x1082  }
0x22: {  	[simem:s7], [sflag:s8] =	dma.local @!p0 [hbm:s6], $0xF7A  }
0x23: {  	s9 =	sor.u32 $0xD0000000, s2;
	s6 =	simm.s32 $0x108;
	_ =	swait.ge @!p0 [sflag:s8], $0x0  }
0x24: {  	s3 =	sadd.s32 $0x88, s3;
	s6 =	simm.s32 @!p1 $0x1082;
	[sflag:s4] =	ssyncset.s32 $0xFFFFF086  }
0x25: {  	[simem:s6], [sflag:s4] =	dma.local [hbm:s3], $0xF7A  }
0x26: {  	[smem:$0x3F9D] =	sst s1;
	(tag) =	ssettag s2;
	_ =	strace s9  }
0x27: {  	s1 =	sld [smem:$0x3FAD]  }
0x28: {  	s2 =	sld [smem:$0x3FAE]  }
0x29: {  	s4 =	sld [smem:$0x3FB0]  }
0x2a: {  	p0 =	seq.s32 s5, $0x0;
	s5 =	sld [smem:$0x3FB1]  }
0x2b: {  	s6 =	sld [smem:$0x3FB2]  }
0x2c: {  	s7 =	sld [smem:$0x3FB3]  }
0x2d: {  	s3 =	simm.s32 $0x108;
	s8 =	sld [smem:$0x3FB4]  }
0x2e: {  	s3 =	simm.s32 @!p0 $0x1082;
	s9 =	sld [smem:$0x3FB5]  }
0x2f: {  	lr =	sadd.s32 s0, s3;
	s0 =	sld [smem:$0x3FAC]  }
0x30: {  	s3 =	sld [smem:$0x3FAF]  }
0x31: {  	[smem:$0x3FB8] =	sst s10  }
0x32: {  	s10 =	sld [smem:$0x3FB6];
	_ =	sdelay $0x3  }
0x33: {  	p0 =	seq.s32 s10, $0x1;
	s10 =	sld [smem:$0x3FB8];
	_ =	sdelay $0x3  }
0x34: {  	[smem:$0x3FB8] =	sst s10  }
0x35: {  	s10 =	sld [smem:$0x3FB7];
	_ =	sdelay $0x3  }
0x36: {  	p1 =	seq.s32 s10, $0x1;
	s10 =	sld [smem:$0x3FB8];
	_ =	sdelay $0x3  }
0x37: {  	[smem:$0x3FB8] =	sst s10  }
0x38: {  	s10 =	sld [smem:$0x3FB9]  }
0x39: {  	_ = 	snop;
	(pc) =	sbr.ind lr, $3  }
0x3a: {  	_ = 	snop  }
0x3b: {  	_ = 	snop  }
0x3c: {  	p2 =	seq.s32 s10, $0x1;
	s10 =	sld [smem:$0x3FB8]  }
0x3d: {  	_ =	shalt  }
0x3e: {  	_ =	shalt  }
0x3f: {  	_ =	shalt  }
0x40: {  	_ =	shalt  }
0x41: {  	_ =	shalt  }
0x42: {  	_ =	shalt  }
0x43: {  	_ =	shalt  }
0x44: {  	_ =	shalt  }
0x45: {  	_ =	shalt  }
0x46: {  	_ =	shalt  }
0x47: {  	_ =	shalt  }
0x48: {  	_ =	shalt  }
0x49: {  	_ =	shalt  }
0x4a: {  	_ =	shalt  }
0x4b: {  	_ =	shalt  }
0x4c: {  	_ =	shalt  }
0x4d: {  	_ =	shalt  }
0x4e: {  	_ =	shalt  }
0x4f: {  	_ =	shalt  }
0x50: {  	_ =	shalt  }
0x51: {  	_ =	shalt  }
0x52: {  	_ =	shalt  }
0x53: {  	_ =	shalt  }
0x54: {  	_ =	shalt  }
0x55: {  	_ =	shalt  }
0x56: {  	_ =	shalt  }
0x57: {  	_ =	shalt  }
0x58: {  	_ =	shalt  }
0x59: {  	_ =	shalt  }
0x5a: {  	_ =	shalt  }
0x5b: {  	_ =	shalt  }
0x5c: {  	_ =	shalt  }
0x5d: {  	_ =	shalt  }
0x5e: {  	_ =	shalt  }
0x5f: {  	_ =	shalt  }
0x60: {  	_ =	shalt  }
0x61: {  	_ =	shalt  }
0x62: {  	_ =	shalt  }
0x63: {  	_ =	shalt  }
0x64: {  	_ =	shalt  }
0x65: {  	_ =	shalt  }
0x66: {  	_ =	shalt  }
0x67: {  	_ =	shalt  }
0x68: {  	_ =	shalt  }
0x69: {  	_ =	shalt  }
0x6a: {  	_ =	shalt  }
0x6b: {  	_ =	shalt  }
0x6c: {  	_ =	shalt  }
0x6d: {  	_ =	shalt  }
0x6e: {  	_ =	shalt  }
0x6f: {  	_ =	shalt  }
0x70: {  	_ =	shalt  }
0x71: {  	_ =	shalt  }
0x72: {  	_ =	shalt  }
0x73: {  	_ =	shalt  }
0x74: {  	_ =	shalt  }
0x75: {  	_ =	shalt  }
0x76: {  	_ =	shalt  }
0x77: {  	_ =	shalt  }
0x78: {  	_ =	shalt  }
0x79: {  	_ =	shalt  }
0x7a: {  	_ =	shalt  }
0x7b: {  	_ =	shalt  }
0x7c: {  	_ =	shalt  }
0x7d: {  	_ =	shalt  }
0x7e: {  	_ =	shalt  }
0x7f: {  	_ =	shalt  }
0x80: {  	_ =	shalt  }
0x81: {  	_ =	shalt  }
0x82: {  	_ =	shalt  }
0x83: {  	_ =	shalt  }
0x84: {  	_ =	shalt  }
0x85: {  	_ =	shalt  }
0x86: {  	_ =	shalt  }
0x87: {  	_ =	shalt  }
.Lfunc_end0:
.L_simem_size_0:
called_computation_lowered:
.L_overlay_start_0:
0x88: {  	s2 =	sld [smem:$0x3FD9]  }
0x89: {  	s3 =	sld [smem:$0x3FFE];
	_ =	sdelay $0x1  }
0x8a: {  	s1 =	srdreg.scid  }
0x8b: {  	s0 =	sand.u32 $0x1, s1  }
0x8c: {  	s17 =	sshll.u32 s0, $0xA;
	s2 =	sadd.s32 s3, s2  }
0x8d: {  	s2 =	sadd.s32 s2, s17  }
0x8e: {  	[smem:$0x3FC4] =	sst s2  }
0x8f: {  	_ = 	snop  }
0x90: {  	s2 =	sld [smem:$0x3FD0];
	(tm) =	ssettm $0x1  }
0x91: {  	s18 =	sld [smem:$0x3FFB];
	_ =	sdelay $0x3  }
0x92: {  	_ =	strace s18  }
0x93: {  	s3 =	sld [smem:$0x3FFC];
	_ =	sdelay $0x3  }
0x94: {  	_ =	strace s3  }
0x95: {  	s3 =	sld [smem:$0x3FFD];
	_ =	sdelay $0x3  }
0x96: {  	_ =	strace s3  }
0x97: {  	_ =	strace $0x8FFFFFFF  }
0x98: {  	s19 =	sld [smem:$0x3FDB];
	_ =	sdelay $0x1  }
0x99: {  	s4 =	simm.s32 $_scs_section_size  }
0x9a: {  	s5 =	simm.s32 $_size__tile_overlayer_lowered;
	s6 =	simm.s32 $_tile_overlayer_lowered  }
0x9b: {  	s22 =	simm.s32 $0x1BFF;
	s21 =	sshll.u32 s6, $0x1;
	s3 =	sadd.s32 s4, s19  }
0x9c: {  	s7 =	simm.s32 $0x0;
	s20 =	sshll.u32 s5, $0x1;
	s5 =	sadd.s32 s21, s3  }
0x9d: {  	[timem:s7], [sflag:s22] =	dma.local [hbm:s5], s20  }
0x9e: {  	_ =	swait.ge [sflag:s22], s20  }
0x9f: {  	s4 =	ssub.s32 $0x0, s20;
	[sflag:s22] =	ssyncset.done $0x0  }
0xa0: {  	[sflag:s22] =	ssyncadd.s32 s4;
	_ =	sdelay $0x1  }
0xa1: {  	s23 =	simm.s32 $0x1B8B  }
0xa2: {  	_ =	swait.ge [sflag:s23], $0x1  }
0xa3: {  	[sflag:s23] =	ssyncset.done $0x0  }
0xa4: {  	s25 =	simm.s32 $0x1B8E;
	s24 =	sld [smem:$0x3FFE];
	[sflag:s23] =	ssyncadd.s32 $0xFFFFFFFF  }
0xa5: {  	s26 =	simm.s32 $execute0_lowered;
	[smem:$0x3FD2] =	sst s25  }
0xa6: {  	s5 =	sshll.u32 s26, $0x1;
	_ =	strace $0x80000046;
	[dreg:$0x1] =	wrdreg $0xFFFFFFFF  }
0xa7: {  	s28 =	simm.s32 $_size_execute0_lowered;
	s3 =	sadd.s32 s3, s5;
	[dreg:$0x0] =	wrdreg $0x0  }
0xa8: {  	s5 =	sshll.u32 s28, $0x1;
	[dreg:$0x2] =	wrdreg s3  }
0xa9: {  	[dreg:$0x3] =	wrdreg s5  }
0xaa: {  	[dreg:$0x4] =	wrdreg $0xC0  }
0xab: {  	_ =	task [dreg:s7], $0x5FFFF  }
0xac: {  	[dreg:$0x1] =	wrdreg $0xFFFFFFFF  }
0xad: {  	[dreg:$0x0] =	wrdreg $0x60  }
0xae: {  	[dreg:$0x2] =	wrdreg s2  }
0xaf: {  	[dreg:$0x3] =	wrdreg s24  }
0xb0: {  	[dreg:$0x4] =	wrdreg $0xAA000  }
0xb1: {  	[dreg:$0x5] =	wrdreg $0x9  }
0xb2: {  	_ =	task.clear_ibuf [dreg:s7], $0x6FFFF;
	_ =	strace $0x90000046  }
0xb3: {  	s29 =	simm.s32 $0x9;
	_ =	strace $0x80000048  }
0xb4: {  	_ =	swait.ge [sflag:s29], $0x1  }
0xb5: {  	[sflag:s29] =	ssyncadd.s32 $0xFFFFFFFF  }
0xb6: {  	_ =	strace $0x90000048  }
0xb7: {  	_ =	sfence  }
0xb8: {  	s30 =	sld [smem:$0x0];
	_ =	sdelay $0x2  }
0xb9: {  	s31 =	sshll.u32 s1, $0xD;
	s1 =	sshrl.u32 s1, $0x2  }
0xba: {  	s3 =	sand.u32 $0x4000, s31;
	s1 =	sadd.s32 s1, s30  }
0xbb: {  	s0 =	sor.u32 s3, s0;
	s1 =	sshll.u32 s1, $0x11  }
0xbc: {  	s0 =	sor.u32 s1, s0  }
0xbd: {  	s0 =	sadd.s32 $0x8F2B, s0  }
0xbe: {  	[sflag:s0] =	ssyncadd.remote.s32 $0x1  }
0xbf: {  	_ =	sfence.sel $0xFFFF  }
0xc0: {  	[dreg:$0x0] =	wrdreg $0xFFFFFFFF;
	(pc) =	sbr.abs _section_cstart, $3  }
0xc1: {  	[dreg:$0x1] =	wrdreg $0xFFFFFFFF  }
0xc2: {  	_ =	task.clear_ibuf [dreg:s7], $0x2FFFF;
	_ =	strace $0x9FFFFFFF  }
0xc3: {  	(tm) =	ssettm $0x7FFFFFFF  }
tec
execute0_lowered:
.L_overlay_start_1:
0x0: {  	(tag) =	ssettag $0x1  }
0x1: {  	s2 =	rddreg [dreg:$0x0]  }
0x2: {  	s0 =	rddreg [dreg:$0x1]  }
0x3: {  	s3 =	rddreg [dreg:$0x2]  }
0x4: {  	s11 =	stileid.u32;
	s1 =	srdreg.scid;
	s4 =	simm.s32 $0x0  }
0x5: {  	s28 =	simm.s32 $0x80;
	s29 =	simm.s32 $0x6A00;
	s5 =	smul.u32 $0x500, s11  }
0x6: {  	s30 =	simm.s32 $0x5;
	s31 =	simm.s32 $0x1;
	s7 =	smul.u32 $0x4E000, s11  }
0x7: {  	s9 =	sand.u32 $0x1, s1;
	[smem:$0x7FF] =	sst s4;
	s10 =	smul.u32 $0x13800, s11  }
0x8: {  	s12 =	sadd.s32 $0x138000, s3;
	p0 =	sne.s32 s11, $0xF;
	s1 =	smul.u32 $0x27100, s9  }
0x9: {  	_ =	strace $0x80000047;
	s6 =	ssub.s32 $0x2, s9;
	v0 =	vmov s9;
	s9 =	simm.s32 $0x0  }
0xa: {  	s5 =	sadd.s32 s5, s0;
	s8 =	sshrl.u32 s6, $0x1;
	s7 =	sshrl.u32 s7, $0x2  }
0xb: {  	s26 =	sshrl.u32 s10, $0x3;
	s0 =	sadd.s32 s1, s0;
	s15 =	ssub.s32 s6, s8  }
0xc: {  	s18 =	sadd.s32 $0x600, s5;
	s6 =	sadd.s32 s10, s3;
	s7 =	sadd.s32 s7, s3  }
0xd: {  	s23 =	sadd.s32 $0x5600, s5;
	s24 =	sadd.s32 $0x5610, s5;
	[dreg:$0x4] =	wrdreg s18  }
0xe: {  	s25 =	sadd.s32 $0x5620, s5;
	s16 =	sadd.s32 $0x5630, s5;
	[dreg:$0xa] =	wrdreg s23  }
0xf: {  	s14 =	sadd.s32 $0x5670, s5;
	s1 =	simm.s32 $0x2;
	[dreg:$0xb] =	wrdreg s24  }
0x10: {  	s5 =	simm.s32 $0x8;
	s19 =	sadd.s32 $0x3400, s7;
	[dreg:$0xc] =	wrdreg s25  }
0x11: {  	s8 =	simm.s32 $0x7;
	s20 =	sadd.s32 $0x6800, s7;
	[dreg:$0x5] =	wrdreg s19  }
0x12: {  	s21 =	sadd.s32 $0x9C00, s7;
	s22 =	sadd.s32 $0xD000, s7;
	[dreg:$0x6] =	wrdreg s20  }
0x13: {  	s7 =	sadd.s32 $0x10400, s7;
	s17 =	sadd.s32 $0xA600, s0;
	[dreg:$0x7] =	wrdreg s21  }
0x14: {  	s18 =	smax.u32 s15, $0x1;
	s23 =	simm.s32 $0x2900;
	[dreg:$0x8] =	wrdreg s22  }
0x15: {  	s25 =	simm.s32 $0x2980;
	s0 =	simm.s32 $0x3;
	[dreg:$0x9] =	wrdreg s7  }
0x16: {  	s20 =	simm.s32 $0x2A00;
	s21 =	simm.s32 $0x2800;
	s22 =	simm.s32 $0x2880  }
0x17: {  	v1 =	vimm.f32 $0.0e+00;
	s24 =	sadd.s32 s26, s17;
	s26 =	simm.s32 $0x4;
	s7 =	simm.s32 $0x6  }
.LBB2_1:
0x18: {  	s10 =	rddreg [dreg:$0x4]  }
0x19: {  	[tilespmem:s4], [sflag:$0x3] =	stream.linear.gather [hbm4b:s10+s4], $0x2800, $0x38;
	[tilespmem:$0x1E2C0] =	vst v63  }
0x1a: {  	s11 =	simm.s32 $0x200;
	s10 =	simm.s32 $0x0  }
.LBB2_2:
0x1b: {  	p1 =	sne.s32 s11, $0xCE00;
	[tilespmem:s10+$0x2A70] =	vst v1  }
0x1c: {  	[tilespmem:s10+$0x2A00] =	vst v1  }
0x1d: {  	[tilespmem:s10+$0x2A10] =	vst v1  }
.Ltmp0:
0x1e: {  	[tilespmem:s10+$0x2A20] =	vst v1;
	(pc) =	sbr.rel @p1 .LBB2_2-.Ltmp0, $4  }
0x1f: {  	[tilespmem:s10+$0x2A30] =	vst v1  }
0x20: {  	[tilespmem:s10+$0x2A40] =	vst v1  }
0x21: {  	[tilespmem:s10+$0x2A50] =	vst v1  }
0x22: {  	[tilespmem:s10+$0x2A60] =	vst v1;
	s10 =	sshra.s32 s11, $0x2;
	s11 =	sadd.s32 $0x200, s11  }
0x23: {  	[tilespmem:s10+$0x2A70] =	vst v1  }
0x24: {  	[tilespmem:s10+$0x2A00] =	vst v1  }
0x25: {  	[tilespmem:s10+$0x2A10] =	vst v1  }
0x26: {  	[tilespmem:s10+$0x2A20] =	vst v1  }
0x27: {  	[tilespmem:s10+$0x2A30] =	vst v1  }
0x28: {  	[tilespmem:s10+$0x2A40] =	vst v1  }
0x29: {  	[tilespmem:s10+$0x2A50] =	vst v1  }
0x2a: {  	[tilespmem:s10+$0x2A60] =	vst v1  }
0x2b: {  	[spmem:s6] =	stream.linear.scatter [tilespmem:s20], [sflag:$0x1], $0x3400, $0x38;
	[tilespmem:$0x1E2C0] =	vst v63  }
0x2c: {  	s11 =	rddreg [dreg:$0x5]  }
0x2d: {  	[spmem:s11] =	stream.linear.scatter [tilespmem:s20], [sflag:$0x1], $0x3400, $0x38;
	[tilespmem:$0x1E2C0] =	vst v63  }
0x2e: {  	s13 =	rddreg [dreg:$0x6]  }
0x2f: {  	[spmem:s13] =	stream.linear.scatter [tilespmem:s20], [sflag:$0x1], $0x3400, $0x38;
	[tilespmem:$0x1E2C0] =	vst v63  }
0x30: {  	s15 =	rddreg [dreg:$0x7]  }
0x31: {  	[spmem:s15] =	stream.linear.scatter [tilespmem:s20], [sflag:$0x1], $0x3400, $0x38;
	[tilespmem:$0x1E2C0] =	vst v63  }
0x32: {  	s19 =	rddreg [dreg:$0x8]  }
0x33: {  	[spmem:s19] =	stream.linear.scatter [tilespmem:s20], [sflag:$0x1], $0x3400, $0x38;
	[tilespmem:$0x1E2C0] =	vst v63  }
0x34: {  	s11 =	rddreg [dreg:$0x9]  }
0x35: {  	[spmem:s11] =	stream.linear.scatter [tilespmem:s20], [sflag:$0x1], $0x3400, $0x38;
	[tilespmem:$0x1E2C0] =	vst v63  }
0x36: {  	s10 =	simm.s32 @!p0 $0x2A00  }
0x37: {  	[spmem:s12] =	stream.linear.scatter @!p0 [tilespmem:s10], [sflag:$0x1], $0x800, $0x38;
	[tilespmem:$0x1E2C0] =	vst v63  }
0x38: {  	s13 =	rddreg [dreg:$0xa]  }
0x39: {  	[tilespmem:s21], [sflag:$0x4] =	stream.linear.gather [hbm4b:s13+s4], $0x80, $0x38;
	[tilespmem:$0x1E2C0] =	vst v63  }
0x3a: {  	s15 =	rddreg [dreg:$0xb]  }
0x3b: {  	[tilespmem:s22], [sflag:$0x5] =	stream.linear.gather [hbm4b:s15+s4], $0x80, $0x38;
	[tilespmem:$0x1E2C0] =	vst v63  }
0x3c: {  	s19 =	rddreg [dreg:$0xc]  }
0x3d: {  	[tilespmem:s23], [sflag:$0x6] =	stream.linear.gather [hbm4b:s19+s4], $0x80, $0x38;
	[tilespmem:$0x1E2C0] =	vst v63  }
0x3e: {  	_ = 	snop  }
0x3f: {  	[tilespmem:s25], [sflag:$0x7] =	stream.linear.gather [hbm4b:s16+s4], $0x80, $0x38;
	[tilespmem:$0x1E2C0] =	vst v63  }
0x40: {  	_ =	swait.ge [sflag:s26], $0x80  }
0x41: {  	[sflag:s26] =	ssyncset.done $0x0  }
0x42: {  	[sflag:s26] =	ssyncadd.s32 $0xFFFFFF80  }
0x43: {  	v2 =	vld [tilespmem:$0x2800]  }
0x44: {  	v3 =	vld [tilespmem:$0x2810]  }
0x45: {  	v4 =	vld [tilespmem:$0x2820]  }
0x46: {  	v5 =	vld [tilespmem:$0x2830]  }
0x47: {  	v6 =	vld [tilespmem:$0x2840]  }
0x48: {  	v7 =	vld [tilespmem:$0x2850];
	v2 =	vshll.u32 v2, $0x1  }
0x49: {  	v8 =	vld [tilespmem:$0x2860];
	v3 =	vshll.u32 v3, $0x1;
	v2 =	vor.u32 v0, v2  }
0x4a: {  	[tilespmem:$0x2800] =	vst v2;
	v2 =	vor.u32 v0, v3;
	v3 =	vshll.u32 v4, $0x1;
	v4 =	vld [tilespmem:$0x2870]  }
0x4b: {  	[tilespmem:$0x2810] =	vst v2;
	v2 =	vor.u32 v0, v3;
	v3 =	vshll.u32 v5, $0x1  }
0x4c: {  	[tilespmem:$0x2820] =	vst v2;
	v2 =	vor.u32 v0, v3;
	v3 =	vshll.u32 v6, $0x1  }
0x4d: {  	[tilespmem:$0x2830] =	vst v2;
	v2 =	vor.u32 v0, v3;
	v3 =	vshll.u32 v7, $0x1  }
0x4e: {  	[tilespmem:$0x2840] =	vst v2;
	v2 =	vor.u32 v0, v3;
	v3 =	vshll.u32 v8, $0x1  }
0x4f: {  	[tilespmem:$0x2850] =	vst v2;
	v2 =	vor.u32 v0, v3;
	v3 =	vshll.u32 v4, $0x1  }
0x50: {  	[tilespmem:$0x2860] =	vst v2;
	v2 =	vor.u32 v0, v3  }
0x51: {  	[tilespmem:$0x2870] =	vst v2  }
0x52: {  	[tilespmem:s29], [sflag:$0x2] =	stream.indirect.gather [hbm4b:s2+s28], $0x80, s21, s28, $0xb8;
	[tilespmem:$0x1E2C0] =	vst v63  }
0x53: {  	_ =	swait.ge [sflag:s30], $0x80  }
0x54: {  	[sflag:s30] =	ssyncset.done $0x0  }
0x55: {  	[sflag:s30] =	ssyncadd.s32 $0xFFFFFF80  }
0x56: {  	v2 =	vld [tilespmem:$0x2880]  }
0x57: {  	v3 =	vld [tilespmem:$0x2890]  }
0x58: {  	v4 =	vld [tilespmem:$0x28A0]  }
0x59: {  	v5 =	vld [tilespmem:$0x28B0]  }
0x5a: {  	v6 =	vld [tilespmem:$0x28C0]  }
0x5b: {  	v7 =	vld [tilespmem:$0x28D0];
	v2 =	vshll.u32 v2, $0x1  }
0x5c: {  	v8 =	vld [tilespmem:$0x28E0];
	v3 =	vshll.u32 v3, $0x1;
	v2 =	vor.u32 v0, v2  }
0x5d: {  	[tilespmem:$0x2880] =	vst v2;
	v2 =	vor.u32 v0, v3;
	v3 =	vshll.u32 v4, $0x1;
	v4 =	vld [tilespmem:$0x28F0]  }
0x5e: {  	[tilespmem:$0x2890] =	vst v2;
	v2 =	vor.u32 v0, v3;
	v3 =	vshll.u32 v5, $0x1  }
0x5f: {  	[tilespmem:$0x28A0] =	vst v2;
	v2 =	vor.u32 v0, v3;
	v3 =	vshll.u32 v6, $0x1  }
0x60: {  	[tilespmem:$0x28B0] =	vst v2;
	v2 =	vor.u32 v0, v3;
	v3 =	vshll.u32 v7, $0x1  }
0x61: {  	[tilespmem:$0x28C0] =	vst v2;
	v2 =	vor.u32 v0, v3;
	v3 =	vshll.u32 v8, $0x1  }
0x62: {  	[tilespmem:$0x28D0] =	vst v2;
	v2 =	vor.u32 v0, v3;
	v3 =	vshll.u32 v4, $0x1  }
0x63: {  	[tilespmem:$0x28E0] =	vst v2;
	v2 =	vor.u32 v0, v3  }
0x64: {  	[tilespmem:$0x28F0] =	vst v2  }
0x65: {  	_ =	swait.ge [sflag:s31], $0x3400  }
0x66: {  	[sflag:s31] =	ssyncset.done $0x0  }
0x67: {  	[sflag:s31] =	ssyncadd.s32 $0xFFFFCC00  }
0x68: {  	_ =	swait.ge [sflag:s31], $0x3400  }
0x69: {  	[sflag:s31] =	ssyncset.done $0x0  }
0x6a: {  	[sflag:s31] =	ssyncadd.s32 $0xFFFFCC00  }
0x6b: {  	_ =	swait.ge [sflag:s31], $0x3400  }
0x6c: {  	[sflag:s31] =	ssyncset.done $0x0  }
0x6d: {  	[sflag:s31] =	ssyncadd.s32 $0xFFFFCC00  }
0x6e: {  	_ =	swait.ge [sflag:s31], $0x3400  }
0x6f: {  	[sflag:s31] =	ssyncset.done $0x0  }
0x70: {  	[sflag:s31] =	ssyncadd.s32 $0xFFFFCC00  }
0x71: {  	_ =	swait.ge [sflag:s31], $0x3400  }
0x72: {  	[sflag:s31] =	ssyncset.done $0x0  }
0x73: {  	[sflag:s31] =	ssyncadd.s32 $0xFFFFCC00  }
0x74: {  	_ =	swait.ge [sflag:s31], $0x3400  }
0x75: {  	[sflag:s31] =	ssyncset.done $0x0  }
0x76: {  	s10 =	simm.s32 @!p0 $0x1;
	[sflag:s31] =	ssyncadd.s32 $0xFFFFCC00  }
0x77: {  	_ =	swait.ge @!p0 [sflag:s10], $0x800  }
0x78: {  	[sflag:s10] =	ssyncset.done @!p0 $0x0  }
0x79: {  	[sflag:s10] =	ssyncadd.s32 @!p0 $0xFFFFF800  }
0x7a: {  	_ =	swait.ge [sflag:s0], $0x2800  }
0x7b: {  	[sflag:s0] =	ssyncset.done $0x0  }
0x7c: {  	[sflag:s0] =	ssyncadd.s32 $0xFFFFD800  }
0x7d: {  	[bflag:$0x0] =	sbarrier.arrive $0xFFFF  }
0x7e: {  	[tilespmem:s20], [sflag:$0x1] =	stream.indirect.gather [hbm4b:s2+s28], $0x80, s22, s28, $0xb8;
	[tilespmem:$0x1E2C0] =	vst v63  }
0x7f: {  	_ =	swait.ge [sflag:s1], $0x4000  }
0x80: {  	[sflag:s1] =	ssyncset.done $0x0  }
0x81: {  	s11 =	sadd.s32 $0xFFFFFFD0, s14;
	[sflag:s1] =	ssyncadd.s32 $0xFFFFC000  }
0x82: {  	[tilespmem:s21], [sflag:$0x4] =	stream.linear.gather [hbm4b:s11+s4], $0x80, $0x38;
	[tilespmem:$0x1E2C0] =	vst v63  }
0x83: {  	s10 =	simm.s32 $0x0  }
0x84: {  	[spmem:s3] =	stream.indirect.scatter.add.f32 [tilespmem:s29], [sflag:$0x8], $0x80, s10, s28, $0xb8;
	[tilespmem:$0x1E2C0] =	vst v63  }
0x85: {  	_ =	swait.ge [sflag:s5], $0x4000  }
0x86: {  	[sflag:s5] =	ssyncset.done $0x0  }
0x87: {  	[sflag:s5] =	ssyncadd.s32 $0xFFFFC000  }
0x88: {  	_ =	swait.ge [sflag:s7], $0x80  }
0x89: {  	[sflag:s7] =	ssyncset.done $0x0  }
0x8a: {  	[sflag:s7] =	ssyncadd.s32 $0xFFFFFF80  }
0x8b: {  	v2 =	vld [tilespmem:$0x2970]  }
0x8c: {  	v3 =	vld [tilespmem:$0x2960]  }
0x8d: {  	v4 =	vld [tilespmem:$0x2950]  }
0x8e: {  	v5 =	vld [tilespmem:$0x2930]  }
0x8f: {  	v6 =	vld [tilespmem:$0x2910]  }
0x90: {  	v7 =	vld [tilespmem:$0x2900];
	v2 =	vshll.u32 v2, $0x1  }
0x91: {  	v8 =	vld [tilespmem:$0x2920];
	v3 =	vshll.u32 v3, $0x1;
	v2 =	vor.u32 v0, v2  }
0x92: {  	v9 =	vld [tilespmem:$0x2940];
	v4 =	vshll.u32 v4, $0x1;
	v3 =	vor.u32 v0, v3;
	[tilespmem:$0x2970] =	vst v2  }
0x93: {  	v4 =	vor.u32 v0, v4;
	v2 =	vshll.u32 v5, $0x1;
	[tilespmem:$0x2960] =	vst v3  }
0x94: {  	[tilespmem:$0x2950] =	vst v4;
	v3 =	vshll.u32 v6, $0x1;
	v2 =	vor.u32 v0, v2  }
0x95: {  	v3 =	vor.u32 v0, v3;
	[tilespmem:$0x2930] =	vst v2;
	v2 =	vshll.u32 v7, $0x1  }
0x96: {  	[tilespmem:$0x2910] =	vst v3;
	v3 =	vshll.u32 v8, $0x1;
	v2 =	vor.u32 v0, v2  }
0x97: {  	v4 =	vshll.u32 v9, $0x1;
	[tilespmem:$0x2900] =	vst v2;
	v2 =	vor.u32 v0, v3  }
0x98: {  	v3 =	vor.u32 v0, v4;
	[tilespmem:$0x2920] =	vst v2  }
0x99: {  	[tilespmem:$0x2940] =	vst v3  }
0x9a: {  	[tilespmem:s29], [sflag:$0x2] =	stream.indirect.gather [hbm4b:s2+s28], $0x80, s23, s28, $0xb8;
	[tilespmem:$0x1E2C0] =	vst v63  }
0x9b: {  	_ =	swait.ge [sflag:s31], $0x4000  }
0x9c: {  	[sflag:s31] =	ssyncset.done $0x0  }
0x9d: {  	s11 =	sadd.s32 $0xFFFFFFE0, s14;
	[sflag:s31] =	ssyncadd.s32 $0xFFFFC000  }
0x9e: {  	[tilespmem:s22], [sflag:$0x5] =	stream.linear.gather [hbm4b:s11+s4], $0x80, $0x38;
	[tilespmem:$0x1E2C0] =	vst v63  }
0x9f: {  	s13 =	simm.s32 $0x80  }
0xa0: {  	[spmem:s3] =	stream.indirect.scatter.add.f32 [tilespmem:s20], [sflag:$0x8], $0x80, s13, s28, $0xb8;
	[tilespmem:$0x1E2C0] =	vst v63  }
0xa1: {  	_ =	swait.ge [sflag:s5], $0x4000  }
0xa2: {  	[sflag:s5] =	ssyncset.done $0x0  }
0xa3: {  	[sflag:s5] =	ssyncadd.s32 $0xFFFFC000  }
0xa4: {  	_ =	swait.ge [sflag:s8], $0x80  }
0xa5: {  	[sflag:s8] =	ssyncset.done $0x0  }
0xa6: {  	[sflag:s8] =	ssyncadd.s32 $0xFFFFFF80  }
0xa7: {  	v2 =	vld [tilespmem:$0x29E0]  }
0xa8: {  	v3 =	vld [tilespmem:$0x2990]  }
0xa9: {  	v4 =	vld [tilespmem:$0x29A0]  }
0xaa: {  	v5 =	vld [tilespmem:$0x2980]  }
0xab: {  	v6 =	vld [tilespmem:$0x29B0]  }
0xac: {  	v7 =	vld [tilespmem:$0x29D0];
	v2 =	vshll.u32 v2, $0x1  }
0xad: {  	v8 =	vld [tilespmem:$0x29F0];
	v3 =	vshll.u32 v3, $0x1;
	v2 =	vor.u32 v0, v2  }
0xae: {  	v63 =	vld [tilespmem:$0x29C0];
	v4 =	vshll.u32 v4, $0x1;
	v3 =	vor.u32 v0, v3;
	[tilespmem:$0x29E0] =	vst v2  }
0xaf: {  	v2 =	vshll.u32 v5, $0x1;
	[tilespmem:$0x2990] =	vst v3;
	v3 =	vor.u32 v0, v4  }
0xb0: {  	v2 =	vor.u32 v0, v2;
	[tilespmem:$0x29A0] =	vst v3;
	v3 =	vshll.u32 v6, $0x1  }
0xb1: {  	[tilespmem:$0x2980] =	vst v2;
	v2 =	vor.u32 v0, v3;
	v3 =	vshll.u32 v7, $0x1  }
0xb2: {  	[tilespmem:$0x29B0] =	vst v2;
	v2 =	vor.u32 v0, v3;
	v3 =	vshll.u32 v8, $0x1  }
0xb3: {  	v4 =	vshll.u32 v63, $0x1;
	[tilespmem:$0x29D0] =	vst v2;
	v2 =	vor.u32 v0, v3  }
0xb4: {  	v3 =	vor.u32 v0, v4;
	[tilespmem:$0x29F0] =	vst v2  }
0xb5: {  	[tilespmem:$0x29C0] =	vst v3  }
0xb6: {  	[tilespmem:s20], [sflag:$0x1] =	stream.indirect.gather [hbm4b:s2+s28], $0x80, s25, s28, $0xb8;
	[tilespmem:$0x1E2C0] =	vst v63  }
0xb7: {  	_ =	swait.ge [sflag:s1], $0x4000  }
0xb8: {  	[sflag:s1] =	ssyncset.done $0x0  }
0xb9: {  	s15 =	sadd.s32 $0xFFFFFFF0, s14;
	[sflag:s1] =	ssyncadd.s32 $0xFFFFC000  }
0xba: {  	[tilespmem:s23], [sflag:$0x6] =	stream.linear.gather [hbm4b:s15+s4], $0x80, $0x38;
	[tilespmem:$0x1E2C0] =	vst v63  }
0xbb: {  	s19 =	simm.s32 $0x100  }
0xbc: {  	[spmem:s3] =	stream.indirect.scatter.add.f32 [tilespmem:s29], [sflag:$0x8], $0x80, s19, s28, $0xb8;
	[tilespmem:$0x1E2C0] =	vst v63  }
0xbd: {  	_ =	swait.ge [sflag:s5], $0x4000  }
0xbe: {  	[sflag:s5] =	ssyncset.done $0x0  }
0xbf: {  	[sflag:s5] =	ssyncadd.s32 $0xFFFFC000  }
0xc0: {  	_ =	swait.ge [sflag:s26], $0x80  }
0xc1: {  	[sflag:s26] =	ssyncset.done $0x0  }
0xc2: {  	[sflag:s26] =	ssyncadd.s32 $0xFFFFFF80  }
0xc3: {  	v4 =	vld [tilespmem:$0x2860]  }
0xc4: {  	v7 =	vld [tilespmem:$0x2870]  }
0xc5: {  	v3 =	vld [tilespmem:$0x2840]  }
0xc6: {  	v2 =	vld [tilespmem:$0x2830]  }
0xc7: {  	v5 =	vld [tilespmem:$0x2820]  }
0xc8: {  	s11 =	smov.u32 s14;
	s13 =	simm.s32 $0x800;
	s19 =	smov.u32 s14;
	v6 =	vld [tilespmem:$0x2850]  }
.LBB2_4:
0xc9: {  	p1 =	sne.s32 s13, $0x9000  }
0xca: {  	v8 =	vld [tilespmem:$0x2800];
	v7 =	vshll.u32 v7, $0x1;
	s11 =	sadd.s32 $0x40, s11;
	s15 =	smov.u32 s13;
	s13 =	sadd.s32 $0x800, s13  }
0xcb: {  	v9 =	vld [tilespmem:$0x2810];
	v7 =	vor.u32 v0, v7  }
0xcc: {  	[tilespmem:$0x2870] =	vst v7  }
0xcd: {  	v4 =	vshll.u32 v4, $0x1;
	v3 =	vshll.u32 v3, $0x1;
	v5 =	vshll.u32 v5, $0x1  }
0xce: {  	v4 =	vor.u32 v0, v4;
	v2 =	vshll.u32 v2, $0x1;
	v6 =	vshll.u32 v6, $0x1  }
0xcf: {  	v2 =	vor.u32 v0, v2;
	v7 =	vshll.u32 v8, $0x1;
	v6 =	vor.u32 v0, v6;
	[tilespmem:$0x2860] =	vst v4  }
0xd0: {  	v3 =	vor.u32 v0, v3;
	v5 =	vor.u32 v0, v5;
	v4 =	vor.u32 v0, v7;
	[tilespmem:$0x2850] =	vst v6  }
0xd1: {  	v6 =	vshll.u32 v9, $0x1;
	[tilespmem:$0x2820] =	vst v5  }
0xd2: {  	[tilespmem:$0x2800] =	vst v4;
	v4 =	vor.u32 v0, v6  }
0xd3: {  	[tilespmem:$0x2840] =	vst v3  }
0xd4: {  	[tilespmem:$0x2830] =	vst v2  }
0xd5: {  	[tilespmem:$0x2810] =	vst v4  }
0xd6: {  	[tilespmem:s29], [sflag:$0x2] =	stream.indirect.gather [hbm4b:s2+s28], $0x80, s21, s28, $0xb8;
	[tilespmem:$0x1E2C0] =	vst v63  }
0xd7: {  	_ =	swait.ge [sflag:s31], $0x4000  }
0xd8: {  	[sflag:s31] =	ssyncset.done $0x0  }
0xd9: {  	[sflag:s31] =	ssyncadd.s32 $0xFFFFC000  }
0xda: {  	[tilespmem:s25], [sflag:$0x7] =	stream.linear.gather [hbm4b:s19+s4], $0x80, $0x38;
	[tilespmem:$0x1E2C0] =	vst v63  }
0xdb: {  	s10 =	sadd.s32 $0x180, s10;
	s19 =	smov.u32 s11  }
0xdc: {  	[spmem:s3] =	stream.indirect.scatter.add.f32 [tilespmem:s20], [sflag:$0x8], $0x80, s10, s28, $0xb8;
	[tilespmem:$0x1E2C0] =	vst v63  }
0xdd: {  	_ =	swait.ge [sflag:s5], $0x4000  }
0xde: {  	[sflag:s5] =	ssyncset.done $0x0  }
0xdf: {  	[sflag:s5] =	ssyncadd.s32 $0xFFFFC000  }
0xe0: {  	_ =	swait.ge [sflag:s30], $0x80  }
0xe1: {  	[sflag:s30] =	ssyncset.done $0x0  }
0xe2: {  	[sflag:s30] =	ssyncadd.s32 $0xFFFFFF80  }
0xe3: {  	v2 =	vld [tilespmem:$0x2880]  }
0xe4: {  	v3 =	vld [tilespmem:$0x2890]  }
0xe5: {  	v4 =	vld [tilespmem:$0x28A0]  }
0xe6: {  	v5 =	vld [tilespmem:$0x28B0]  }
0xe7: {  	v6 =	vld [tilespmem:$0x28C0]  }
0xe8: {  	v2 =	vshll.u32 v2, $0x1;
	v7 =	vld [tilespmem:$0x28D0]  }
0xe9: {  	v2 =	vor.u32 v0, v2;
	v3 =	vshll.u32 v3, $0x1;
	v8 =	vld [tilespmem:$0x28E0]  }
0xea: {  	[tilespmem:$0x2880] =	vst v2;
	v2 =	vor.u32 v0, v3;
	v3 =	vshll.u32 v4, $0x1;
	v4 =	vld [tilespmem:$0x28F0]  }
0xeb: {  	[tilespmem:$0x2890] =	vst v2;
	v2 =	vor.u32 v0, v3;
	v3 =	vshll.u32 v5, $0x1  }
0xec: {  	[tilespmem:$0x28A0] =	vst v2;
	v2 =	vor.u32 v0, v3;
	v3 =	vshll.u32 v6, $0x1  }
0xed: {  	[tilespmem:$0x28B0] =	vst v2;
	v2 =	vor.u32 v0, v3;
	v3 =	vshll.u32 v7, $0x1  }
0xee: {  	[tilespmem:$0x28C0] =	vst v2;
	v2 =	vor.u32 v0, v3;
	v3 =	vshll.u32 v8, $0x1  }
0xef: {  	[tilespmem:$0x28D0] =	vst v2;
	v2 =	vor.u32 v0, v3;
	v3 =	vshll.u32 v4, $0x1  }
0xf0: {  	[tilespmem:$0x28E0] =	vst v2;
	v2 =	vor.u32 v0, v3  }
0xf1: {  	[tilespmem:$0x28F0] =	vst v2  }
0xf2: {  	[tilespmem:s20], [sflag:$0x1] =	stream.indirect.gather [hbm4b:s2+s28], $0x80, s22, s28, $0xb8;
	[tilespmem:$0x1E2C0] =	vst v63  }
0xf3: {  	_ =	swait.ge [sflag:s1], $0x4000  }
0xf4: {  	[sflag:s1] =	ssyncset.done $0x0  }
0xf5: {  	s10 =	sadd.s32 $0xFFFFFFD0, s11;
	[sflag:s1] =	ssyncadd.s32 $0xFFFFC000  }
0xf6: {  	[tilespmem:s21], [sflag:$0x4] =	stream.linear.gather [hbm4b:s10+s4], $0x80, $0x38;
	[tilespmem:$0x1E2C0] =	vst v63  }
0xf7: {  	s10 =	sshra.s32 s15, $0x2  }
0xf8: {  	[spmem:s3] =	stream.indirect.scatter.add.f32 [tilespmem:s29], [sflag:$0x8], $0x80, s10, s28, $0xb8;
	[tilespmem:$0x1E2C0] =	vst v63  }
0xf9: {  	_ =	swait.ge [sflag:s5], $0x4000  }
0xfa: {  	[sflag:s5] =	ssyncset.done $0x0  }
0xfb: {  	[sflag:s5] =	ssyncadd.s32 $0xFFFFC000  }
0xfc: {  	_ =	swait.ge [sflag:s7], $0x80  }
0xfd: {  	[sflag:s7] =	ssyncset.done $0x0  }
0xfe: {  	[sflag:s7] =	ssyncadd.s32 $0xFFFFFF80  }
0xff: {  	v2 =	vld [tilespmem:$0x2970]  }
0x100: {  	v3 =	vld [tilespmem:$0x2960]  }
0x101: {  	v4 =	vld [tilespmem:$0x2950]  }
0x102: {  	v5 =	vld [tilespmem:$0x2930]  }
0x103: {  	v6 =	vld [tilespmem:$0x2940]  }
0x104: {  	v7 =	vld [tilespmem:$0x2910];
	v2 =	vshll.u32 v2, $0x1  }
0x105: {  	v8 =	vld [tilespmem:$0x2900];
	v3 =	vshll.u32 v3, $0x1;
	v2 =	vor.u32 v0, v2  }
0x106: {  	v9 =	vld [tilespmem:$0x2920];
	v4 =	vshll.u32 v4, $0x1;
	v3 =	vor.u32 v0, v3;
	[tilespmem:$0x2970] =	vst v2  }
0x107: {  	v2 =	vshll.u32 v5, $0x1;
	v4 =	vor.u32 v0, v4;
	[tilespmem:$0x2960] =	vst v3  }
0x108: {  	v2 =	vor.u32 v0, v2;
	[tilespmem:$0x2950] =	vst v4  }
0x109: {  	v3 =	vshll.u32 v7, $0x1;
	[tilespmem:$0x2930] =	vst v2  }
0x10a: {  	v4 =	vshll.u32 v6, $0x1;
	v2 =	vshll.u32 v8, $0x1;
	v3 =	vor.u32 v0, v3  }
0x10b: {  	v4 =	vor.u32 v0, v4;
	v2 =	vor.u32 v0, v2;
	[tilespmem:$0x2910] =	vst v3;
	v3 =	vshll.u32 v9, $0x1  }
0x10c: {  	[tilespmem:$0x2900] =	vst v2;
	v2 =	vor.u32 v0, v3  }
0x10d: {  	[tilespmem:$0x2920] =	vst v2  }
0x10e: {  	[tilespmem:$0x2940] =	vst v4  }
0x10f: {  	[tilespmem:s29], [sflag:$0x2] =	stream.indirect.gather [hbm4b:s2+s28], $0x80, s23, s28, $0xb8;
	[tilespmem:$0x1E2C0] =	vst v63  }
0x110: {  	_ =	swait.ge [sflag:s31], $0x4000  }
0x111: {  	[sflag:s31] =	ssyncset.done $0x0  }
0x112: {  	s15 =	sadd.s32 $0xFFFFFFE0, s11;
	[sflag:s31] =	ssyncadd.s32 $0xFFFFC000  }
0x113: {  	[tilespmem:s22], [sflag:$0x5] =	stream.linear.gather [hbm4b:s15+s4], $0x80, $0x38;
	[tilespmem:$0x1E2C0] =	vst v63  }
0x114: {  	s15 =	sadd.s32 $0x80, s10  }
0x115: {  	[spmem:s3] =	stream.indirect.scatter.add.f32 [tilespmem:s20], [sflag:$0x8], $0x80, s15, s28, $0xb8;
	[tilespmem:$0x1E2C0] =	vst v63  }
0x116: {  	_ =	swait.ge [sflag:s5], $0x4000  }
0x117: {  	[sflag:s5] =	ssyncset.done $0x0  }
0x118: {  	[sflag:s5] =	ssyncadd.s32 $0xFFFFC000  }
0x119: {  	_ =	swait.ge [sflag:s8], $0x80  }
0x11a: {  	[sflag:s8] =	ssyncset.done $0x0  }
0x11b: {  	[sflag:s8] =	ssyncadd.s32 $0xFFFFFF80  }
0x11c: {  	v2 =	vld [tilespmem:$0x29E0]  }
0x11d: {  	v3 =	vld [tilespmem:$0x2990]  }
0x11e: {  	v4 =	vld [tilespmem:$0x29A0]  }
0x11f: {  	v5 =	vld [tilespmem:$0x2980]  }
0x120: {  	v6 =	vld [tilespmem:$0x29B0]  }
0x121: {  	v7 =	vld [tilespmem:$0x29D0];
	v2 =	vshll.u32 v2, $0x1  }
0x122: {  	v3 =	vshll.u32 v3, $0x1;
	v2 =	vor.u32 v0, v2;
	v8 =	vld [tilespmem:$0x29F0]  }
0x123: {  	v3 =	vor.u32 v0, v3;
	v4 =	vshll.u32 v4, $0x1;
	v9 =	vld [tilespmem:$0x29C0];
	[tilespmem:$0x29E0] =	vst v2  }
0x124: {  	v2 =	vshll.u32 v5, $0x1;
	[tilespmem:$0x2990] =	vst v3;
	v3 =	vor.u32 v0, v4  }
0x125: {  	v2 =	vor.u32 v0, v2;
	[tilespmem:$0x29A0] =	vst v3;
	v3 =	vshll.u32 v6, $0x1  }
0x126: {  	[tilespmem:$0x2980] =	vst v2;
	v2 =	vor.u32 v0, v3;
	v3 =	vshll.u32 v7, $0x1  }
0x127: {  	[tilespmem:$0x29B0] =	vst v2;
	v2 =	vor.u32 v0, v3;
	v3 =	vshll.u32 v8, $0x1  }
0x128: {  	v4 =	vshll.u32 v9, $0x1;
	[tilespmem:$0x29D0] =	vst v2;
	v2 =	vor.u32 v0, v3  }
0x129: {  	v3 =	vor.u32 v0, v4;
	[tilespmem:$0x29F0] =	vst v2  }
0x12a: {  	[tilespmem:$0x29C0] =	vst v3  }
0x12b: {  	[tilespmem:s20], [sflag:$0x1] =	stream.indirect.gather [hbm4b:s2+s28], $0x80, s25, s28, $0xb8;
	[tilespmem:$0x1E2C0] =	vst v63  }
0x12c: {  	_ =	swait.ge [sflag:s1], $0x4000  }
0x12d: {  	[sflag:s1] =	ssyncset.done $0x0  }
0x12e: {  	s15 =	sadd.s32 $0xFFFFFFF0, s11;
	[sflag:s1] =	ssyncadd.s32 $0xFFFFC000  }
0x12f: {  	[tilespmem:s23], [sflag:$0x6] =	stream.linear.gather [hbm4b:s15+s4], $0x80, $0x38;
	[tilespmem:$0x1E2C0] =	vst v63  }
0x130: {  	s15 =	sadd.s32 $0x100, s10  }
0x131: {  	[spmem:s3] =	stream.indirect.scatter.add.f32 [tilespmem:s29], [sflag:$0x8], $0x80, s15, s28, $0xb8;
	[tilespmem:$0x1E2C0] =	vst v63  }
0x132: {  	_ =	swait.ge [sflag:s5], $0x4000  }
0x133: {  	[sflag:s5] =	ssyncset.done $0x0  }
0x134: {  	[sflag:s5] =	ssyncadd.s32 $0xFFFFC000  }
0x135: {  	_ =	swait.ge [sflag:s26], $0x80  }
0x136: {  	[sflag:s26] =	ssyncset.done $0x0  }
0x137: {  	[sflag:s26] =	ssyncadd.s32 $0xFFFFFF80  }
0x138: {  	v4 =	vld [tilespmem:$0x2860]  }
.Ltmp1:
0x139: {  	v7 =	vld [tilespmem:$0x2870];
	(pc) =	sbr.rel @p1 .LBB2_4-.Ltmp1, $4  }
0x13a: {  	v3 =	vld [tilespmem:$0x2840]  }
0x13b: {  	v2 =	vld [tilespmem:$0x2830]  }
0x13c: {  	v5 =	vld [tilespmem:$0x2820]  }
0x13d: {  	v6 =	vld [tilespmem:$0x2850]  }
0x13e: {  	v7 =	vshll.u32 v7, $0x1  }
0x13f: {  	v8 =	vld [tilespmem:$0x2800];
	v4 =	vshll.u32 v4, $0x1;
	v7 =	vor.u32 v0, v7  }
0x140: {  	v9 =	vld [tilespmem:$0x2810];
	v4 =	vor.u32 v0, v4;
	v3 =	vshll.u32 v3, $0x1;
	[tilespmem:$0x2870] =	vst v7  }
0x141: {  	[tilespmem:$0x2860] =	vst v4;
	v2 =	vshll.u32 v2, $0x1;
	v3 =	vor.u32 v0, v3  }
0x142: {  	v5 =	vshll.u32 v5, $0x1;
	v2 =	vor.u32 v0, v2;
	[tilespmem:$0x2840] =	vst v3  }
0x143: {  	v6 =	vshll.u32 v6, $0x1;
	v5 =	vor.u32 v0, v5;
	[tilespmem:$0x2830] =	vst v2  }
0x144: {  	v6 =	vor.u32 v0, v6;
	v44 =	vshll.u32 v8, $0x1;
	[tilespmem:$0x2820] =	vst v5  }
0x145: {  	v45 =	vshll.u32 v9, $0x1;
	[tilespmem:$0x2850] =	vst v6;
	v4 =	vor.u32 v0, v44  }
0x146: {  	v3 =	vor.u32 v0, v45;
	[tilespmem:$0x2800] =	vst v4  }
0x147: {  	[tilespmem:$0x2810] =	vst v3  }
0x148: {  	[tilespmem:s29], [sflag:$0x2] =	stream.indirect.gather [hbm4b:s2+s28], $0x80, s21, s28, $0xb8;
	[tilespmem:$0x1E2C0] =	vst v63  }
0x149: {  	_ =	swait.ge [sflag:s31], $0x4000  }
0x14a: {  	[sflag:s31] =	ssyncset.done $0x0  }
0x14b: {  	[sflag:s31] =	ssyncadd.s32 $0xFFFFC000  }
0x14c: {  	[tilespmem:s25], [sflag:$0x7] =	stream.linear.gather [hbm4b:s19+s4], $0x80, $0x38;
	[tilespmem:$0x1E2C0] =	vst v63  }
0x14d: {  	s10 =	sadd.s32 $0x180, s10  }
0x14e: {  	[spmem:s3] =	stream.indirect.scatter.add.f32 [tilespmem:s20], [sflag:$0x8], $0x80, s10, s28, $0xb8;
	[tilespmem:$0x1E2C0] =	vst v63  }
0x14f: {  	_ =	swait.ge [sflag:s5], $0x4000  }
0x150: {  	[sflag:s5] =	ssyncset.done $0x0  }
0x151: {  	[sflag:s5] =	ssyncadd.s32 $0xFFFFC000  }
0x152: {  	_ =	swait.ge [sflag:s30], $0x80  }
0x153: {  	[sflag:s30] =	ssyncset.done $0x0  }
0x154: {  	[sflag:s30] =	ssyncadd.s32 $0xFFFFFF80  }
0x155: {  	v2 =	vld [tilespmem:$0x2880]  }
0x156: {  	v3 =	vld [tilespmem:$0x2890]  }
0x157: {  	v46 =	vld [tilespmem:$0x28A0]  }
0x158: {  	v47 =	vld [tilespmem:$0x28B0]  }
0x159: {  	v48 =	vld [tilespmem:$0x28C0]  }
0x15a: {  	v49 =	vld [tilespmem:$0x28D0];
	v2 =	vshll.u32 v2, $0x1  }
0x15b: {  	v50 =	vld [tilespmem:$0x28E0];
	v3 =	vshll.u32 v3, $0x1;
	v2 =	vor.u32 v0, v2  }
0x15c: {  	v51 =	vld [tilespmem:$0x28F0];
	[tilespmem:$0x2880] =	vst v2;
	v2 =	vor.u32 v0, v3;
	v3 =	vshll.u32 v46, $0x1  }
0x15d: {  	[tilespmem:$0x2890] =	vst v2;
	v2 =	vor.u32 v0, v3;
	v3 =	vshll.u32 v47, $0x1  }
0x15e: {  	[tilespmem:$0x28A0] =	vst v2;
	v2 =	vor.u32 v0, v3;
	v3 =	vshll.u32 v48, $0x1  }
0x15f: {  	[tilespmem:$0x28B0] =	vst v2;
	v2 =	vor.u32 v0, v3;
	v3 =	vshll.u32 v49, $0x1  }
0x160: {  	[tilespmem:$0x28C0] =	vst v2;
	v2 =	vor.u32 v0, v3;
	v3 =	vshll.u32 v50, $0x1  }
0x161: {  	[tilespmem:$0x28D0] =	vst v2;
	v2 =	vor.u32 v0, v3;
	v3 =	vshll.u32 v51, $0x1  }
0x162: {  	[tilespmem:$0x28E0] =	vst v2;
	v2 =	vor.u32 v0, v3  }
0x163: {  	[tilespmem:$0x28F0] =	vst v2  }
0x164: {  	[tilespmem:s20], [sflag:$0x1] =	stream.indirect.gather [hbm4b:s2+s28], $0x80, s22, s28, $0xb8;
	[tilespmem:$0x1E2C0] =	vst v63  }
0x165: {  	_ =	swait.ge [sflag:s1], $0x4000  }
0x166: {  	[sflag:s1] =	ssyncset.done $0x0  }
0x167: {  	s19 =	simm.s32 $0x2600;
	[sflag:s1] =	ssyncadd.s32 $0xFFFFC000  }
0x168: {  	[spmem:s3] =	stream.indirect.scatter.add.f32 [tilespmem:s29], [sflag:$0x8], $0x80, s19, s28, $0xb8;
	[tilespmem:$0x1E2C0] =	vst v63  }
0x169: {  	_ =	swait.ge [sflag:s5], $0x4000  }
0x16a: {  	[sflag:s5] =	ssyncset.done $0x0  }
0x16b: {  	[sflag:s5] =	ssyncadd.s32 $0xFFFFC000  }
0x16c: {  	_ =	swait.ge [sflag:s7], $0x80  }
0x16d: {  	[sflag:s7] =	ssyncset.done $0x0  }
0x16e: {  	[sflag:s7] =	ssyncadd.s32 $0xFFFFFF80  }
0x16f: {  	v2 =	vld [tilespmem:$0x2900]  }
0x170: {  	v3 =	vld [tilespmem:$0x2910]  }
0x171: {  	v52 =	vld [tilespmem:$0x2920]  }
0x172: {  	v53 =	vld [tilespmem:$0x2930]  }
0x173: {  	v54 =	vld [tilespmem:$0x2940]  }
0x174: {  	v55 =	vld [tilespmem:$0x2950];
	v2 =	vshll.u32 v2, $0x1  }
0x175: {  	v56 =	vld [tilespmem:$0x2960];
	v3 =	vshll.u32 v3, $0x1;
	v2 =	vor.u32 v0, v2  }
0x176: {  	v57 =	vld [tilespmem:$0x2970];
	[tilespmem:$0x2900] =	vst v2;
	v2 =	vor.u32 v0, v3;
	v3 =	vshll.u32 v52, $0x1  }
0x177: {  	[tilespmem:$0x2910] =	vst v2;
	v2 =	vor.u32 v0, v3;
	v3 =	vshll.u32 v53, $0x1  }
0x178: {  	[tilespmem:$0x2920] =	vst v2;
	v2 =	vor.u32 v0, v3;
	v3 =	vshll.u32 v54, $0x1  }
0x179: {  	[tilespmem:$0x2930] =	vst v2;
	v2 =	vor.u32 v0, v3;
	v3 =	vshll.u32 v55, $0x1  }
0x17a: {  	[tilespmem:$0x2940] =	vst v2;
	v2 =	vor.u32 v0, v3;
	v3 =	vshll.u32 v56, $0x1  }
0x17b: {  	[tilespmem:$0x2950] =	vst v2;
	v2 =	vor.u32 v0, v3;
	v3 =	vshll.u32 v57, $0x1  }
0x17c: {  	[tilespmem:$0x2960] =	vst v2;
	v2 =	vor.u32 v0, v3  }
0x17d: {  	[tilespmem:$0x2970] =	vst v2  }
0x17e: {  	[tilespmem:s29], [sflag:$0x2] =	stream.indirect.gather [hbm4b:s2+s28], $0x80, s23, s28, $0xb8;
	[tilespmem:$0x1E2C0] =	vst v63  }
0x17f: {  	_ =	swait.ge [sflag:s31], $0x4000  }
0x180: {  	[sflag:s31] =	ssyncset.done $0x0  }
0x181: {  	s11 =	simm.s32 $0x2680;
	[sflag:s31] =	ssyncadd.s32 $0xFFFFC000  }
0x182: {  	[spmem:s3] =	stream.indirect.scatter.add.f32 [tilespmem:s20], [sflag:$0x8], $0x80, s11, s28, $0xb8;
	[tilespmem:$0x1E2C0] =	vst v63  }
0x183: {  	_ =	swait.ge [sflag:s5], $0x4000  }
0x184: {  	[sflag:s5] =	ssyncset.done $0x0  }
0x185: {  	[sflag:s5] =	ssyncadd.s32 $0xFFFFC000  }
0x186: {  	_ =	swait.ge [sflag:s8], $0x80  }
0x187: {  	[sflag:s8] =	ssyncset.done $0x0  }
0x188: {  	[sflag:s8] =	ssyncadd.s32 $0xFFFFFF80  }
0x189: {  	v2 =	vld [tilespmem:$0x2980]  }
0x18a: {  	v3 =	vld [tilespmem:$0x2990]  }
0x18b: {  	v58 =	vld [tilespmem:$0x29A0]  }
0x18c: {  	v59 =	vld [tilespmem:$0x29B0]  }
0x18d: {  	v60 =	vld [tilespmem:$0x29C0]  }
0x18e: {  	v61 =	vld [tilespmem:$0x29D0];
	v2 =	vshll.u32 v2, $0x1  }
0x18f: {  	v62 =	vld [tilespmem:$0x29E0];
	v3 =	vshll.u32 v3, $0x1;
	v2 =	vor.u32 v0, v2  }
0x190: {  	v63 =	vld [tilespmem:$0x29F0];
	[tilespmem:$0x2980] =	vst v2;
	v2 =	vor.u32 v0, v3;
	v3 =	vshll.u32 v58, $0x1  }
0x191: {  	[tilespmem:$0x2990] =	vst v2;
	v2 =	vor.u32 v0, v3;
	v3 =	vshll.u32 v59, $0x1  }
0x192: {  	[tilespmem:$0x29A0] =	vst v2;
	v2 =	vor.u32 v0, v3;
	v3 =	vshll.u32 v60, $0x1  }
0x193: {  	[tilespmem:$0x29B0] =	vst v2;
	v2 =	vor.u32 v0, v3;
	v3 =	vshll.u32 v61, $0x1  }
0x194: {  	[tilespmem:$0x29C0] =	vst v2;
	v2 =	vor.u32 v0, v3;
	v3 =	vshll.u32 v62, $0x1  }
0x195: {  	[tilespmem:$0x29D0] =	vst v2;
	v2 =	vor.u32 v0, v3;
	v3 =	vshll.u32 v63, $0x1  }
0x196: {  	[tilespmem:$0x29E0] =	vst v2;
	v2 =	vor.u32 v0, v3  }
0x197: {  	[tilespmem:$0x29F0] =	vst v2  }
0x198: {  	[tilespmem:s20], [sflag:$0x1] =	stream.indirect.gather [hbm4b:s2+s28], $0x80, s25, s28, $0xb8;
	[tilespmem:$0x1E2C0] =	vst v63  }
0x199: {  	_ =	swait.ge [sflag:s1], $0x4000  }
0x19a: {  	[sflag:s1] =	ssyncset.done $0x0  }
0x19b: {  	s13 =	simm.s32 $0x2700;
	[sflag:s1] =	ssyncadd.s32 $0xFFFFC000  }
0x19c: {  	[spmem:s3] =	stream.indirect.scatter.add.f32 [tilespmem:s29], [sflag:$0x8], $0x80, s13, s28, $0xb8;
	[tilespmem:$0x1E2C0] =	vst v63  }
0x19d: {  	_ =	swait.ge [sflag:s5], $0x4000  }
0x19e: {  	[sflag:s5] =	ssyncset.done $0x0  }
0x19f: {  	[sflag:s5] =	ssyncadd.s32 $0xFFFFC000  }
0x1a0: {  	_ =	swait.ge [sflag:s31], $0x4000  }
0x1a1: {  	[sflag:s31] =	ssyncset.done $0x0  }
0x1a2: {  	s15 =	simm.s32 $0x2780;
	[sflag:s31] =	ssyncadd.s32 $0xFFFFC000  }
0x1a3: {  	[spmem:s3] =	stream.indirect.scatter.add.f32 [tilespmem:s20], [sflag:$0x8], $0x80, s15, s28, $0xb8;
	[tilespmem:$0x1E2C0] =	vst v63  }
0x1a4: {  	_ =	swait.ge [sflag:s5], $0x4000  }
0x1a5: {  	s19 =	stileid.u32;
	[sflag:s5] =	ssyncset.done $0x0  }
0x1a6: {  	s10 =	sshll.u32 s19, $0x6;
	[sflag:s5] =	ssyncadd.s32 $0xFFFFC000  }
0x1a7: {  	s10 =	sor.u32 $0x1C08, s10;
	s11 =	sshrl.u32 s6, $0x3;
	[bflag:$0x0] =	sbarrier.arrive $0xFFFF  }
0x1a8: {  	[hbm:s24], [sflag:s10] =	dma.local [spmem:s11], $0x2700  }
0x1a9: {  	s9 =	sadd.s32 $0x1, s9;
	_ =	swait.ge [sflag:s5], $0x2700  }
0x1aa: {  	p1 =	sne.s32 s9, s18;
	[sflag:s5] =	ssyncset.done $0x0  }
0x1ab: {  	s13 =	sshrl.u32 @!p0 s12, $0x3;
	s11 =	sadd.s32 @!p0 $0x27000, s17;
	[sflag:s5] =	ssyncadd.s32 $0xFFFFD900  }
0x1ac: {  	[hbm:s11], [sflag:s10] =	dma.local @!p0 [spmem:s13], $0x100  }
.Ltmp2:
0x1ad: {  	_ = 	snop;
	(pc) =	sbr.rel @p1 .LBB2_1-.Ltmp2, $4  }
0x1ae: {  	s10 =	simm.s32 @!p0 $0x8  }
0x1af: {  	_ =	swait.ge @!p0 [sflag:s10], $0x100  }
0x1b0: {  	[sflag:s10] =	ssyncset.done @!p0 $0x0  }
0x1b1: {  	[sflag:s10] =	ssyncadd.s32 @!p0 $0xFFFFFF00  }
0x1b2: {  	_ =	sfence.sel $0x180000  }
0x1b3: {  	[bflag:$0x0] =	sbarrier.arrive $0xFFFF  }
0x1b4: {  	_ =	strace $0x90000047  }
0x1b5: {  	s0 =	stileid.u32;
	[bflag:$0x2] =	sbarrier.arrive $0xFFFF  }
0x1b6: {  	p0 =	sne.s32 s0, $0x0;
	s0 =	rddreg [dreg:$0x3]  }
0x1b7: {  	s0 =	sadd.s32 @!p0 $0x100000, s0  }
0x1b8: {  	[sflag:s0] =	ssyncadd.tile.s32 @!p0 $0x1;
	_ =	shalt  }
.Lfunc_end2:
_tile_overlayer_lowered:
.L_overlay_start_2:
0x1b9: {  	(tag) =	ssettag $0x2  }
0x1ba: {  	s0 =	rddreg [dreg:$0x0];
	s2 =	stileid.u32  }
0x1bb: {  	s1 =	rddreg [dreg:$0x1];
	p0 =	sne.s32 s2, $0x0  }
0x1bc: {  	s3 =	rddreg [dreg:$0x2];
	[bflag:$0x3] =	sbarrier.arrive $0xFFFF;
	s2 =	simm.s32 @!p0 $0x1C08  }
0x1bd: {  	[timem:s3], [sflag:s2] =	dma.local @!p0 [hbm:s0], s1  }
0x1be: {  	s0 =	simm.s32 @!p0 $0x8  }
0x1bf: {  	_ =	swait.ge @!p0 [sflag:s0], s1  }
0x1c0: {  	s1 =	ssub.s32 @!p0 $0x0, s1;
	[sflag:s0] =	ssyncset.done @!p0 $0x0  }
0x1c1: {  	[sflag:s0] =	ssyncadd.s32 @!p0 s1  }
0x1c2: {  	[bflag:$0x3] =	sbarrier.arrive $0xFFFF  }
0x1c3: {  	_ =	shalt  }

</sc_bundles>
